<compile_context>
chip_gen: v7x
topology: tpu7x:2x2x1
jax: 0.10.2.dev20260603
libtpu: 0.0.44.dev20260713+nightly
codegen_flags: <defaults>
</compile_context>

<pallas_src>
import jax
import jax.numpy as jnp
from jax import lax
from jax.experimental import pallas as pl
from jax.experimental.pallas import tpu as pltpu, tpu_sc as plsc

N_ROWS, N_COLS = 1024, 32768
NUM_WORKERS = 32
ROWS_PER_W = N_ROWS // NUM_WORKERS
R = 16
W = 1024
NCT = N_COLS // W
NRG = ROWS_PER_W // R
U = NRG * NCT
L = 16
IL = 8


def _sc_body(x_hbm, m_hbm, out_hbm,
             xva, xvb, mva, mvb, ova, ovb, cv,
             sxa, sxb, sma, smb, soa, sob):
    wid = lax.axis_index("s") * 2 + lax.axis_index("c")

    def bcast_last(o):
        return jnp.broadcast_to(o[L - 1], (L,))

    zeros = jnp.zeros((L,), dtype=jnp.float32)

    def coords(u):
        r0 = wid * ROWS_PER_W + (u // NCT) * R
        c0 = (u % NCT) * W
        return r0, c0

    def x_slice(u):
        r0, c0 = coords(u)
        return x_hbm.at[pl.ds(r0, R), pl.ds(c0, W)]

    def m_slice(u):
        r0, c0 = coords(u)
        return m_hbm.at[pl.ds(r0, R), pl.ds(c0, W)]

    def o_slice(u):
        r0, c0 = coords(u)
        return out_hbm.at[pl.ds(r0, R), pl.ds(c0, W)]

    bufs = ((xva, mva, ova, sxa, sma, soa),
            (xvb, mvb, ovb, sxb, smb, sob))

    pltpu.async_copy(x_slice(0), xva, sxa)
    pltpu.async_copy(m_slice(0), mva, sma)

    def pair_body(p, dummy):
        for b in range(2):
            xt, mt, ot, sx, sm, so = bufs[b]
            xn, mn, _, sxn, smn, _ = bufs[1 - b]
            u = p * 2 + b
            un = jnp.minimum(u + 1, U - 1)

            pltpu.async_copy(x_slice(un), xn, sxn)
            pltpu.async_copy(m_slice(un), mn, smn)

            pltpu.make_async_copy(x_slice(u), xt, sx).wait()
            pltpu.make_async_copy(m_slice(u), mt, sm).wait()

            @pl.when(p >= 1)
            def _wait_out():
                pltpu.make_async_copy(ot, o_slice(u - 2), so).wait()

            @pl.when(u % NCT == 0)
            def _reset():
                for r in range(R):
                    cv[r, :] = zeros

            for rb in range(0, R, IL):
                @plsc.parallel_loop(
                    0, W // L, 1, unroll=2,
                    carry=tuple(cv[rb + i, :] for i in range(IL)))
                def vec_body(v, carries):
                    new = []
                    for i in range(IL):
                        r = rb + i
                        sl = pl.ds(v * L, L)
                        xm = xt[r, sl] * mt[r, sl]
                        o = plsc.cumsum(xm) + carries[i]
                        ot[r, sl] = o
                        new.append(bcast_last(o))
                    return tuple(new)

                for i in range(IL):
                    cv[rb + i, :] = vec_body[i]

            pltpu.async_copy(ot, o_slice(u), so)
        return dummy

    lax.fori_loop(0, U // 2, pair_body, 0)

    pltpu.make_async_copy(ova, o_slice(U - 2), soa).wait()
    pltpu.make_async_copy(ovb, o_slice(U - 1), sob).wait()
    pltpu.make_async_copy(x_slice(U - 1), xva, sxa).wait()
    pltpu.make_async_copy(m_slice(U - 1), mva, sma).wait()


def kernel(x, mask):
    m = mask.astype(jnp.float32)
    mesh = plsc.VectorSubcoreMesh(core_axis_name="c", subcore_axis_name="s")
    f = pl.kernel(
        _sc_body,
        out_type=jax.ShapeDtypeStruct((N_ROWS, N_COLS), jnp.float32),
        mesh=mesh,
        compiler_params=pltpu.CompilerParams(needs_layout_passes=False),
        scratch_types=[
            pltpu.VMEM((R, W), jnp.float32),
            pltpu.VMEM((R, W), jnp.float32),
            pltpu.VMEM((R, W), jnp.float32),
            pltpu.VMEM((R, W), jnp.float32),
            pltpu.VMEM((R, W), jnp.float32),
            pltpu.VMEM((R, W), jnp.float32),
            pltpu.VMEM((R, L), jnp.float32),
            pltpu.SemaphoreType.DMA,
            pltpu.SemaphoreType.DMA,
            pltpu.SemaphoreType.DMA,
            pltpu.SemaphoreType.DMA,
            pltpu.SemaphoreType.DMA,
            pltpu.SemaphoreType.DMA,
        ],
    )
    return f(x, m)

# --- scband reference (transcript-rebuilt; emitter-appended) ---
"""Pipeline reference for scband-model-new-22943715295859 (READ-ONLY COPY).

The authoritative reference and input builder live on the scoring server;
editing this copy changes nothing except your own understanding.
"""

import jax, jax.numpy as jnp
import numpy as np


def setup_inputs(seed: int = 0) -> dict:
    key = jax.random.key(seed)
    k1, k2 = jax.random.split(key)
    x = jax.random.normal(k1, (1024, 32768), dtype=jnp.float32)
    mask = jax.random.randint(k2, (1024, 32768), 0, 2, dtype=jnp.int32).astype(jnp.bool_)
    return {"x": x, "mask": mask}


def reference(x, mask):
    # Equivalent to torch.cumsum(x * mask, dim=1)
    x_masked = x * mask.astype(x.dtype)
    return jnp.cumsum(x_masked, axis=1)

if __name__ == "__main__":
    import jax
    _d = setup_inputs()
    print(jax.jit(kernel)(*tuple(_d.values())))

</pallas_src>

<mosaic_0001>
#map = affine_map<(d0, d1) -> (0, 0)>
module attributes {stable_mosaic.version = 14 : i64} {
  func.func @_sc_body(%arg0: i32, %arg1: i32, %arg2: memref<1024x32768xf32, #tpu.memory_space<hbm>>, %arg3: memref<1024x32768xf32, #tpu.memory_space<hbm>>, %arg4: memref<1024x32768xf32, #tpu.memory_space<hbm>>, %arg5: memref<16x1024xf32, #tpu.memory_space<vmem>>, %arg6: memref<16x1024xf32, #tpu.memory_space<vmem>>, %arg7: memref<16x1024xf32, #tpu.memory_space<vmem>>, %arg8: memref<16x1024xf32, #tpu.memory_space<vmem>>, %arg9: memref<16x1024xf32, #tpu.memory_space<vmem>>, %arg10: memref<16x1024xf32, #tpu.memory_space<vmem>>, %arg11: memref<16x16xf32, #tpu.memory_space<vmem>>, %arg12: memref<!tpu.dma_semaphore, #tpu.memory_space<semaphore_mem>>, %arg13: memref<!tpu.dma_semaphore, #tpu.memory_space<semaphore_mem>>, %arg14: memref<!tpu.dma_semaphore, #tpu.memory_space<semaphore_mem>>, %arg15: memref<!tpu.dma_semaphore, #tpu.memory_space<semaphore_mem>>, %arg16: memref<!tpu.dma_semaphore, #tpu.memory_space<semaphore_mem>>, %arg17: memref<!tpu.dma_semaphore, #tpu.memory_space<semaphore_mem>>) attributes {dimension_semantics = [#tpu.dimension_semantics<core_parallel>, #tpu.dimension_semantics<subcore_parallel>], iteration_bounds = array<i64: 2, 16>, scalar_prefetch = 0 : i64, scratch_operands = 13 : i64, tpu.core_type = #tpu.core_type<sc_vector_subcore>, window_params = [{transform_indices = #map}, {transform_indices = #map}, {transform_indices = #map}]} {
    %mul3A = arith.constant 2 : i32
    %mul3A_0 = arith.muli %arg1, %mul3A : i32
    %add3A = arith.addi %mul3A_0, %arg0 : i32
    %broadcast_in_dim3A = arith.constant 0.000000e+00 : f32
    %broadcast_in_dim3A_1 = vector.broadcast %broadcast_in_dim3A : f32 to vector<16xf32>
    %mul3A_2 = arith.constant 32 : i32
    %mul3A_3 = arith.muli %add3A, %mul3A_2 : i32
    %add3A_4 = arith.constant 0 : i32
    %add3A_5 = arith.addi %mul3A_3, %add3A_4 : i32
    %dma_start3A = arith.constant 0 : i32
    %dma_start3A_6 = tpu.memref_slice %arg2[%add3A_5, %dma_start3A] : memref<1024x32768xf32, #tpu.memory_space<hbm>> -> memref<16x1024xf32, #tpu.memory_space<hbm>>
    %dma_start3A_7 = arith.constant 0 : i32
    %dma_start3A_8 = tpu.memref_slice %arg2[%add3A_5, %dma_start3A_7] : memref<1024x32768xf32, #tpu.memory_space<hbm>> -> memref<16x1024xf32, #tpu.memory_space<hbm>>
    tpu.enqueue_dma source(%dma_start3A_8 : memref<16x1024xf32, #tpu.memory_space<hbm>>) target(%arg5 : memref<16x1024xf32, #tpu.memory_space<vmem>>) target_semaphore(%arg12 : memref<!tpu.dma_semaphore, #tpu.memory_space<semaphore_mem>>)
    %mul3A_9 = arith.constant 32 : i32
    %mul3A_10 = arith.muli %add3A, %mul3A_9 : i32
    %add3A_11 = arith.constant 0 : i32
    %add3A_12 = arith.addi %mul3A_10, %add3A_11 : i32
    %dma_start3A_13 = arith.constant 0 : i32
    %dma_start3A_14 = tpu.memref_slice %arg3[%add3A_12, %dma_start3A_13] : memref<1024x32768xf32, #tpu.memory_space<hbm>> -> memref<16x1024xf32, #tpu.memory_space<hbm>>
    %dma_start3A_15 = arith.constant 0 : i32
    %dma_start3A_16 = tpu.memref_slice %arg3[%add3A_12, %dma_start3A_15] : memref<1024x32768xf32, #tpu.memory_space<hbm>> -> memref<16x1024xf32, #tpu.memory_space<hbm>>
    tpu.enqueue_dma source(%dma_start3A_16 : memref<16x1024xf32, #tpu.memory_space<hbm>>) target(%arg7 : memref<16x1024xf32, #tpu.memory_space<vmem>>) target_semaphore(%arg14 : memref<!tpu.dma_semaphore, #tpu.memory_space<semaphore_mem>>)
    %scan3A = arith.constant 0 : i32
    %scan3A_17 = arith.constant 0 : i32
    %scan3A_18 = arith.constant 32 : i32
    %scan3A_19 = arith.addi %scan3A_17, %scan3A_18 : i32
    %scan3A_20 = arith.constant 1 : i32
    scf.for %scan3A_53 = %scan3A_17 to %scan3A_19 step %scan3A_20  : i32 {
      %mul3A_54 = arith.constant 2 : i32
      %mul3A_55 = arith.muli %scan3A_53, %mul3A_54 : i32
      %add3A_56 = arith.constant 0 : i32
      %add3A_57 = arith.addi %mul3A_55, %add3A_56 : i32
      %add3A_58 = arith.constant 1 : i32
      %add3A_59 = arith.addi %add3A_57, %add3A_58 : i32
      %min3A = arith.constant 63 : i32
      %min3A_60 = arith.minsi %add3A_59, %min3A : i32
      %mul3A_61 = arith.constant 32 : i32
      %mul3A_62 = arith.muli %add3A, %mul3A_61 : i32
      %jit3A = arith.constant 32 : i32
      %div3A = arith.divsi %min3A_60, %jit3A : i32
      %sign3A = arith.constant 0 : i32
      %sign3A_63 = arith.cmpi sgt, %min3A_60, %sign3A : i32
      %sign3A_64 = arith.extui %sign3A_63 : i1 to i32
      %sign3A_65 = arith.constant 0 : i32
      %sign3A_66 = arith.cmpi slt, %min3A_60, %sign3A_65 : i32
      %sign3A_67 = arith.extui %sign3A_66 : i1 to i32
      %sign3A_68 = arith.subi %sign3A_64, %sign3A_67 : i32
      %sign3A_69 = arith.constant 0 : i32
      %sign3A_70 = arith.cmpi sgt, %jit3A, %sign3A_69 : i32
      %sign3A_71 = arith.extui %sign3A_70 : i1 to i32
      %sign3A_72 = arith.constant 0 : i32
      %sign3A_73 = arith.cmpi slt, %jit3A, %sign3A_72 : i32
      %sign3A_74 = arith.extui %sign3A_73 : i1 to i32
      %sign3A_75 = arith.subi %sign3A_71, %sign3A_74 : i32
      %ne3A = arith.cmpi ne, %sign3A_68, %sign3A_75 : i32
      %rem3A = arith.remsi %min3A_60, %jit3A : i32
      %ne3A_76 = arith.constant 0 : i32
      %ne3A_77 = arith.cmpi ne, %rem3A, %ne3A_76 : i32
      %and3A = arith.andi %ne3A, %ne3A_77 : i1
      %sub3A = arith.constant 1 : i32
      %sub3A_78 = arith.subi %div3A, %sub3A : i32
      %select_n3A = arith.select %and3A, %sub3A_78, %div3A : i32
      %mul3A_79 = arith.constant 16 : i32
      %mul3A_80 = arith.muli %select_n3A, %mul3A_79 : i32
      %add3A_81 = arith.addi %mul3A_62, %mul3A_80 : i32
      %jit3A_82 = arith.constant 32 : i32
      %eq3A = arith.constant 0 : i32
      %eq3A_83 = arith.cmpi eq, %jit3A_82, %eq3A : i32
      %jit3A_84 = arith.constant 1 : i32
      %select_n3A_85 = arith.select %eq3A_83, %jit3A_84, %jit3A_82 : i32
      %rem3A_86 = arith.remsi %min3A_60, %select_n3A_85 : i32
      %ne3A_87 = arith.constant 0 : i32
      %ne3A_88 = arith.cmpi ne, %rem3A_86, %ne3A_87 : i32
      %lt3A = arith.constant 0 : i32
      %lt3A_89 = arith.cmpi slt, %rem3A_86, %lt3A : i32
      %lt3A_90 = arith.constant 0 : i32
      %lt3A_91 = arith.cmpi slt, %select_n3A_85, %lt3A_90 : i32
      %ne3A_92 = arith.xori %lt3A_89, %lt3A_91 : i1
      %and3A_93 = arith.andi %ne3A_92, %ne3A_88 : i1
      %add3A_94 = arith.addi %rem3A_86, %select_n3A_85 : i32
      %select_n3A_95 = arith.select %and3A_93, %add3A_94, %rem3A_86 : i32
      %mul3A_96 = arith.constant 1024 : i32
      %mul3A_97 = arith.muli %select_n3A_95, %mul3A_96 : i32
      %dma_start3A_98 = tpu.memref_slice %arg2[%add3A_81, %mul3A_97] : memref<1024x32768xf32, #tpu.memory_space<hbm>> -> memref<16x1024xf32, #tpu.memory_space<hbm>>
      %dma_start3A_99 = tpu.memref_slice %arg2[%add3A_81, %mul3A_97] : memref<1024x32768xf32, #tpu.memory_space<hbm>> -> memref<16x1024xf32, #tpu.memory_space<hbm>>
      tpu.enqueue_dma source(%dma_start3A_99 : memref<16x1024xf32, #tpu.memory_space<hbm>>) target(%arg6 : memref<16x1024xf32, #tpu.memory_space<vmem>>) target_semaphore(%arg13 : memref<!tpu.dma_semaphore, #tpu.memory_space<semaphore_mem>>)
      %mul3A_100 = arith.constant 32 : i32
      %mul3A_101 = arith.muli %add3A, %mul3A_100 : i32
      %jit3A_102 = arith.constant 32 : i32
      %div3A_103 = arith.divsi %min3A_60, %jit3A_102 : i32
      %sign3A_104 = arith.constant 0 : i32
      %sign3A_105 = arith.cmpi sgt, %min3A_60, %sign3A_104 : i32
      %sign3A_106 = arith.extui %sign3A_105 : i1 to i32
      %sign3A_107 = arith.constant 0 : i32
      %sign3A_108 = arith.cmpi slt, %min3A_60, %sign3A_107 : i32
      %sign3A_109 = arith.extui %sign3A_108 : i1 to i32
      %sign3A_110 = arith.subi %sign3A_106, %sign3A_109 : i32
      %sign3A_111 = arith.constant 0 : i32
      %sign3A_112 = arith.cmpi sgt, %jit3A_102, %sign3A_111 : i32
      %sign3A_113 = arith.extui %sign3A_112 : i1 to i32
      %sign3A_114 = arith.constant 0 : i32
      %sign3A_115 = arith.cmpi slt, %jit3A_102, %sign3A_114 : i32
      %sign3A_116 = arith.extui %sign3A_115 : i1 to i32
      %sign3A_117 = arith.subi %sign3A_113, %sign3A_116 : i32
      %ne3A_118 = arith.cmpi ne, %sign3A_110, %sign3A_117 : i32
      %rem3A_119 = arith.remsi %min3A_60, %jit3A_102 : i32
      %ne3A_120 = arith.constant 0 : i32
      %ne3A_121 = arith.cmpi ne, %rem3A_119, %ne3A_120 : i32
      %and3A_122 = arith.andi %ne3A_118, %ne3A_121 : i1
      %sub3A_123 = arith.constant 1 : i32
      %sub3A_124 = arith.subi %div3A_103, %sub3A_123 : i32
      %select_n3A_125 = arith.select %and3A_122, %sub3A_124, %div3A_103 : i32
      %mul3A_126 = arith.constant 16 : i32
      %mul3A_127 = arith.muli %select_n3A_125, %mul3A_126 : i32
      %add3A_128 = arith.addi %mul3A_101, %mul3A_127 : i32
      %jit3A_129 = arith.constant 32 : i32
      %eq3A_130 = arith.constant 0 : i32
      %eq3A_131 = arith.cmpi eq, %jit3A_129, %eq3A_130 : i32
      %jit3A_132 = arith.constant 1 : i32
      %select_n3A_133 = arith.select %eq3A_131, %jit3A_132, %jit3A_129 : i32
      %rem3A_134 = arith.remsi %min3A_60, %select_n3A_133 : i32
      %ne3A_135 = arith.constant 0 : i32
      %ne3A_136 = arith.cmpi ne, %rem3A_134, %ne3A_135 : i32
      %lt3A_137 = arith.constant 0 : i32
      %lt3A_138 = arith.cmpi slt, %rem3A_134, %lt3A_137 : i32
      %lt3A_139 = arith.constant 0 : i32
      %lt3A_140 = arith.cmpi slt, %select_n3A_133, %lt3A_139 : i32
      %ne3A_141 = arith.xori %lt3A_138, %lt3A_140 : i1
      %and3A_142 = arith.andi %ne3A_141, %ne3A_136 : i1
      %add3A_143 = arith.addi %rem3A_134, %select_n3A_133 : i32
      %select_n3A_144 = arith.select %and3A_142, %add3A_143, %rem3A_134 : i32
      %mul3A_145 = arith.constant 1024 : i32
      %mul3A_146 = arith.muli %select_n3A_144, %mul3A_145 : i32
      %dma_start3A_147 = tpu.memref_slice %arg3[%add3A_128, %mul3A_146] : memref<1024x32768xf32, #tpu.memory_space<hbm>> -> memref<16x1024xf32, #tpu.memory_space<hbm>>
      %dma_start3A_148 = tpu.memref_slice %arg3[%add3A_128, %mul3A_146] : memref<1024x32768xf32, #tpu.memory_space<hbm>> -> memref<16x1024xf32, #tpu.memory_space<hbm>>
      tpu.enqueue_dma source(%dma_start3A_148 : memref<16x1024xf32, #tpu.memory_space<hbm>>) target(%arg8 : memref<16x1024xf32, #tpu.memory_space<vmem>>) target_semaphore(%arg15 : memref<!tpu.dma_semaphore, #tpu.memory_space<semaphore_mem>>)
      %mul3A_149 = arith.constant 32 : i32
      %mul3A_150 = arith.muli %add3A, %mul3A_149 : i32
      %jit3A_151 = arith.constant 32 : i32
      %div3A_152 = arith.divsi %add3A_57, %jit3A_151 : i32
      %sign3A_153 = arith.constant 0 : i32
      %sign3A_154 = arith.cmpi sgt, %add3A_57, %sign3A_153 : i32
      %sign3A_155 = arith.extui %sign3A_154 : i1 to i32
      %sign3A_156 = arith.constant 0 : i32
      %sign3A_157 = arith.cmpi slt, %add3A_57, %sign3A_156 : i32
      %sign3A_158 = arith.extui %sign3A_157 : i1 to i32
      %sign3A_159 = arith.subi %sign3A_155, %sign3A_158 : i32
      %sign3A_160 = arith.constant 0 : i32
      %sign3A_161 = arith.cmpi sgt, %jit3A_151, %sign3A_160 : i32
      %sign3A_162 = arith.extui %sign3A_161 : i1 to i32
      %sign3A_163 = arith.constant 0 : i32
      %sign3A_164 = arith.cmpi slt, %jit3A_151, %sign3A_163 : i32
      %sign3A_165 = arith.extui %sign3A_164 : i1 to i32
      %sign3A_166 = arith.subi %sign3A_162, %sign3A_165 : i32
      %ne3A_167 = arith.cmpi ne, %sign3A_159, %sign3A_166 : i32
      %rem3A_168 = arith.remsi %add3A_57, %jit3A_151 : i32
      %ne3A_169 = arith.constant 0 : i32
      %ne3A_170 = arith.cmpi ne, %rem3A_168, %ne3A_169 : i32
      %and3A_171 = arith.andi %ne3A_167, %ne3A_170 : i1
      %sub3A_172 = arith.constant 1 : i32
      %sub3A_173 = arith.subi %div3A_152, %sub3A_172 : i32
      %select_n3A_174 = arith.select %and3A_171, %sub3A_173, %div3A_152 : i32
      %mul3A_175 = arith.constant 16 : i32
      %mul3A_176 = arith.muli %select_n3A_174, %mul3A_175 : i32
      %add3A_177 = arith.addi %mul3A_150, %mul3A_176 : i32
      %jit3A_178 = arith.constant 32 : i32
      %eq3A_179 = arith.constant 0 : i32
      %eq3A_180 = arith.cmpi eq, %jit3A_178, %eq3A_179 : i32
      %jit3A_181 = arith.constant 1 : i32
      %select_n3A_182 = arith.select %eq3A_180, %jit3A_181, %jit3A_178 : i32
      %rem3A_183 = arith.remsi %add3A_57, %select_n3A_182 : i32
      %ne3A_184 = arith.constant 0 : i32
      %ne3A_185 = arith.cmpi ne, %rem3A_183, %ne3A_184 : i32
      %lt3A_186 = arith.constant 0 : i32
      %lt3A_187 = arith.cmpi slt, %rem3A_183, %lt3A_186 : i32
      %lt3A_188 = arith.constant 0 : i32
      %lt3A_189 = arith.cmpi slt, %select_n3A_182, %lt3A_188 : i32
      %ne3A_190 = arith.xori %lt3A_187, %lt3A_189 : i1
      %and3A_191 = arith.andi %ne3A_190, %ne3A_185 : i1
      %add3A_192 = arith.addi %rem3A_183, %select_n3A_182 : i32
      %select_n3A_193 = arith.select %and3A_191, %add3A_192, %rem3A_183 : i32
      %mul3A_194 = arith.constant 1024 : i32
      %mul3A_195 = arith.muli %select_n3A_193, %mul3A_194 : i32
      %dma_wait3A_196 = tpu.memref_slice %arg2[%add3A_177, %mul3A_195] : memref<1024x32768xf32, #tpu.memory_space<hbm>> -> memref<16x1024xf32, #tpu.memory_space<hbm>>
      %dma_wait3A_197 = tpu.memref_slice %arg2[%add3A_177, %mul3A_195] : memref<1024x32768xf32, #tpu.memory_space<hbm>> -> memref<16x1024xf32, #tpu.memory_space<hbm>>
      tpu.wait_dma2 semaphore(%arg12 : memref<!tpu.dma_semaphore, #tpu.memory_space<semaphore_mem>>) src(%dma_wait3A_197 : memref<16x1024xf32, #tpu.memory_space<hbm>>) dst(%arg5 : memref<16x1024xf32, #tpu.memory_space<vmem>>)
      %mul3A_198 = arith.constant 32 : i32
      %mul3A_199 = arith.muli %add3A, %mul3A_198 : i32
      %jit3A_200 = arith.constant 32 : i32
      %div3A_201 = arith.divsi %add3A_57, %jit3A_200 : i32
      %sign3A_202 = arith.constant 0 : i32
      %sign3A_203 = arith.cmpi sgt, %add3A_57, %sign3A_202 : i32
      %sign3A_204 = arith.extui %sign3A_203 : i1 to i32
      %sign3A_205 = arith.constant 0 : i32
      %sign3A_206 = arith.cmpi slt, %add3A_57, %sign3A_205 : i32
      %sign3A_207 = arith.extui %sign3A_206 : i1 to i32
      %sign3A_208 = arith.subi %sign3A_204, %sign3A_207 : i32
      %sign3A_209 = arith.constant 0 : i32
      %sign3A_210 = arith.cmpi sgt, %jit3A_200, %sign3A_209 : i32
      %sign3A_211 = arith.extui %sign3A_210 : i1 to i32
      %sign3A_212 = arith.constant 0 : i32
      %sign3A_213 = arith.cmpi slt, %jit3A_200, %sign3A_212 : i32
      %sign3A_214 = arith.extui %sign3A_213 : i1 to i32
      %sign3A_215 = arith.subi %sign3A_211, %sign3A_214 : i32
      %ne3A_216 = arith.cmpi ne, %sign3A_208, %sign3A_215 : i32
      %rem3A_217 = arith.remsi %add3A_57, %jit3A_200 : i32
      %ne3A_218 = arith.constant 0 : i32
      %ne3A_219 = arith.cmpi ne, %rem3A_217, %ne3A_218 : i32
      %and3A_220 = arith.andi %ne3A_216, %ne3A_219 : i1
      %sub3A_221 = arith.constant 1 : i32
      %sub3A_222 = arith.subi %div3A_201, %sub3A_221 : i32
      %select_n3A_223 = arith.select %and3A_220, %sub3A_222, %div3A_201 : i32
      %mul3A_224 = arith.constant 16 : i32
      %mul3A_225 = arith.muli %select_n3A_223, %mul3A_224 : i32
      %add3A_226 = arith.addi %mul3A_199, %mul3A_225 : i32
      %jit3A_227 = arith.constant 32 : i32
      %eq3A_228 = arith.constant 0 : i32
      %eq3A_229 = arith.cmpi eq, %jit3A_227, %eq3A_228 : i32
      %jit3A_230 = arith.constant 1 : i32
      %select_n3A_231 = arith.select %eq3A_229, %jit3A_230, %jit3A_227 : i32
      %rem3A_232 = arith.remsi %add3A_57, %select_n3A_231 : i32
      %ne3A_233 = arith.constant 0 : i32
      %ne3A_234 = arith.cmpi ne, %rem3A_232, %ne3A_233 : i32
      %lt3A_235 = arith.constant 0 : i32
      %lt3A_236 = arith.cmpi slt, %rem3A_232, %lt3A_235 : i32
      %lt3A_237 = arith.constant 0 : i32
      %lt3A_238 = arith.cmpi slt, %select_n3A_231, %lt3A_237 : i32
      %ne3A_239 = arith.xori %lt3A_236, %lt3A_238 : i1
      %and3A_240 = arith.andi %ne3A_239, %ne3A_234 : i1
      %add3A_241 = arith.addi %rem3A_232, %select_n3A_231 : i32
      %select_n3A_242 = arith.select %and3A_240, %add3A_241, %rem3A_232 : i32
      %mul3A_243 = arith.constant 1024 : i32
      %mul3A_244 = arith.muli %select_n3A_242, %mul3A_243 : i32
      %dma_wait3A_245 = tpu.memref_slice %arg3[%add3A_226, %mul3A_244] : memref<1024x32768xf32, #tpu.memory_space<hbm>> -> memref<16x1024xf32, #tpu.memory_space<hbm>>
      %dma_wait3A_246 = tpu.memref_slice %arg3[%add3A_226, %mul3A_244] : memref<1024x32768xf32, #tpu.memory_space<hbm>> -> memref<16x1024xf32, #tpu.memory_space<hbm>>
      tpu.wait_dma2 semaphore(%arg14 : memref<!tpu.dma_semaphore, #tpu.memory_space<semaphore_mem>>) src(%dma_wait3A_246 : memref<16x1024xf32, #tpu.memory_space<hbm>>) dst(%arg7 : memref<16x1024xf32, #tpu.memory_space<vmem>>)
      %ge3A = arith.constant 1 : i32
      %ge3A_247 = arith.cmpi sge, %scan3A_53, %ge3A : i32
      %convert_element_type3A = arith.extui %ge3A_247 : i1 to i32
      %cond3A = arith.constant 0 : i32
      %cond3A_248 = arith.cmpi ne, %convert_element_type3A, %cond3A : i32
      scf.if %cond3A_248 {
        %sub3A_867 = arith.constant 2 : i32
        %sub3A_868 = arith.subi %add3A_57, %sub3A_867 : i32
        %mul3A_869 = arith.constant 32 : i32
        %mul3A_870 = arith.muli %add3A, %mul3A_869 : i32
        %jit3A_871 = arith.constant 32 : i32
        %div3A_872 = arith.divsi %sub3A_868, %jit3A_871 : i32
        %sign3A_873 = arith.constant 0 : i32
        %sign3A_874 = arith.cmpi sgt, %sub3A_868, %sign3A_873 : i32
        %sign3A_875 = arith.extui %sign3A_874 : i1 to i32
        %sign3A_876 = arith.constant 0 : i32
        %sign3A_877 = arith.cmpi slt, %sub3A_868, %sign3A_876 : i32
        %sign3A_878 = arith.extui %sign3A_877 : i1 to i32
        %sign3A_879 = arith.subi %sign3A_875, %sign3A_878 : i32
        %sign3A_880 = arith.constant 0 : i32
        %sign3A_881 = arith.cmpi sgt, %jit3A_871, %sign3A_880 : i32
        %sign3A_882 = arith.extui %sign3A_881 : i1 to i32
        %sign3A_883 = arith.constant 0 : i32
        %sign3A_884 = arith.cmpi slt, %jit3A_871, %sign3A_883 : i32
        %sign3A_885 = arith.extui %sign3A_884 : i1 to i32
        %sign3A_886 = arith.subi %sign3A_882, %sign3A_885 : i32
        %ne3A_887 = arith.cmpi ne, %sign3A_879, %sign3A_886 : i32
        %rem3A_888 = arith.remsi %sub3A_868, %jit3A_871 : i32
        %ne3A_889 = arith.constant 0 : i32
        %ne3A_890 = arith.cmpi ne, %rem3A_888, %ne3A_889 : i32
        %and3A_891 = arith.andi %ne3A_887, %ne3A_890 : i1
        %sub3A_892 = arith.constant 1 : i32
        %sub3A_893 = arith.subi %div3A_872, %sub3A_892 : i32
        %select_n3A_894 = arith.select %and3A_891, %sub3A_893, %div3A_872 : i32
        %mul3A_895 = arith.constant 16 : i32
        %mul3A_896 = arith.muli %select_n3A_894, %mul3A_895 : i32
        %add3A_897 = arith.addi %mul3A_870, %mul3A_896 : i32
        %jit3A_898 = arith.constant 32 : i32
        %eq3A_899 = arith.constant 0 : i32
        %eq3A_900 = arith.cmpi eq, %jit3A_898, %eq3A_899 : i32
        %jit3A_901 = arith.constant 1 : i32
        %select_n3A_902 = arith.select %eq3A_900, %jit3A_901, %jit3A_898 : i32
        %rem3A_903 = arith.remsi %sub3A_868, %select_n3A_902 : i32
        %ne3A_904 = arith.constant 0 : i32
        %ne3A_905 = arith.cmpi ne, %rem3A_903, %ne3A_904 : i32
        %lt3A_906 = arith.constant 0 : i32
        %lt3A_907 = arith.cmpi slt, %rem3A_903, %lt3A_906 : i32
        %lt3A_908 = arith.constant 0 : i32
        %lt3A_909 = arith.cmpi slt, %select_n3A_902, %lt3A_908 : i32
        %ne3A_910 = arith.xori %lt3A_907, %lt3A_909 : i1
        %and3A_911 = arith.andi %ne3A_910, %ne3A_905 : i1
        %add3A_912 = arith.addi %rem3A_903, %select_n3A_902 : i32
        %select_n3A_913 = arith.select %and3A_911, %add3A_912, %rem3A_903 : i32
        %mul3A_914 = arith.constant 1024 : i32
        %mul3A_915 = arith.muli %select_n3A_913, %mul3A_914 : i32
        %dma_wait3A_916 = tpu.memref_slice %arg4[%add3A_897, %mul3A_915] : memref<1024x32768xf32, #tpu.memory_space<hbm>> -> memref<16x1024xf32, #tpu.memory_space<hbm>>
        %dma_wait3A_917 = tpu.memref_slice %arg4[%add3A_897, %mul3A_915] : memref<1024x32768xf32, #tpu.memory_space<hbm>> -> memref<16x1024xf32, #tpu.memory_space<hbm>>
        tpu.wait_dma2 semaphore(%arg16 : memref<!tpu.dma_semaphore, #tpu.memory_space<semaphore_mem>>) src(%arg9 : memref<16x1024xf32, #tpu.memory_space<vmem>>) dst(%dma_wait3A_917 : memref<16x1024xf32, #tpu.memory_space<hbm>>)
      } else {
      }
      %jit3A_249 = arith.constant 32 : i32
      %eq3A_250 = arith.constant 0 : i32
      %eq3A_251 = arith.cmpi eq, %jit3A_249, %eq3A_250 : i32
      %jit3A_252 = arith.constant 1 : i32
      %select_n3A_253 = arith.select %eq3A_251, %jit3A_252, %jit3A_249 : i32
      %rem3A_254 = arith.remsi %add3A_57, %select_n3A_253 : i32
      %ne3A_255 = arith.constant 0 : i32
      %ne3A_256 = arith.cmpi ne, %rem3A_254, %ne3A_255 : i32
      %lt3A_257 = arith.constant 0 : i32
      %lt3A_258 = arith.cmpi slt, %rem3A_254, %lt3A_257 : i32
      %lt3A_259 = arith.constant 0 : i32
      %lt3A_260 = arith.cmpi slt, %select_n3A_253, %lt3A_259 : i32
      %ne3A_261 = arith.xori %lt3A_258, %lt3A_260 : i1
      %and3A_262 = arith.andi %ne3A_261, %ne3A_256 : i1
      %add3A_263 = arith.addi %rem3A_254, %select_n3A_253 : i32
      %select_n3A_264 = arith.select %and3A_262, %add3A_263, %rem3A_254 : i32
      %eq3A_265 = arith.constant 0 : i32
      %eq3A_266 = arith.cmpi eq, %select_n3A_264, %eq3A_265 : i32
      %convert_element_type3A_267 = arith.extui %eq3A_266 : i1 to i32
      %cond3A_268 = arith.constant 0 : i32
      %cond3A_269 = arith.cmpi ne, %convert_element_type3A_267, %cond3A_268 : i32
      scf.if %cond3A_269 {
        %swap3A_867 = arith.constant 0 : i32
        %swap3A_868 = arith.index_cast %swap3A_867 : i32 to index
        %swap3A_869 = arith.constant 0 : index
        %swap3A_870 = tpu.vector_load %arg11[%swap3A_868, %swap3A_869] {strides = array<i32>} : memref<16x16xf32, #tpu.memory_space<vmem>>, vector<16xf32>,
        tpu.vector_store %arg11[%swap3A_868, %swap3A_869], %broadcast_in_dim3A_1 {strides = array<i32>} : memref<16x16xf32, #tpu.memory_space<vmem>>, vector<16xf32>,
        %swap3A_871 = arith.constant 1 : i32
        %swap3A_872 = arith.index_cast %swap3A_871 : i32 to index
        %swap3A_873 = arith.constant 0 : index
        %swap3A_874 = tpu.vector_load %arg11[%swap3A_872, %swap3A_873] {strides = array<i32>} : memref<16x16xf32, #tpu.memory_space<vmem>>, vector<16xf32>,
        tpu.vector_store %arg11[%swap3A_872, %swap3A_873], %broadcast_in_dim3A_1 {strides = array<i32>} : memref<16x16xf32, #tpu.memory_space<vmem>>, vector<16xf32>,
        %swap3A_875 = arith.constant 2 : i32
        %swap3A_876 = arith.index_cast %swap3A_875 : i32 to index
        %swap3A_877 = arith.constant 0 : index
        %swap3A_878 = tpu.vector_load %arg11[%swap3A_876, %swap3A_877] {strides = array<i32>} : memref<16x16xf32, #tpu.memory_space<vmem>>, vector<16xf32>,
        tpu.vector_store %arg11[%swap3A_876, %swap3A_877], %broadcast_in_dim3A_1 {strides = array<i32>} : memref<16x16xf32, #tpu.memory_space<vmem>>, vector<16xf32>,
        %swap3A_879 = arith.constant 3 : i32
        %swap3A_880 = arith.index_cast %swap3A_879 : i32 to index
        %swap3A_881 = arith.constant 0 : index
        %swap3A_882 = tpu.vector_load %arg11[%swap3A_880, %swap3A_881] {strides = array<i32>} : memref<16x16xf32, #tpu.memory_space<vmem>>, vector<16xf32>,
        tpu.vector_store %arg11[%swap3A_880, %swap3A_881], %broadcast_in_dim3A_1 {strides = array<i32>} : memref<16x16xf32, #tpu.memory_space<vmem>>, vector<16xf32>,
        %swap3A_883 = arith.constant 4 : i32
        %swap3A_884 = arith.index_cast %swap3A_883 : i32 to index
        %swap3A_885 = arith.constant 0 : index
        %swap3A_886 = tpu.vector_load %arg11[%swap3A_884, %swap3A_885] {strides = array<i32>} : memref<16x16xf32, #tpu.memory_space<vmem>>, vector<16xf32>,
        tpu.vector_store %arg11[%swap3A_884, %swap3A_885], %broadcast_in_dim3A_1 {strides = array<i32>} : memref<16x16xf32, #tpu.memory_space<vmem>>, vector<16xf32>,
        %swap3A_887 = arith.constant 5 : i32
        %swap3A_888 = arith.index_cast %swap3A_887 : i32 to index
        %swap3A_889 = arith.constant 0 : index
        %swap3A_890 = tpu.vector_load %arg11[%swap3A_888, %swap3A_889] {strides = array<i32>} : memref<16x16xf32, #tpu.memory_space<vmem>>, vector<16xf32>,
        tpu.vector_store %arg11[%swap3A_888, %swap3A_889], %broadcast_in_dim3A_1 {strides = array<i32>} : memref<16x16xf32, #tpu.memory_space<vmem>>, vector<16xf32>,
        %swap3A_891 = arith.constant 6 : i32
        %swap3A_892 = arith.index_cast %swap3A_891 : i32 to index
        %swap3A_893 = arith.constant 0 : index
        %swap3A_894 = tpu.vector_load %arg11[%swap3A_892, %swap3A_893] {strides = array<i32>} : memref<16x16xf32, #tpu.memory_space<vmem>>, vector<16xf32>,
        tpu.vector_store %arg11[%swap3A_892, %swap3A_893], %broadcast_in_dim3A_1 {strides = array<i32>} : memref<16x16xf32, #tpu.memory_space<vmem>>, vector<16xf32>,
        %swap3A_895 = arith.constant 7 : i32
        %swap3A_896 = arith.index_cast %swap3A_895 : i32 to index
        %swap3A_897 = arith.constant 0 : index
        %swap3A_898 = tpu.vector_load %arg11[%swap3A_896, %swap3A_897] {strides = array<i32>} : memref<16x16xf32, #tpu.memory_space<vmem>>, vector<16xf32>,
        tpu.vector_store %arg11[%swap3A_896, %swap3A_897], %broadcast_in_dim3A_1 {strides = array<i32>} : memref<16x16xf32, #tpu.memory_space<vmem>>, vector<16xf32>,
        %swap3A_899 = arith.constant 8 : i32
        %swap3A_900 = arith.index_cast %swap3A_899 : i32 to index
        %swap3A_901 = arith.constant 0 : index
        %swap3A_902 = tpu.vector_load %arg11[%swap3A_900, %swap3A_901] {strides = array<i32>} : memref<16x16xf32, #tpu.memory_space<vmem>>, vector<16xf32>,
        tpu.vector_store %arg11[%swap3A_900, %swap3A_901], %broadcast_in_dim3A_1 {strides = array<i32>} : memref<16x16xf32, #tpu.memory_space<vmem>>, vector<16xf32>,
        %swap3A_903 = arith.constant 9 : i32
        %swap3A_904 = arith.index_cast %swap3A_903 : i32 to index
        %swap3A_905 = arith.constant 0 : index
        %swap3A_906 = tpu.vector_load %arg11[%swap3A_904, %swap3A_905] {strides = array<i32>} : memref<16x16xf32, #tpu.memory_space<vmem>>, vector<16xf32>,
        tpu.vector_store %arg11[%swap3A_904, %swap3A_905], %broadcast_in_dim3A_1 {strides = array<i32>} : memref<16x16xf32, #tpu.memory_space<vmem>>, vector<16xf32>,
        %swap3A_907 = arith.constant 10 : i32
        %swap3A_908 = arith.index_cast %swap3A_907 : i32 to index
        %swap3A_909 = arith.constant 0 : index
        %swap3A_910 = tpu.vector_load %arg11[%swap3A_908, %swap3A_909] {strides = array<i32>} : memref<16x16xf32, #tpu.memory_space<vmem>>, vector<16xf32>,
        tpu.vector_store %arg11[%swap3A_908, %swap3A_909], %broadcast_in_dim3A_1 {strides = array<i32>} : memref<16x16xf32, #tpu.memory_space<vmem>>, vector<16xf32>,
        %swap3A_911 = arith.constant 11 : i32
        %swap3A_912 = arith.index_cast %swap3A_911 : i32 to index
        %swap3A_913 = arith.constant 0 : index
        %swap3A_914 = tpu.vector_load %arg11[%swap3A_912, %swap3A_913] {strides = array<i32>} : memref<16x16xf32, #tpu.memory_space<vmem>>, vector<16xf32>,
        tpu.vector_store %arg11[%swap3A_912, %swap3A_913], %broadcast_in_dim3A_1 {strides = array<i32>} : memref<16x16xf32, #tpu.memory_space<vmem>>, vector<16xf32>,
        %swap3A_915 = arith.constant 12 : i32
        %swap3A_916 = arith.index_cast %swap3A_915 : i32 to index
        %swap3A_917 = arith.constant 0 : index
        %swap3A_918 = tpu.vector_load %arg11[%swap3A_916, %swap3A_917] {strides = array<i32>} : memref<16x16xf32, #tpu.memory_space<vmem>>, vector<16xf32>,
        tpu.vector_store %arg11[%swap3A_916, %swap3A_917], %broadcast_in_dim3A_1 {strides = array<i32>} : memref<16x16xf32, #tpu.memory_space<vmem>>, vector<16xf32>,
        %swap3A_919 = arith.constant 13 : i32
        %swap3A_920 = arith.index_cast %swap3A_919 : i32 to index
        %swap3A_921 = arith.constant 0 : index
        %swap3A_922 = tpu.vector_load %arg11[%swap3A_920, %swap3A_921] {strides = array<i32>} : memref<16x16xf32, #tpu.memory_space<vmem>>, vector<16xf32>,
        tpu.vector_store %arg11[%swap3A_920, %swap3A_921], %broadcast_in_dim3A_1 {strides = array<i32>} : memref<16x16xf32, #tpu.memory_space<vmem>>, vector<16xf32>,
        %swap3A_923 = arith.constant 14 : i32
        %swap3A_924 = arith.index_cast %swap3A_923 : i32 to index
        %swap3A_925 = arith.constant 0 : index
        %swap3A_926 = tpu.vector_load %arg11[%swap3A_924, %swap3A_925] {strides = array<i32>} : memref<16x16xf32, #tpu.memory_space<vmem>>, vector<16xf32>,
        tpu.vector_store %arg11[%swap3A_924, %swap3A_925], %broadcast_in_dim3A_1 {strides = array<i32>} : memref<16x16xf32, #tpu.memory_space<vmem>>, vector<16xf32>,
        %swap3A_927 = arith.constant 15 : i32
        %swap3A_928 = arith.index_cast %swap3A_927 : i32 to index
        %swap3A_929 = arith.constant 0 : index
        %swap3A_930 = tpu.vector_load %arg11[%swap3A_928, %swap3A_929] {strides = array<i32>} : memref<16x16xf32, #tpu.memory_space<vmem>>, vector<16xf32>,
        tpu.vector_store %arg11[%swap3A_928, %swap3A_929], %broadcast_in_dim3A_1 {strides = array<i32>} : memref<16x16xf32, #tpu.memory_space<vmem>>, vector<16xf32>,
      } else {
      }
      %get3A = arith.constant 0 : i32
      %get3A_270 = arith.index_cast %get3A : i32 to index
      %get3A_271 = arith.constant 0 : index
      %get3A_272 = tpu.vector_load %arg11[%get3A_270, %get3A_271] {strides = array<i32>} : memref<16x16xf32, #tpu.memory_space<vmem>>, vector<16xf32>,
      %get3A_273 = arith.constant 1 : i32
      %get3A_274 = arith.index_cast %get3A_273 : i32 to index
      %get3A_275 = arith.constant 0 : index
      %get3A_276 = tpu.vector_load %arg11[%get3A_274, %get3A_275] {strides = array<i32>} : memref<16x16xf32, #tpu.memory_space<vmem>>, vector<16xf32>,
      %get3A_277 = arith.constant 2 : i32
      %get3A_278 = arith.index_cast %get3A_277 : i32 to index
      %get3A_279 = arith.constant 0 : index
      %get3A_280 = tpu.vector_load %arg11[%get3A_278, %get3A_279] {strides = array<i32>} : memref<16x16xf32, #tpu.memory_space<vmem>>, vector<16xf32>,
      %get3A_281 = arith.constant 3 : i32
      %get3A_282 = arith.index_cast %get3A_281 : i32 to index
      %get3A_283 = arith.constant 0 : index
      %get3A_284 = tpu.vector_load %arg11[%get3A_282, %get3A_283] {strides = array<i32>} : memref<16x16xf32, #tpu.memory_space<vmem>>, vector<16xf32>,
      %get3A_285 = arith.constant 4 : i32
      %get3A_286 = arith.index_cast %get3A_285 : i32 to index
      %get3A_287 = arith.constant 0 : index
      %get3A_288 = tpu.vector_load %arg11[%get3A_286, %get3A_287] {strides = array<i32>} : memref<16x16xf32, #tpu.memory_space<vmem>>, vector<16xf32>,
      %get3A_289 = arith.constant 5 : i32
      %get3A_290 = arith.index_cast %get3A_289 : i32 to index
      %get3A_291 = arith.constant 0 : index
      %get3A_292 = tpu.vector_load %arg11[%get3A_290, %get3A_291] {strides = array<i32>} : memref<16x16xf32, #tpu.memory_space<vmem>>, vector<16xf32>,
      %get3A_293 = arith.constant 6 : i32
      %get3A_294 = arith.index_cast %get3A_293 : i32 to index
      %get3A_295 = arith.constant 0 : index
      %get3A_296 = tpu.vector_load %arg11[%get3A_294, %get3A_295] {strides = array<i32>} : memref<16x16xf32, #tpu.memory_space<vmem>>, vector<16xf32>,
      %get3A_297 = arith.constant 7 : i32
      %get3A_298 = arith.index_cast %get3A_297 : i32 to index
      %get3A_299 = arith.constant 0 : index
      %get3A_300 = tpu.vector_load %arg11[%get3A_298, %get3A_299] {strides = array<i32>} : memref<16x16xf32, #tpu.memory_space<vmem>>, vector<16xf32>,
      %parallel_loop3A = arith.constant 0 : i32
      %parallel_loop3A_301 = arith.constant 64 : i32
      %parallel_loop3A_302 = arith.constant 1 : i32
      %parallel_loop3A_303:8 = scf.for %parallel_loop3A_867 = %parallel_loop3A to %parallel_loop3A_301 step %parallel_loop3A_302 iter_args(%parallel_loop3A_868 = %get3A_272, %parallel_loop3A_869 = %get3A_276, %parallel_loop3A_870 = %get3A_280, %parallel_loop3A_871 = %get3A_284, %parallel_loop3A_872 = %get3A_288, %parallel_loop3A_873 = %get3A_292, %parallel_loop3A_874 = %get3A_296, %parallel_loop3A_875 = %get3A_300) -> (vector<16xf32>, vector<16xf32>, vector<16xf32>, vector<16xf32>, vector<16xf32>, vector<16xf32>, vector<16xf32>, vector<16xf32>)  : i32 {
        %parallel_loop3A_876 = arith.constant 16 : i32
        %parallel_loop3A_877 = arith.muli %parallel_loop3A_867, %parallel_loop3A_876 : i32
        %parallel_loop3A_878 = arith.constant 0 : i32
        %parallel_loop3A_879 = arith.index_cast %parallel_loop3A_878 : i32 to index
        %parallel_loop3A_880 = arith.index_cast %parallel_loop3A_877 : i32 to index
        %parallel_loop3A_881 = tpu.vector_load %arg5[%parallel_loop3A_879, %parallel_loop3A_880] {strides = array<i32>} : memref<16x1024xf32, #tpu.memory_space<vmem>>, vector<16xf32>,
        %parallel_loop3A_882 = arith.constant 0 : i32
        %parallel_loop3A_883 = arith.index_cast %parallel_loop3A_882 : i32 to index
        %parallel_loop3A_884 = arith.index_cast %parallel_loop3A_877 : i32 to index
        %parallel_loop3A_885 = tpu.vector_load %arg7[%parallel_loop3A_883, %parallel_loop3A_884] {strides = array<i32>} : memref<16x1024xf32, #tpu.memory_space<vmem>>, vector<16xf32>,
        %parallel_loop3A_886 = arith.mulf %parallel_loop3A_881, %parallel_loop3A_885 : vector<16xf32>
        %parallel_loop3A_887 = arith.constant true
        %parallel_loop3A_888 = vector.broadcast %parallel_loop3A_887 : i1 to vector<16xi1>
        %parallel_loop3A_889 = tpu.scan <sum>, %parallel_loop3A_886 masked %parallel_loop3A_888 : vector<16xf32>, vector<16xi1> -> vector<16xf32>
        %parallel_loop3A_890 = arith.addf %parallel_loop3A_889, %parallel_loop3A_868 : vector<16xf32>
        %parallel_loop3A_891 = arith.constant 0 : i32
        %parallel_loop3A_892 = arith.index_cast %parallel_loop3A_891 : i32 to index
        %parallel_loop3A_893 = arith.index_cast %parallel_loop3A_877 : i32 to index
        %parallel_loop3A_894 = tpu.vector_load %arg9[%parallel_loop3A_892, %parallel_loop3A_893] {strides = array<i32>} : memref<16x1024xf32, #tpu.memory_space<vmem>>, vector<16xf32>,
        tpu.vector_store %arg9[%parallel_loop3A_892, %parallel_loop3A_893], %parallel_loop3A_890 {strides = array<i32>} : memref<16x1024xf32, #tpu.memory_space<vmem>>, vector<16xf32>,
        %parallel_loop3A_895 = vector.extract_strided_slice %parallel_loop3A_890 {offsets = [15], sizes = [1], strides = [1]} : vector<16xf32> to vector<1xf32>
        %parallel_loop3A_896 = vector.extract %parallel_loop3A_895[0] : f32 from vector<1xf32>
        %parallel_loop3A_897 = vector.broadcast %parallel_loop3A_896 : f32 to vector<16xf32>
        %parallel_loop3A_898 = arith.constant 16 : i32
        %parallel_loop3A_899 = arith.muli %parallel_loop3A_867, %parallel_loop3A_898 : i32
        %parallel_loop3A_900 = arith.constant 1 : i32
        %parallel_loop3A_901 = arith.index_cast %parallel_loop3A_900 : i32 to index
        %parallel_loop3A_902 = arith.index_cast %parallel_loop3A_899 : i32 to index
        %parallel_loop3A_903 = tpu.vector_load %arg5[%parallel_loop3A_901, %parallel_loop3A_902] {strides = array<i32>} : memref<16x1024xf32, #tpu.memory_space<vmem>>, vector<16xf32>,
        %parallel_loop3A_904 = arith.constant 1 : i32
        %parallel_loop3A_905 = arith.index_cast %parallel_loop3A_904 : i32 to index
        %parallel_loop3A_906 = arith.index_cast %parallel_loop3A_899 : i32 to index
        %parallel_loop3A_907 = tpu.vector_load %arg7[%parallel_loop3A_905, %parallel_loop3A_906] {strides = array<i32>} : memref<16x1024xf32, #tpu.memory_space<vmem>>, vector<16xf32>,
        %parallel_loop3A_908 = arith.mulf %parallel_loop3A_903, %parallel_loop3A_907 : vector<16xf32>
        %parallel_loop3A_909 = arith.constant true
        %parallel_loop3A_910 = vector.broadcast %parallel_loop3A_909 : i1 to vector<16xi1>
        %parallel_loop3A_911 = tpu.scan <sum>, %parallel_loop3A_908 masked %parallel_loop3A_910 : vector<16xf32>, vector<16xi1> -> vector<16xf32>
        %parallel_loop3A_912 = arith.addf %parallel_loop3A_911, %parallel_loop3A_869 : vector<16xf32>
        %parallel_loop3A_913 = arith.constant 1 : i32
        %parallel_loop3A_914 = arith.index_cast %parallel_loop3A_913 : i32 to index
        %parallel_loop3A_915 = arith.index_cast %parallel_loop3A_899 : i32 to index
        %parallel_loop3A_916 = tpu.vector_load %arg9[%parallel_loop3A_914, %parallel_loop3A_915] {strides = array<i32>} : memref<16x1024xf32, #tpu.memory_space<vmem>>, vector<16xf32>,
        tpu.vector_store %arg9[%parallel_loop3A_914, %parallel_loop3A_915], %parallel_loop3A_912 {strides = array<i32>} : memref<16x1024xf32, #tpu.memory_space<vmem>>, vector<16xf32>,
        %parallel_loop3A_917 = vector.extract_strided_slice %parallel_loop3A_912 {offsets = [15], sizes = [1], strides = [1]} : vector<16xf32> to vector<1xf32>
        %parallel_loop3A_918 = vector.extract %parallel_loop3A_917[0] : f32 from vector<1xf32>
        %parallel_loop3A_919 = vector.broadcast %parallel_loop3A_918 : f32 to vector<16xf32>
        %parallel_loop3A_920 = arith.constant 16 : i32
        %parallel_loop3A_921 = arith.muli %parallel_loop3A_867, %parallel_loop3A_920 : i32
        %parallel_loop3A_922 = arith.constant 2 : i32
        %parallel_loop3A_923 = arith.index_cast %parallel_loop3A_922 : i32 to index
        %parallel_loop3A_924 = arith.index_cast %parallel_loop3A_921 : i32 to index
        %parallel_loop3A_925 = tpu.vector_load %arg5[%parallel_loop3A_923, %parallel_loop3A_924] {strides = array<i32>} : memref<16x1024xf32, #tpu.memory_space<vmem>>, vector<16xf32>,
        %parallel_loop3A_926 = arith.constant 2 : i32
        %parallel_loop3A_927 = arith.index_cast %parallel_loop3A_926 : i32 to index
        %parallel_loop3A_928 = arith.index_cast %parallel_loop3A_921 : i32 to index
        %parallel_loop3A_929 = tpu.vector_load %arg7[%parallel_loop3A_927, %parallel_loop3A_928] {strides = array<i32>} : memref<16x1024xf32, #tpu.memory_space<vmem>>, vector<16xf32>,
        %parallel_loop3A_930 = arith.mulf %parallel_loop3A_925, %parallel_loop3A_929 : vector<16xf32>
        %parallel_loop3A_931 = arith.constant true
        %parallel_loop3A_932 = vector.broadcast %parallel_loop3A_931 : i1 to vector<16xi1>
        %parallel_loop3A_933 = tpu.scan <sum>, %parallel_loop3A_930 masked %parallel_loop3A_932 : vector<16xf32>, vector<16xi1> -> vector<16xf32>
        %parallel_loop3A_934 = arith.addf %parallel_loop3A_933, %parallel_loop3A_870 : vector<16xf32>
        %parallel_loop3A_935 = arith.constant 2 : i32
        %parallel_loop3A_936 = arith.index_cast %parallel_loop3A_935 : i32 to index
        %parallel_loop3A_937 = arith.index_cast %parallel_loop3A_921 : i32 to index
        %parallel_loop3A_938 = tpu.vector_load %arg9[%parallel_loop3A_936, %parallel_loop3A_937] {strides = array<i32>} : memref<16x1024xf32, #tpu.memory_space<vmem>>, vector<16xf32>,
        tpu.vector_store %arg9[%parallel_loop3A_936, %parallel_loop3A_937], %parallel_loop3A_934 {strides = array<i32>} : memref<16x1024xf32, #tpu.memory_space<vmem>>, vector<16xf32>,
        %parallel_loop3A_939 = vector.extract_strided_slice %parallel_loop3A_934 {offsets = [15], sizes = [1], strides = [1]} : vector<16xf32> to vector<1xf32>
        %parallel_loop3A_940 = vector.extract %parallel_loop3A_939[0] : f32 from vector<1xf32>
        %parallel_loop3A_941 = vector.broadcast %parallel_loop3A_940 : f32 to vector<16xf32>
        %parallel_loop3A_942 = arith.constant 16 : i32
        %parallel_loop3A_943 = arith.muli %parallel_loop3A_867, %parallel_loop3A_942 : i32
        %parallel_loop3A_944 = arith.constant 3 : i32
        %parallel_loop3A_945 = arith.index_cast %parallel_loop3A_944 : i32 to index
        %parallel_loop3A_946 = arith.index_cast %parallel_loop3A_943 : i32 to index
        %parallel_loop3A_947 = tpu.vector_load %arg5[%parallel_loop3A_945, %parallel_loop3A_946] {strides = array<i32>} : memref<16x1024xf32, #tpu.memory_space<vmem>>, vector<16xf32>,
        %parallel_loop3A_948 = arith.constant 3 : i32
        %parallel_loop3A_949 = arith.index_cast %parallel_loop3A_948 : i32 to index
        %parallel_loop3A_950 = arith.index_cast %parallel_loop3A_943 : i32 to index
        %parallel_loop3A_951 = tpu.vector_load %arg7[%parallel_loop3A_949, %parallel_loop3A_950] {strides = array<i32>} : memref<16x1024xf32, #tpu.memory_space<vmem>>, vector<16xf32>,
        %parallel_loop3A_952 = arith.mulf %parallel_loop3A_947, %parallel_loop3A_951 : vector<16xf32>
        %parallel_loop3A_953 = arith.constant true
        %parallel_loop3A_954 = vector.broadcast %parallel_loop3A_953 : i1 to vector<16xi1>
        %parallel_loop3A_955 = tpu.scan <sum>, %parallel_loop3A_952 masked %parallel_loop3A_954 : vector<16xf32>, vector<16xi1> -> vector<16xf32>
        %parallel_loop3A_956 = arith.addf %parallel_loop3A_955, %parallel_loop3A_871 : vector<16xf32>
        %parallel_loop3A_957 = arith.constant 3 : i32
        %parallel_loop3A_958 = arith.index_cast %parallel_loop3A_957 : i32 to index
        %parallel_loop3A_959 = arith.index_cast %parallel_loop3A_943 : i32 to index
        %parallel_loop3A_960 = tpu.vector_load %arg9[%parallel_loop3A_958, %parallel_loop3A_959] {strides = array<i32>} : memref<16x1024xf32, #tpu.memory_space<vmem>>, vector<16xf32>,
        tpu.vector_store %arg9[%parallel_loop3A_958, %parallel_loop3A_959], %parallel_loop3A_956 {strides = array<i32>} : memref<16x1024xf32, #tpu.memory_space<vmem>>, vector<16xf32>,
        %parallel_loop3A_961 = vector.extract_strided_slice %parallel_loop3A_956 {offsets = [15], sizes = [1], strides = [1]} : vector<16xf32> to vector<1xf32>
        %parallel_loop3A_962 = vector.extract %parallel_loop3A_961[0] : f32 from vector<1xf32>
        %parallel_loop3A_963 = vector.broadcast %parallel_loop3A_962 : f32 to vector<16xf32>
        %parallel_loop3A_964 = arith.constant 16 : i32
        %parallel_loop3A_965 = arith.muli %parallel_loop3A_867, %parallel_loop3A_964 : i32
        %parallel_loop3A_966 = arith.constant 4 : i32
        %parallel_loop3A_967 = arith.index_cast %parallel_loop3A_966 : i32 to index
        %parallel_loop3A_968 = arith.index_cast %parallel_loop3A_965 : i32 to index
        %parallel_loop3A_969 = tpu.vector_load %arg5[%parallel_loop3A_967, %parallel_loop3A_968] {strides = array<i32>} : memref<16x1024xf32, #tpu.memory_space<vmem>>, vector<16xf32>,
        %parallel_loop3A_970 = arith.constant 4 : i32
        %parallel_loop3A_971 = arith.index_cast %parallel_loop3A_970 : i32 to index
        %parallel_loop3A_972 = arith.index_cast %parallel_loop3A_965 : i32 to index
        %parallel_loop3A_973 = tpu.vector_load %arg7[%parallel_loop3A_971, %parallel_loop3A_972] {strides = array<i32>} : memref<16x1024xf32, #tpu.memory_space<vmem>>, vector<16xf32>,
        %parallel_loop3A_974 = arith.mulf %parallel_loop3A_969, %parallel_loop3A_973 : vector<16xf32>
        %parallel_loop3A_975 = arith.constant true
        %parallel_loop3A_976 = vector.broadcast %parallel_loop3A_975 : i1 to vector<16xi1>
        %parallel_loop3A_977 = tpu.scan <sum>, %parallel_loop3A_974 masked %parallel_loop3A_976 : vector<16xf32>, vector<16xi1> -> vector<16xf32>
        %parallel_loop3A_978 = arith.addf %parallel_loop3A_977, %parallel_loop3A_872 : vector<16xf32>
        %parallel_loop3A_979 = arith.constant 4 : i32
        %parallel_loop3A_980 = arith.index_cast %parallel_loop3A_979 : i32 to index
        %parallel_loop3A_981 = arith.index_cast %parallel_loop3A_965 : i32 to index
        %parallel_loop3A_982 = tpu.vector_load %arg9[%parallel_loop3A_980, %parallel_loop3A_981] {strides = array<i32>} : memref<16x1024xf32, #tpu.memory_space<vmem>>, vector<16xf32>,
        tpu.vector_store %arg9[%parallel_loop3A_980, %parallel_loop3A_981], %parallel_loop3A_978 {strides = array<i32>} : memref<16x1024xf32, #tpu.memory_space<vmem>>, vector<16xf32>,
        %parallel_loop3A_983 = vector.extract_strided_slice %parallel_loop3A_978 {offsets = [15], sizes = [1], strides = [1]} : vector<16xf32> to vector<1xf32>
        %parallel_loop3A_984 = vector.extract %parallel_loop3A_983[0] : f32 from vector<1xf32>
        %parallel_loop3A_985 = vector.broadcast %parallel_loop3A_984 : f32 to vector<16xf32>
        %parallel_loop3A_986 = arith.constant 16 : i32
        %parallel_loop3A_987 = arith.muli %parallel_loop3A_867, %parallel_loop3A_986 : i32
        %parallel_loop3A_988 = arith.constant 5 : i32
        %parallel_loop3A_989 = arith.index_cast %parallel_loop3A_988 : i32 to index
        %parallel_loop3A_990 = arith.index_cast %parallel_loop3A_987 : i32 to index
        %parallel_loop3A_991 = tpu.vector_load %arg5[%parallel_loop3A_989, %parallel_loop3A_990] {strides = array<i32>} : memref<16x1024xf32, #tpu.memory_space<vmem>>, vector<16xf32>,
        %parallel_loop3A_992 = arith.constant 5 : i32
        %parallel_loop3A_993 = arith.index_cast %parallel_loop3A_992 : i32 to index
        %parallel_loop3A_994 = arith.index_cast %parallel_loop3A_987 : i32 to index
        %parallel_loop3A_995 = tpu.vector_load %arg7[%parallel_loop3A_993, %parallel_loop3A_994] {strides = array<i32>} : memref<16x1024xf32, #tpu.memory_space<vmem>>, vector<16xf32>,
        %parallel_loop3A_996 = arith.mulf %parallel_loop3A_991, %parallel_loop3A_995 : vector<16xf32>
        %parallel_loop3A_997 = arith.constant true
        %parallel_loop3A_998 = vector.broadcast %parallel_loop3A_997 : i1 to vector<16xi1>
        %parallel_loop3A_999 = tpu.scan <sum>, %parallel_loop3A_996 masked %parallel_loop3A_998 : vector<16xf32>, vector<16xi1> -> vector<16xf32>
        %parallel_loop3A_1000 = arith.addf %parallel_loop3A_999, %parallel_loop3A_873 : vector<16xf32>
        %parallel_loop3A_1001 = arith.constant 5 : i32
        %parallel_loop3A_1002 = arith.index_cast %parallel_loop3A_1001 : i32 to index
        %parallel_loop3A_1003 = arith.index_cast %parallel_loop3A_987 : i32 to index
        %parallel_loop3A_1004 = tpu.vector_load %arg9[%parallel_loop3A_1002, %parallel_loop3A_1003] {strides = array<i32>} : memref<16x1024xf32, #tpu.memory_space<vmem>>, vector<16xf32>,
        tpu.vector_store %arg9[%parallel_loop3A_1002, %parallel_loop3A_1003], %parallel_loop3A_1000 {strides = array<i32>} : memref<16x1024xf32, #tpu.memory_space<vmem>>, vector<16xf32>,
        %parallel_loop3A_1005 = vector.extract_strided_slice %parallel_loop3A_1000 {offsets = [15], sizes = [1], strides = [1]} : vector<16xf32> to vector<1xf32>
        %parallel_loop3A_1006 = vector.extract %parallel_loop3A_1005[0] : f32 from vector<1xf32>
        %parallel_loop3A_1007 = vector.broadcast %parallel_loop3A_1006 : f32 to vector<16xf32>
        %parallel_loop3A_1008 = arith.constant 16 : i32
        %parallel_loop3A_1009 = arith.muli %parallel_loop3A_867, %parallel_loop3A_1008 : i32
        %parallel_loop3A_1010 = arith.constant 6 : i32
        %parallel_loop3A_1011 = arith.index_cast %parallel_loop3A_1010 : i32 to index
        %parallel_loop3A_1012 = arith.index_cast %parallel_loop3A_1009 : i32 to index
        %parallel_loop3A_1013 = tpu.vector_load %arg5[%parallel_loop3A_1011, %parallel_loop3A_1012] {strides = array<i32>} : memref<16x1024xf32, #tpu.memory_space<vmem>>, vector<16xf32>,
        %parallel_loop3A_1014 = arith.constant 6 : i32
        %parallel_loop3A_1015 = arith.index_cast %parallel_loop3A_1014 : i32 to index
        %parallel_loop3A_1016 = arith.index_cast %parallel_loop3A_1009 : i32 to index
        %parallel_loop3A_1017 = tpu.vector_load %arg7[%parallel_loop3A_1015, %parallel_loop3A_1016] {strides = array<i32>} : memref<16x1024xf32, #tpu.memory_space<vmem>>, vector<16xf32>,
        %parallel_loop3A_1018 = arith.mulf %parallel_loop3A_1013, %parallel_loop3A_1017 : vector<16xf32>
        %parallel_loop3A_1019 = arith.constant true
        %parallel_loop3A_1020 = vector.broadcast %parallel_loop3A_1019 : i1 to vector<16xi1>
        %parallel_loop3A_1021 = tpu.scan <sum>, %parallel_loop3A_1018 masked %parallel_loop3A_1020 : vector<16xf32>, vector<16xi1> -> vector<16xf32>
        %parallel_loop3A_1022 = arith.addf %parallel_loop3A_1021, %parallel_loop3A_874 : vector<16xf32>
        %parallel_loop3A_1023 = arith.constant 6 : i32
        %parallel_loop3A_1024 = arith.index_cast %parallel_loop3A_1023 : i32 to index
        %parallel_loop3A_1025 = arith.index_cast %parallel_loop3A_1009 : i32 to index
        %parallel_loop3A_1026 = tpu.vector_load %arg9[%parallel_loop3A_1024, %parallel_loop3A_1025] {strides = array<i32>} : memref<16x1024xf32, #tpu.memory_space<vmem>>, vector<16xf32>,
        tpu.vector_store %arg9[%parallel_loop3A_1024, %parallel_loop3A_1025], %parallel_loop3A_1022 {strides = array<i32>} : memref<16x1024xf32, #tpu.memory_space<vmem>>, vector<16xf32>,
        %parallel_loop3A_1027 = vector.extract_strided_slice %parallel_loop3A_1022 {offsets = [15], sizes = [1], strides = [1]} : vector<16xf32> to vector<1xf32>
        %parallel_loop3A_1028 = vector.extract %parallel_loop3A_1027[0] : f32 from vector<1xf32>
        %parallel_loop3A_1029 = vector.broadcast %parallel_loop3A_1028 : f32 to vector<16xf32>
        %parallel_loop3A_1030 = arith.constant 16 : i32
        %parallel_loop3A_1031 = arith.muli %parallel_loop3A_867, %parallel_loop3A_1030 : i32
        %parallel_loop3A_1032 = arith.constant 7 : i32
        %parallel_loop3A_1033 = arith.index_cast %parallel_loop3A_1032 : i32 to index
        %parallel_loop3A_1034 = arith.index_cast %parallel_loop3A_1031 : i32 to index
        %parallel_loop3A_1035 = tpu.vector_load %arg5[%parallel_loop3A_1033, %parallel_loop3A_1034] {strides = array<i32>} : memref<16x1024xf32, #tpu.memory_space<vmem>>, vector<16xf32>,
        %parallel_loop3A_1036 = arith.constant 7 : i32
        %parallel_loop3A_1037 = arith.index_cast %parallel_loop3A_1036 : i32 to index
        %parallel_loop3A_1038 = arith.index_cast %parallel_loop3A_1031 : i32 to index
        %parallel_loop3A_1039 = tpu.vector_load %arg7[%parallel_loop3A_1037, %parallel_loop3A_1038] {strides = array<i32>} : memref<16x1024xf32, #tpu.memory_space<vmem>>, vector<16xf32>,
        %parallel_loop3A_1040 = arith.mulf %parallel_loop3A_1035, %parallel_loop3A_1039 : vector<16xf32>
        %parallel_loop3A_1041 = arith.constant true
        %parallel_loop3A_1042 = vector.broadcast %parallel_loop3A_1041 : i1 to vector<16xi1>
        %parallel_loop3A_1043 = tpu.scan <sum>, %parallel_loop3A_1040 masked %parallel_loop3A_1042 : vector<16xf32>, vector<16xi1> -> vector<16xf32>
        %parallel_loop3A_1044 = arith.addf %parallel_loop3A_1043, %parallel_loop3A_875 : vector<16xf32>
        %parallel_loop3A_1045 = arith.constant 7 : i32
        %parallel_loop3A_1046 = arith.index_cast %parallel_loop3A_1045 : i32 to index
        %parallel_loop3A_1047 = arith.index_cast %parallel_loop3A_1031 : i32 to index
        %parallel_loop3A_1048 = tpu.vector_load %arg9[%parallel_loop3A_1046, %parallel_loop3A_1047] {strides = array<i32>} : memref<16x1024xf32, #tpu.memory_space<vmem>>, vector<16xf32>,
        tpu.vector_store %arg9[%parallel_loop3A_1046, %parallel_loop3A_1047], %parallel_loop3A_1044 {strides = array<i32>} : memref<16x1024xf32, #tpu.memory_space<vmem>>, vector<16xf32>,
        %parallel_loop3A_1049 = vector.extract_strided_slice %parallel_loop3A_1044 {offsets = [15], sizes = [1], strides = [1]} : vector<16xf32> to vector<1xf32>
        %parallel_loop3A_1050 = vector.extract %parallel_loop3A_1049[0] : f32 from vector<1xf32>
        %parallel_loop3A_1051 = vector.broadcast %parallel_loop3A_1050 : f32 to vector<16xf32>
        scf.yield %parallel_loop3A_897, %parallel_loop3A_919, %parallel_loop3A_941, %parallel_loop3A_963, %parallel_loop3A_985, %parallel_loop3A_1007, %parallel_loop3A_1029, %parallel_loop3A_1051 : vector<16xf32>, vector<16xf32>, vector<16xf32>, vector<16xf32>, vector<16xf32>, vector<16xf32>, vector<16xf32>, vector<16xf32>
      } {sc.loop_unroll_factor = 2 : i64, sc.parallel_access}
      %swap3A = arith.constant 0 : i32
      %swap3A_304 = arith.index_cast %swap3A : i32 to index
      %swap3A_305 = arith.constant 0 : index
      %swap3A_306 = tpu.vector_load %arg11[%swap3A_304, %swap3A_305] {strides = array<i32>} : memref<16x16xf32, #tpu.memory_space<vmem>>, vector<16xf32>,
      tpu.vector_store %arg11[%swap3A_304, %swap3A_305], %parallel_loop3A_303#0 {strides = array<i32>} : memref<16x16xf32, #tpu.memory_space<vmem>>, vector<16xf32>,
      %swap3A_307 = arith.constant 1 : i32
      %swap3A_308 = arith.index_cast %swap3A_307 : i32 to index
      %swap3A_309 = arith.constant 0 : index
      %swap3A_310 = tpu.vector_load %arg11[%swap3A_308, %swap3A_309] {strides = array<i32>} : memref<16x16xf32, #tpu.memory_space<vmem>>, vector<16xf32>,
      tpu.vector_store %arg11[%swap3A_308, %swap3A_309], %parallel_loop3A_303#1 {strides = array<i32>} : memref<16x16xf32, #tpu.memory_space<vmem>>, vector<16xf32>,
      %swap3A_311 = arith.constant 2 : i32
      %swap3A_312 = arith.index_cast %swap3A_311 : i32 to index
      %swap3A_313 = arith.constant 0 : index
      %swap3A_314 = tpu.vector_load %arg11[%swap3A_312, %swap3A_313] {strides = array<i32>} : memref<16x16xf32, #tpu.memory_space<vmem>>, vector<16xf32>,
      tpu.vector_store %arg11[%swap3A_312, %swap3A_313], %parallel_loop3A_303#2 {strides = array<i32>} : memref<16x16xf32, #tpu.memory_space<vmem>>, vector<16xf32>,
      %swap3A_315 = arith.constant 3 : i32
      %swap3A_316 = arith.index_cast %swap3A_315 : i32 to index
      %swap3A_317 = arith.constant 0 : index
      %swap3A_318 = tpu.vector_load %arg11[%swap3A_316, %swap3A_317] {strides = array<i32>} : memref<16x16xf32, #tpu.memory_space<vmem>>, vector<16xf32>,
      tpu.vector_store %arg11[%swap3A_316, %swap3A_317], %parallel_loop3A_303#3 {strides = array<i32>} : memref<16x16xf32, #tpu.memory_space<vmem>>, vector<16xf32>,
      %swap3A_319 = arith.constant 4 : i32
      %swap3A_320 = arith.index_cast %swap3A_319 : i32 to index
      %swap3A_321 = arith.constant 0 : index
      %swap3A_322 = tpu.vector_load %arg11[%swap3A_320, %swap3A_321] {strides = array<i32>} : memref<16x16xf32, #tpu.memory_space<vmem>>, vector<16xf32>,
      tpu.vector_store %arg11[%swap3A_320, %swap3A_321], %parallel_loop3A_303#4 {strides = array<i32>} : memref<16x16xf32, #tpu.memory_space<vmem>>, vector<16xf32>,
      %swap3A_323 = arith.constant 5 : i32
      %swap3A_324 = arith.index_cast %swap3A_323 : i32 to index
      %swap3A_325 = arith.constant 0 : index
      %swap3A_326 = tpu.vector_load %arg11[%swap3A_324, %swap3A_325] {strides = array<i32>} : memref<16x16xf32, #tpu.memory_space<vmem>>, vector<16xf32>,
      tpu.vector_store %arg11[%swap3A_324, %swap3A_325], %parallel_loop3A_303#5 {strides = array<i32>} : memref<16x16xf32, #tpu.memory_space<vmem>>, vector<16xf32>,
      %swap3A_327 = arith.constant 6 : i32
      %swap3A_328 = arith.index_cast %swap3A_327 : i32 to index
      %swap3A_329 = arith.constant 0 : index
      %swap3A_330 = tpu.vector_load %arg11[%swap3A_328, %swap3A_329] {strides = array<i32>} : memref<16x16xf32, #tpu.memory_space<vmem>>, vector<16xf32>,
      tpu.vector_store %arg11[%swap3A_328, %swap3A_329], %parallel_loop3A_303#6 {strides = array<i32>} : memref<16x16xf32, #tpu.memory_space<vmem>>, vector<16xf32>,
      %swap3A_331 = arith.constant 7 : i32
      %swap3A_332 = arith.index_cast %swap3A_331 : i32 to index
      %swap3A_333 = arith.constant 0 : index
      %swap3A_334 = tpu.vector_load %arg11[%swap3A_332, %swap3A_333] {strides = array<i32>} : memref<16x16xf32, #tpu.memory_space<vmem>>, vector<16xf32>,
      tpu.vector_store %arg11[%swap3A_332, %swap3A_333], %parallel_loop3A_303#7 {strides = array<i32>} : memref<16x16xf32, #tpu.memory_space<vmem>>, vector<16xf32>,
      %get3A_335 = arith.constant 8 : i32
      %get3A_336 = arith.index_cast %get3A_335 : i32 to index
      %get3A_337 = arith.constant 0 : index
      %get3A_338 = tpu.vector_load %arg11[%get3A_336, %get3A_337] {strides = array<i32>} : memref<16x16xf32, #tpu.memory_space<vmem>>, vector<16xf32>,
      %get3A_339 = arith.constant 9 : i32
      %get3A_340 = arith.index_cast %get3A_339 : i32 to index
      %get3A_341 = arith.constant 0 : index
      %get3A_342 = tpu.vector_load %arg11[%get3A_340, %get3A_341] {strides = array<i32>} : memref<16x16xf32, #tpu.memory_space<vmem>>, vector<16xf32>,
      %get3A_343 = arith.constant 10 : i32
      %get3A_344 = arith.index_cast %get3A_343 : i32 to index
      %get3A_345 = arith.constant 0 : index
      %get3A_346 = tpu.vector_load %arg11[%get3A_344, %get3A_345] {strides = array<i32>} : memref<16x16xf32, #tpu.memory_space<vmem>>, vector<16xf32>,
      %get3A_347 = arith.constant 11 : i32
      %get3A_348 = arith.index_cast %get3A_347 : i32 to index
      %get3A_349 = arith.constant 0 : index
      %get3A_350 = tpu.vector_load %arg11[%get3A_348, %get3A_349] {strides = array<i32>} : memref<16x16xf32, #tpu.memory_space<vmem>>, vector<16xf32>,
      %get3A_351 = arith.constant 12 : i32
      %get3A_352 = arith.index_cast %get3A_351 : i32 to index
      %get3A_353 = arith.constant 0 : index
      %get3A_354 = tpu.vector_load %arg11[%get3A_352, %get3A_353] {strides = array<i32>} : memref<16x16xf32, #tpu.memory_space<vmem>>, vector<16xf32>,
      %get3A_355 = arith.constant 13 : i32
      %get3A_356 = arith.index_cast %get3A_355 : i32 to index
      %get3A_357 = arith.constant 0 : index
      %get3A_358 = tpu.vector_load %arg11[%get3A_356, %get3A_357] {strides = array<i32>} : memref<16x16xf32, #tpu.memory_space<vmem>>, vector<16xf32>,
      %get3A_359 = arith.constant 14 : i32
      %get3A_360 = arith.index_cast %get3A_359 : i32 to index
      %get3A_361 = arith.constant 0 : index
      %get3A_362 = tpu.vector_load %arg11[%get3A_360, %get3A_361] {strides = array<i32>} : memref<16x16xf32, #tpu.memory_space<vmem>>, vector<16xf32>,
      %get3A_363 = arith.constant 15 : i32
      %get3A_364 = arith.index_cast %get3A_363 : i32 to index
      %get3A_365 = arith.constant 0 : index
      %get3A_366 = tpu.vector_load %arg11[%get3A_364, %get3A_365] {strides = array<i32>} : memref<16x16xf32, #tpu.memory_space<vmem>>, vector<16xf32>,
      %parallel_loop3A_367 = arith.constant 0 : i32
      %parallel_loop3A_368 = arith.constant 64 : i32
      %parallel_loop3A_369 = arith.constant 1 : i32
      %parallel_loop3A_370:8 = scf.for %parallel_loop3A_867 = %parallel_loop3A_367 to %parallel_loop3A_368 step %parallel_loop3A_369 iter_args(%parallel_loop3A_868 = %get3A_338, %parallel_loop3A_869 = %get3A_342, %parallel_loop3A_870 = %get3A_346, %parallel_loop3A_871 = %get3A_350, %parallel_loop3A_872 = %get3A_354, %parallel_loop3A_873 = %get3A_358, %parallel_loop3A_874 = %get3A_362, %parallel_loop3A_875 = %get3A_366) -> (vector<16xf32>, vector<16xf32>, vector<16xf32>, vector<16xf32>, vector<16xf32>, vector<16xf32>, vector<16xf32>, vector<16xf32>)  : i32 {
        %parallel_loop3A_876 = arith.constant 16 : i32
        %parallel_loop3A_877 = arith.muli %parallel_loop3A_867, %parallel_loop3A_876 : i32
        %parallel_loop3A_878 = arith.constant 8 : i32
        %parallel_loop3A_879 = arith.index_cast %parallel_loop3A_878 : i32 to index
        %parallel_loop3A_880 = arith.index_cast %parallel_loop3A_877 : i32 to index
        %parallel_loop3A_881 = tpu.vector_load %arg5[%parallel_loop3A_879, %parallel_loop3A_880] {strides = array<i32>} : memref<16x1024xf32, #tpu.memory_space<vmem>>, vector<16xf32>,
        %parallel_loop3A_882 = arith.constant 8 : i32
        %parallel_loop3A_883 = arith.index_cast %parallel_loop3A_882 : i32 to index
        %parallel_loop3A_884 = arith.index_cast %parallel_loop3A_877 : i32 to index
        %parallel_loop3A_885 = tpu.vector_load %arg7[%parallel_loop3A_883, %parallel_loop3A_884] {strides = array<i32>} : memref<16x1024xf32, #tpu.memory_space<vmem>>, vector<16xf32>,
        %parallel_loop3A_886 = arith.mulf %parallel_loop3A_881, %parallel_loop3A_885 : vector<16xf32>
        %parallel_loop3A_887 = arith.constant true
        %parallel_loop3A_888 = vector.broadcast %parallel_loop3A_887 : i1 to vector<16xi1>
        %parallel_loop3A_889 = tpu.scan <sum>, %parallel_loop3A_886 masked %parallel_loop3A_888 : vector<16xf32>, vector<16xi1> -> vector<16xf32>
        %parallel_loop3A_890 = arith.addf %parallel_loop3A_889, %parallel_loop3A_868 : vector<16xf32>
        %parallel_loop3A_891 = arith.constant 8 : i32
        %parallel_loop3A_892 = arith.index_cast %parallel_loop3A_891 : i32 to index
        %parallel_loop3A_893 = arith.index_cast %parallel_loop3A_877 : i32 to index
        %parallel_loop3A_894 = tpu.vector_load %arg9[%parallel_loop3A_892, %parallel_loop3A_893] {strides = array<i32>} : memref<16x1024xf32, #tpu.memory_space<vmem>>, vector<16xf32>,
        tpu.vector_store %arg9[%parallel_loop3A_892, %parallel_loop3A_893], %parallel_loop3A_890 {strides = array<i32>} : memref<16x1024xf32, #tpu.memory_space<vmem>>, vector<16xf32>,
        %parallel_loop3A_895 = vector.extract_strided_slice %parallel_loop3A_890 {offsets = [15], sizes = [1], strides = [1]} : vector<16xf32> to vector<1xf32>
        %parallel_loop3A_896 = vector.extract %parallel_loop3A_895[0] : f32 from vector<1xf32>
        %parallel_loop3A_897 = vector.broadcast %parallel_loop3A_896 : f32 to vector<16xf32>
        %parallel_loop3A_898 = arith.constant 16 : i32
        %parallel_loop3A_899 = arith.muli %parallel_loop3A_867, %parallel_loop3A_898 : i32
        %parallel_loop3A_900 = arith.constant 9 : i32
        %parallel_loop3A_901 = arith.index_cast %parallel_loop3A_900 : i32 to index
        %parallel_loop3A_902 = arith.index_cast %parallel_loop3A_899 : i32 to index
        %parallel_loop3A_903 = tpu.vector_load %arg5[%parallel_loop3A_901, %parallel_loop3A_902] {strides = array<i32>} : memref<16x1024xf32, #tpu.memory_space<vmem>>, vector<16xf32>,
        %parallel_loop3A_904 = arith.constant 9 : i32
        %parallel_loop3A_905 = arith.index_cast %parallel_loop3A_904 : i32 to index
        %parallel_loop3A_906 = arith.index_cast %parallel_loop3A_899 : i32 to index
        %parallel_loop3A_907 = tpu.vector_load %arg7[%parallel_loop3A_905, %parallel_loop3A_906] {strides = array<i32>} : memref<16x1024xf32, #tpu.memory_space<vmem>>, vector<16xf32>,
        %parallel_loop3A_908 = arith.mulf %parallel_loop3A_903, %parallel_loop3A_907 : vector<16xf32>
        %parallel_loop3A_909 = arith.constant true
        %parallel_loop3A_910 = vector.broadcast %parallel_loop3A_909 : i1 to vector<16xi1>
        %parallel_loop3A_911 = tpu.scan <sum>, %parallel_loop3A_908 masked %parallel_loop3A_910 : vector<16xf32>, vector<16xi1> -> vector<16xf32>
        %parallel_loop3A_912 = arith.addf %parallel_loop3A_911, %parallel_loop3A_869 : vector<16xf32>
        %parallel_loop3A_913 = arith.constant 9 : i32
        %parallel_loop3A_914 = arith.index_cast %parallel_loop3A_913 : i32 to index
        %parallel_loop3A_915 = arith.index_cast %parallel_loop3A_899 : i32 to index
        %parallel_loop3A_916 = tpu.vector_load %arg9[%parallel_loop3A_914, %parallel_loop3A_915] {strides = array<i32>} : memref<16x1024xf32, #tpu.memory_space<vmem>>, vector<16xf32>,
        tpu.vector_store %arg9[%parallel_loop3A_914, %parallel_loop3A_915], %parallel_loop3A_912 {strides = array<i32>} : memref<16x1024xf32, #tpu.memory_space<vmem>>, vector<16xf32>,
        %parallel_loop3A_917 = vector.extract_strided_slice %parallel_loop3A_912 {offsets = [15], sizes = [1], strides = [1]} : vector<16xf32> to vector<1xf32>
        %parallel_loop3A_918 = vector.extract %parallel_loop3A_917[0] : f32 from vector<1xf32>
        %parallel_loop3A_919 = vector.broadcast %parallel_loop3A_918 : f32 to vector<16xf32>
        %parallel_loop3A_920 = arith.constant 16 : i32
        %parallel_loop3A_921 = arith.muli %parallel_loop3A_867, %parallel_loop3A_920 : i32
        %parallel_loop3A_922 = arith.constant 10 : i32
        %parallel_loop3A_923 = arith.index_cast %parallel_loop3A_922 : i32 to index
        %parallel_loop3A_924 = arith.index_cast %parallel_loop3A_921 : i32 to index
        %parallel_loop3A_925 = tpu.vector_load %arg5[%parallel_loop3A_923, %parallel_loop3A_924] {strides = array<i32>} : memref<16x1024xf32, #tpu.memory_space<vmem>>, vector<16xf32>,
        %parallel_loop3A_926 = arith.constant 10 : i32
        %parallel_loop3A_927 = arith.index_cast %parallel_loop3A_926 : i32 to index
        %parallel_loop3A_928 = arith.index_cast %parallel_loop3A_921 : i32 to index
        %parallel_loop3A_929 = tpu.vector_load %arg7[%parallel_loop3A_927, %parallel_loop3A_928] {strides = array<i32>} : memref<16x1024xf32, #tpu.memory_space<vmem>>, vector<16xf32>,
        %parallel_loop3A_930 = arith.mulf %parallel_loop3A_925, %parallel_loop3A_929 : vector<16xf32>
        %parallel_loop3A_931 = arith.constant true
        %parallel_loop3A_932 = vector.broadcast %parallel_loop3A_931 : i1 to vector<16xi1>
        %parallel_loop3A_933 = tpu.scan <sum>, %parallel_loop3A_930 masked %parallel_loop3A_932 : vector<16xf32>, vector<16xi1> -> vector<16xf32>
        %parallel_loop3A_934 = arith.addf %parallel_loop3A_933, %parallel_loop3A_870 : vector<16xf32>
        %parallel_loop3A_935 = arith.constant 10 : i32
        %parallel_loop3A_936 = arith.index_cast %parallel_loop3A_935 : i32 to index
        %parallel_loop3A_937 = arith.index_cast %parallel_loop3A_921 : i32 to index
        %parallel_loop3A_938 = tpu.vector_load %arg9[%parallel_loop3A_936, %parallel_loop3A_937] {strides = array<i32>} : memref<16x1024xf32, #tpu.memory_space<vmem>>, vector<16xf32>,
        tpu.vector_store %arg9[%parallel_loop3A_936, %parallel_loop3A_937], %parallel_loop3A_934 {strides = array<i32>} : memref<16x1024xf32, #tpu.memory_space<vmem>>, vector<16xf32>,
        %parallel_loop3A_939 = vector.extract_strided_slice %parallel_loop3A_934 {offsets = [15], sizes = [1], strides = [1]} : vector<16xf32> to vector<1xf32>
        %parallel_loop3A_940 = vector.extract %parallel_loop3A_939[0] : f32 from vector<1xf32>
        %parallel_loop3A_941 = vector.broadcast %parallel_loop3A_940 : f32 to vector<16xf32>
        %parallel_loop3A_942 = arith.constant 16 : i32
        %parallel_loop3A_943 = arith.muli %parallel_loop3A_867, %parallel_loop3A_942 : i32
        %parallel_loop3A_944 = arith.constant 11 : i32
        %parallel_loop3A_945 = arith.index_cast %parallel_loop3A_944 : i32 to index
        %parallel_loop3A_946 = arith.index_cast %parallel_loop3A_943 : i32 to index
        %parallel_loop3A_947 = tpu.vector_load %arg5[%parallel_loop3A_945, %parallel_loop3A_946] {strides = array<i32>} : memref<16x1024xf32, #tpu.memory_space<vmem>>, vector<16xf32>,
        %parallel_loop3A_948 = arith.constant 11 : i32
        %parallel_loop3A_949 = arith.index_cast %parallel_loop3A_948 : i32 to index
        %parallel_loop3A_950 = arith.index_cast %parallel_loop3A_943 : i32 to index
        %parallel_loop3A_951 = tpu.vector_load %arg7[%parallel_loop3A_949, %parallel_loop3A_950] {strides = array<i32>} : memref<16x1024xf32, #tpu.memory_space<vmem>>, vector<16xf32>,
        %parallel_loop3A_952 = arith.mulf %parallel_loop3A_947, %parallel_loop3A_951 : vector<16xf32>
        %parallel_loop3A_953 = arith.constant true
        %parallel_loop3A_954 = vector.broadcast %parallel_loop3A_953 : i1 to vector<16xi1>
        %parallel_loop3A_955 = tpu.scan <sum>, %parallel_loop3A_952 masked %parallel_loop3A_954 : vector<16xf32>, vector<16xi1> -> vector<16xf32>
        %parallel_loop3A_956 = arith.addf %parallel_loop3A_955, %parallel_loop3A_871 : vector<16xf32>
        %parallel_loop3A_957 = arith.constant 11 : i32
        %parallel_loop3A_958 = arith.index_cast %parallel_loop3A_957 : i32 to index
        %parallel_loop3A_959 = arith.index_cast %parallel_loop3A_943 : i32 to index
        %parallel_loop3A_960 = tpu.vector_load %arg9[%parallel_loop3A_958, %parallel_loop3A_959] {strides = array<i32>} : memref<16x1024xf32, #tpu.memory_space<vmem>>, vector<16xf32>,
        tpu.vector_store %arg9[%parallel_loop3A_958, %parallel_loop3A_959], %parallel_loop3A_956 {strides = array<i32>} : memref<16x1024xf32, #tpu.memory_space<vmem>>, vector<16xf32>,
        %parallel_loop3A_961 = vector.extract_strided_slice %parallel_loop3A_956 {offsets = [15], sizes = [1], strides = [1]} : vector<16xf32> to vector<1xf32>
        %parallel_loop3A_962 = vector.extract %parallel_loop3A_961[0] : f32 from vector<1xf32>
        %parallel_loop3A_963 = vector.broadcast %parallel_loop3A_962 : f32 to vector<16xf32>
        %parallel_loop3A_964 = arith.constant 16 : i32
        %parallel_loop3A_965 = arith.muli %parallel_loop3A_867, %parallel_loop3A_964 : i32
        %parallel_loop3A_966 = arith.constant 12 : i32
        %parallel_loop3A_967 = arith.index_cast %parallel_loop3A_966 : i32 to index
        %parallel_loop3A_968 = arith.index_cast %parallel_loop3A_965 : i32 to index
        %parallel_loop3A_969 = tpu.vector_load %arg5[%parallel_loop3A_967, %parallel_loop3A_968] {strides = array<i32>} : memref<16x1024xf32, #tpu.memory_space<vmem>>, vector<16xf32>,
        %parallel_loop3A_970 = arith.constant 12 : i32
        %parallel_loop3A_971 = arith.index_cast %parallel_loop3A_970 : i32 to index
        %parallel_loop3A_972 = arith.index_cast %parallel_loop3A_965 : i32 to index
        %parallel_loop3A_973 = tpu.vector_load %arg7[%parallel_loop3A_971, %parallel_loop3A_972] {strides = array<i32>} : memref<16x1024xf32, #tpu.memory_space<vmem>>, vector<16xf32>,
        %parallel_loop3A_974 = arith.mulf %parallel_loop3A_969, %parallel_loop3A_973 : vector<16xf32>
        %parallel_loop3A_975 = arith.constant true
        %parallel_loop3A_976 = vector.broadcast %parallel_loop3A_975 : i1 to vector<16xi1>
        %parallel_loop3A_977 = tpu.scan <sum>, %parallel_loop3A_974 masked %parallel_loop3A_976 : vector<16xf32>, vector<16xi1> -> vector<16xf32>
        %parallel_loop3A_978 = arith.addf %parallel_loop3A_977, %parallel_loop3A_872 : vector<16xf32>
        %parallel_loop3A_979 = arith.constant 12 : i32
        %parallel_loop3A_980 = arith.index_cast %parallel_loop3A_979 : i32 to index
        %parallel_loop3A_981 = arith.index_cast %parallel_loop3A_965 : i32 to index
        %parallel_loop3A_982 = tpu.vector_load %arg9[%parallel_loop3A_980, %parallel_loop3A_981] {strides = array<i32>} : memref<16x1024xf32, #tpu.memory_space<vmem>>, vector<16xf32>,
        tpu.vector_store %arg9[%parallel_loop3A_980, %parallel_loop3A_981], %parallel_loop3A_978 {strides = array<i32>} : memref<16x1024xf32, #tpu.memory_space<vmem>>, vector<16xf32>,
        %parallel_loop3A_983 = vector.extract_strided_slice %parallel_loop3A_978 {offsets = [15], sizes = [1], strides = [1]} : vector<16xf32> to vector<1xf32>
        %parallel_loop3A_984 = vector.extract %parallel_loop3A_983[0] : f32 from vector<1xf32>
        %parallel_loop3A_985 = vector.broadcast %parallel_loop3A_984 : f32 to vector<16xf32>
        %parallel_loop3A_986 = arith.constant 16 : i32
        %parallel_loop3A_987 = arith.muli %parallel_loop3A_867, %parallel_loop3A_986 : i32
        %parallel_loop3A_988 = arith.constant 13 : i32
        %parallel_loop3A_989 = arith.index_cast %parallel_loop3A_988 : i32 to index
        %parallel_loop3A_990 = arith.index_cast %parallel_loop3A_987 : i32 to index
        %parallel_loop3A_991 = tpu.vector_load %arg5[%parallel_loop3A_989, %parallel_loop3A_990] {strides = array<i32>} : memref<16x1024xf32, #tpu.memory_space<vmem>>, vector<16xf32>,
        %parallel_loop3A_992 = arith.constant 13 : i32
        %parallel_loop3A_993 = arith.index_cast %parallel_loop3A_992 : i32 to index
        %parallel_loop3A_994 = arith.index_cast %parallel_loop3A_987 : i32 to index
        %parallel_loop3A_995 = tpu.vector_load %arg7[%parallel_loop3A_993, %parallel_loop3A_994] {strides = array<i32>} : memref<16x1024xf32, #tpu.memory_space<vmem>>, vector<16xf32>,
        %parallel_loop3A_996 = arith.mulf %parallel_loop3A_991, %parallel_loop3A_995 : vector<16xf32>
        %parallel_loop3A_997 = arith.constant true
        %parallel_loop3A_998 = vector.broadcast %parallel_loop3A_997 : i1 to vector<16xi1>
        %parallel_loop3A_999 = tpu.scan <sum>, %parallel_loop3A_996 masked %parallel_loop3A_998 : vector<16xf32>, vector<16xi1> -> vector<16xf32>
        %parallel_loop3A_1000 = arith.addf %parallel_loop3A_999, %parallel_loop3A_873 : vector<16xf32>
        %parallel_loop3A_1001 = arith.constant 13 : i32
        %parallel_loop3A_1002 = arith.index_cast %parallel_loop3A_1001 : i32 to index
        %parallel_loop3A_1003 = arith.index_cast %parallel_loop3A_987 : i32 to index
        %parallel_loop3A_1004 = tpu.vector_load %arg9[%parallel_loop3A_1002, %parallel_loop3A_1003] {strides = array<i32>} : memref<16x1024xf32, #tpu.memory_space<vmem>>, vector<16xf32>,
        tpu.vector_store %arg9[%parallel_loop3A_1002, %parallel_loop3A_1003], %parallel_loop3A_1000 {strides = array<i32>} : memref<16x1024xf32, #tpu.memory_space<vmem>>, vector<16xf32>,
        %parallel_loop3A_1005 = vector.extract_strided_slice %parallel_loop3A_1000 {offsets = [15], sizes = [1], strides = [1]} : vector<16xf32> to vector<1xf32>
        %parallel_loop3A_1006 = vector.extract %parallel_loop3A_1005[0] : f32 from vector<1xf32>
        %parallel_loop3A_1007 = vector.broadcast %parallel_loop3A_1006 : f32 to vector<16xf32>
        %parallel_loop3A_1008 = arith.constant 16 : i32
        %parallel_loop3A_1009 = arith.muli %parallel_loop3A_867, %parallel_loop3A_1008 : i32
        %parallel_loop3A_1010 = arith.constant 14 : i32
        %parallel_loop3A_1011 = arith.index_cast %parallel_loop3A_1010 : i32 to index
        %parallel_loop3A_1012 = arith.index_cast %parallel_loop3A_1009 : i32 to index
        %parallel_loop3A_1013 = tpu.vector_load %arg5[%parallel_loop3A_1011, %parallel_loop3A_1012] {strides = array<i32>} : memref<16x1024xf32, #tpu.memory_space<vmem>>, vector<16xf32>,
        %parallel_loop3A_1014 = arith.constant 14 : i32
        %parallel_loop3A_1015 = arith.index_cast %parallel_loop3A_1014 : i32 to index
        %parallel_loop3A_1016 = arith.index_cast %parallel_loop3A_1009 : i32 to index
        %parallel_loop3A_1017 = tpu.vector_load %arg7[%parallel_loop3A_1015, %parallel_loop3A_1016] {strides = array<i32>} : memref<16x1024xf32, #tpu.memory_space<vmem>>, vector<16xf32>,
        %parallel_loop3A_1018 = arith.mulf %parallel_loop3A_1013, %parallel_loop3A_1017 : vector<16xf32>
        %parallel_loop3A_1019 = arith.constant true
        %parallel_loop3A_1020 = vector.broadcast %parallel_loop3A_1019 : i1 to vector<16xi1>
        %parallel_loop3A_1021 = tpu.scan <sum>, %parallel_loop3A_1018 masked %parallel_loop3A_1020 : vector<16xf32>, vector<16xi1> -> vector<16xf32>
        %parallel_loop3A_1022 = arith.addf %parallel_loop3A_1021, %parallel_loop3A_874 : vector<16xf32>
        %parallel_loop3A_1023 = arith.constant 14 : i32
        %parallel_loop3A_1024 = arith.index_cast %parallel_loop3A_1023 : i32 to index
        %parallel_loop3A_1025 = arith.index_cast %parallel_loop3A_1009 : i32 to index
        %parallel_loop3A_1026 = tpu.vector_load %arg9[%parallel_loop3A_1024, %parallel_loop3A_1025] {strides = array<i32>} : memref<16x1024xf32, #tpu.memory_space<vmem>>, vector<16xf32>,
        tpu.vector_store %arg9[%parallel_loop3A_1024, %parallel_loop3A_1025], %parallel_loop3A_1022 {strides = array<i32>} : memref<16x1024xf32, #tpu.memory_space<vmem>>, vector<16xf32>,
        %parallel_loop3A_1027 = vector.extract_strided_slice %parallel_loop3A_1022 {offsets = [15], sizes = [1], strides = [1]} : vector<16xf32> to vector<1xf32>
        %parallel_loop3A_1028 = vector.extract %parallel_loop3A_1027[0] : f32 from vector<1xf32>
        %parallel_loop3A_1029 = vector.broadcast %parallel_loop3A_1028 : f32 to vector<16xf32>
        %parallel_loop3A_1030 = arith.constant 16 : i32
        %parallel_loop3A_1031 = arith.muli %parallel_loop3A_867, %parallel_loop3A_1030 : i32
        %parallel_loop3A_1032 = arith.constant 15 : i32
        %parallel_loop3A_1033 = arith.index_cast %parallel_loop3A_1032 : i32 to index
        %parallel_loop3A_1034 = arith.index_cast %parallel_loop3A_1031 : i32 to index
        %parallel_loop3A_1035 = tpu.vector_load %arg5[%parallel_loop3A_1033, %parallel_loop3A_1034] {strides = array<i32>} : memref<16x1024xf32, #tpu.memory_space<vmem>>, vector<16xf32>,
        %parallel_loop3A_1036 = arith.constant 15 : i32
        %parallel_loop3A_1037 = arith.index_cast %parallel_loop3A_1036 : i32 to index
        %parallel_loop3A_1038 = arith.index_cast %parallel_loop3A_1031 : i32 to index
        %parallel_loop3A_1039 = tpu.vector_load %arg7[%parallel_loop3A_1037, %parallel_loop3A_1038] {strides = array<i32>} : memref<16x1024xf32, #tpu.memory_space<vmem>>, vector<16xf32>,
        %parallel_loop3A_1040 = arith.mulf %parallel_loop3A_1035, %parallel_loop3A_1039 : vector<16xf32>
        %parallel_loop3A_1041 = arith.constant true
        %parallel_loop3A_1042 = vector.broadcast %parallel_loop3A_1041 : i1 to vector<16xi1>
        %parallel_loop3A_1043 = tpu.scan <sum>, %parallel_loop3A_1040 masked %parallel_loop3A_1042 : vector<16xf32>, vector<16xi1> -> vector<16xf32>
        %parallel_loop3A_1044 = arith.addf %parallel_loop3A_1043, %parallel_loop3A_875 : vector<16xf32>
        %parallel_loop3A_1045 = arith.constant 15 : i32
        %parallel_loop3A_1046 = arith.index_cast %parallel_loop3A_1045 : i32 to index
        %parallel_loop3A_1047 = arith.index_cast %parallel_loop3A_1031 : i32 to index
        %parallel_loop3A_1048 = tpu.vector_load %arg9[%parallel_loop3A_1046, %parallel_loop3A_1047] {strides = array<i32>} : memref<16x1024xf32, #tpu.memory_space<vmem>>, vector<16xf32>,
        tpu.vector_store %arg9[%parallel_loop3A_1046, %parallel_loop3A_1047], %parallel_loop3A_1044 {strides = array<i32>} : memref<16x1024xf32, #tpu.memory_space<vmem>>, vector<16xf32>,
        %parallel_loop3A_1049 = vector.extract_strided_slice %parallel_loop3A_1044 {offsets = [15], sizes = [1], strides = [1]} : vector<16xf32> to vector<1xf32>
        %parallel_loop3A_1050 = vector.extract %parallel_loop3A_1049[0] : f32 from vector<1xf32>
        %parallel_loop3A_1051 = vector.broadcast %parallel_loop3A_1050 : f32 to vector<16xf32>
        scf.yield %parallel_loop3A_897, %parallel_loop3A_919, %parallel_loop3A_941, %parallel_loop3A_963, %parallel_loop3A_985, %parallel_loop3A_1007, %parallel_loop3A_1029, %parallel_loop3A_1051 : vector<16xf32>, vector<16xf32>, vector<16xf32>, vector<16xf32>, vector<16xf32>, vector<16xf32>, vector<16xf32>, vector<16xf32>
      } {sc.loop_unroll_factor = 2 : i64, sc.parallel_access}
      %swap3A_371 = arith.constant 8 : i32
      %swap3A_372 = arith.index_cast %swap3A_371 : i32 to index
      %swap3A_373 = arith.constant 0 : index
      %swap3A_374 = tpu.vector_load %arg11[%swap3A_372, %swap3A_373] {strides = array<i32>} : memref<16x16xf32, #tpu.memory_space<vmem>>, vector<16xf32>,
      tpu.vector_store %arg11[%swap3A_372, %swap3A_373], %parallel_loop3A_370#0 {strides = array<i32>} : memref<16x16xf32, #tpu.memory_space<vmem>>, vector<16xf32>,
      %swap3A_375 = arith.constant 9 : i32
      %swap3A_376 = arith.index_cast %swap3A_375 : i32 to index
      %swap3A_377 = arith.constant 0 : index
      %swap3A_378 = tpu.vector_load %arg11[%swap3A_376, %swap3A_377] {strides = array<i32>} : memref<16x16xf32, #tpu.memory_space<vmem>>, vector<16xf32>,
      tpu.vector_store %arg11[%swap3A_376, %swap3A_377], %parallel_loop3A_370#1 {strides = array<i32>} : memref<16x16xf32, #tpu.memory_space<vmem>>, vector<16xf32>,
      %swap3A_379 = arith.constant 10 : i32
      %swap3A_380 = arith.index_cast %swap3A_379 : i32 to index
      %swap3A_381 = arith.constant 0 : index
      %swap3A_382 = tpu.vector_load %arg11[%swap3A_380, %swap3A_381] {strides = array<i32>} : memref<16x16xf32, #tpu.memory_space<vmem>>, vector<16xf32>,
      tpu.vector_store %arg11[%swap3A_380, %swap3A_381], %parallel_loop3A_370#2 {strides = array<i32>} : memref<16x16xf32, #tpu.memory_space<vmem>>, vector<16xf32>,
      %swap3A_383 = arith.constant 11 : i32
      %swap3A_384 = arith.index_cast %swap3A_383 : i32 to index
      %swap3A_385 = arith.constant 0 : index
      %swap3A_386 = tpu.vector_load %arg11[%swap3A_384, %swap3A_385] {strides = array<i32>} : memref<16x16xf32, #tpu.memory_space<vmem>>, vector<16xf32>,
      tpu.vector_store %arg11[%swap3A_384, %swap3A_385], %parallel_loop3A_370#3 {strides = array<i32>} : memref<16x16xf32, #tpu.memory_space<vmem>>, vector<16xf32>,
      %swap3A_387 = arith.constant 12 : i32
      %swap3A_388 = arith.index_cast %swap3A_387 : i32 to index
      %swap3A_389 = arith.constant 0 : index
      %swap3A_390 = tpu.vector_load %arg11[%swap3A_388, %swap3A_389] {strides = array<i32>} : memref<16x16xf32, #tpu.memory_space<vmem>>, vector<16xf32>,
      tpu.vector_store %arg11[%swap3A_388, %swap3A_389], %parallel_loop3A_370#4 {strides = array<i32>} : memref<16x16xf32, #tpu.memory_space<vmem>>, vector<16xf32>,
      %swap3A_391 = arith.constant 13 : i32
      %swap3A_392 = arith.index_cast %swap3A_391 : i32 to index
      %swap3A_393 = arith.constant 0 : index
      %swap3A_394 = tpu.vector_load %arg11[%swap3A_392, %swap3A_393] {strides = array<i32>} : memref<16x16xf32, #tpu.memory_space<vmem>>, vector<16xf32>,
      tpu.vector_store %arg11[%swap3A_392, %swap3A_393], %parallel_loop3A_370#5 {strides = array<i32>} : memref<16x16xf32, #tpu.memory_space<vmem>>, vector<16xf32>,
      %swap3A_395 = arith.constant 14 : i32
      %swap3A_396 = arith.index_cast %swap3A_395 : i32 to index
      %swap3A_397 = arith.constant 0 : index
      %swap3A_398 = tpu.vector_load %arg11[%swap3A_396, %swap3A_397] {strides = array<i32>} : memref<16x16xf32, #tpu.memory_space<vmem>>, vector<16xf32>,
      tpu.vector_store %arg11[%swap3A_396, %swap3A_397], %parallel_loop3A_370#6 {strides = array<i32>} : memref<16x16xf32, #tpu.memory_space<vmem>>, vector<16xf32>,
      %swap3A_399 = arith.constant 15 : i32
      %swap3A_400 = arith.index_cast %swap3A_399 : i32 to index
      %swap3A_401 = arith.constant 0 : index
      %swap3A_402 = tpu.vector_load %arg11[%swap3A_400, %swap3A_401] {strides = array<i32>} : memref<16x16xf32, #tpu.memory_space<vmem>>, vector<16xf32>,
      tpu.vector_store %arg11[%swap3A_400, %swap3A_401], %parallel_loop3A_370#7 {strides = array<i32>} : memref<16x16xf32, #tpu.memory_space<vmem>>, vector<16xf32>,
      %mul3A_403 = arith.constant 32 : i32
      %mul3A_404 = arith.muli %add3A, %mul3A_403 : i32
      %jit3A_405 = arith.constant 32 : i32
      %div3A_406 = arith.divsi %add3A_57, %jit3A_405 : i32
      %sign3A_407 = arith.constant 0 : i32
      %sign3A_408 = arith.cmpi sgt, %add3A_57, %sign3A_407 : i32
      %sign3A_409 = arith.extui %sign3A_408 : i1 to i32
      %sign3A_410 = arith.constant 0 : i32
      %sign3A_411 = arith.cmpi slt, %add3A_57, %sign3A_410 : i32
      %sign3A_412 = arith.extui %sign3A_411 : i1 to i32
      %sign3A_413 = arith.subi %sign3A_409, %sign3A_412 : i32
      %sign3A_414 = arith.constant 0 : i32
      %sign3A_415 = arith.cmpi sgt, %jit3A_405, %sign3A_414 : i32
      %sign3A_416 = arith.extui %sign3A_415 : i1 to i32
      %sign3A_417 = arith.constant 0 : i32
      %sign3A_418 = arith.cmpi slt, %jit3A_405, %sign3A_417 : i32
      %sign3A_419 = arith.extui %sign3A_418 : i1 to i32
      %sign3A_420 = arith.subi %sign3A_416, %sign3A_419 : i32
      %ne3A_421 = arith.cmpi ne, %sign3A_413, %sign3A_420 : i32
      %rem3A_422 = arith.remsi %add3A_57, %jit3A_405 : i32
      %ne3A_423 = arith.constant 0 : i32
      %ne3A_424 = arith.cmpi ne, %rem3A_422, %ne3A_423 : i32
      %and3A_425 = arith.andi %ne3A_421, %ne3A_424 : i1
      %sub3A_426 = arith.constant 1 : i32
      %sub3A_427 = arith.subi %div3A_406, %sub3A_426 : i32
      %select_n3A_428 = arith.select %and3A_425, %sub3A_427, %div3A_406 : i32
      %mul3A_429 = arith.constant 16 : i32
      %mul3A_430 = arith.muli %select_n3A_428, %mul3A_429 : i32
      %add3A_431 = arith.addi %mul3A_404, %mul3A_430 : i32
      %jit3A_432 = arith.constant 32 : i32
      %eq3A_433 = arith.constant 0 : i32
      %eq3A_434 = arith.cmpi eq, %jit3A_432, %eq3A_433 : i32
      %jit3A_435 = arith.constant 1 : i32
      %select_n3A_436 = arith.select %eq3A_434, %jit3A_435, %jit3A_432 : i32
      %rem3A_437 = arith.remsi %add3A_57, %select_n3A_436 : i32
      %ne3A_438 = arith.constant 0 : i32
      %ne3A_439 = arith.cmpi ne, %rem3A_437, %ne3A_438 : i32
      %lt3A_440 = arith.constant 0 : i32
      %lt3A_441 = arith.cmpi slt, %rem3A_437, %lt3A_440 : i32
      %lt3A_442 = arith.constant 0 : i32
      %lt3A_443 = arith.cmpi slt, %select_n3A_436, %lt3A_442 : i32
      %ne3A_444 = arith.xori %lt3A_441, %lt3A_443 : i1
      %and3A_445 = arith.andi %ne3A_444, %ne3A_439 : i1
      %add3A_446 = arith.addi %rem3A_437, %select_n3A_436 : i32
      %select_n3A_447 = arith.select %and3A_445, %add3A_446, %rem3A_437 : i32
      %mul3A_448 = arith.constant 1024 : i32
      %mul3A_449 = arith.muli %select_n3A_447, %mul3A_448 : i32
      %dma_start3A_450 = tpu.memref_slice %arg4[%add3A_431, %mul3A_449] : memref<1024x32768xf32, #tpu.memory_space<hbm>> -> memref<16x1024xf32, #tpu.memory_space<hbm>>
      %dma_start3A_451 = tpu.memref_slice %arg4[%add3A_431, %mul3A_449] : memref<1024x32768xf32, #tpu.memory_space<hbm>> -> memref<16x1024xf32, #tpu.memory_space<hbm>>
      tpu.enqueue_dma source(%arg9 : memref<16x1024xf32, #tpu.memory_space<vmem>>) target(%dma_start3A_451 : memref<16x1024xf32, #tpu.memory_space<hbm>>) target_semaphore(%arg16 : memref<!tpu.dma_semaphore, #tpu.memory_space<semaphore_mem>>)
      %mul3A_452 = arith.constant 2 : i32
      %mul3A_453 = arith.muli %scan3A_53, %mul3A_452 : i32
      %add3A_454 = arith.constant 1 : i32
      %add3A_455 = arith.addi %mul3A_453, %add3A_454 : i32
      %add3A_456 = arith.constant 1 : i32
      %add3A_457 = arith.addi %add3A_455, %add3A_456 : i32
      %min3A_458 = arith.constant 63 : i32
      %min3A_459 = arith.minsi %add3A_457, %min3A_458 : i32
      %mul3A_460 = arith.constant 32 : i32
      %mul3A_461 = arith.muli %add3A, %mul3A_460 : i32
      %jit3A_462 = arith.constant 32 : i32
      %div3A_463 = arith.divsi %min3A_459, %jit3A_462 : i32
      %sign3A_464 = arith.constant 0 : i32
      %sign3A_465 = arith.cmpi sgt, %min3A_459, %sign3A_464 : i32
      %sign3A_466 = arith.extui %sign3A_465 : i1 to i32
      %sign3A_467 = arith.constant 0 : i32
      %sign3A_468 = arith.cmpi slt, %min3A_459, %sign3A_467 : i32
      %sign3A_469 = arith.extui %sign3A_468 : i1 to i32
      %sign3A_470 = arith.subi %sign3A_466, %sign3A_469 : i32
      %sign3A_471 = arith.constant 0 : i32
      %sign3A_472 = arith.cmpi sgt, %jit3A_462, %sign3A_471 : i32
      %sign3A_473 = arith.extui %sign3A_472 : i1 to i32
      %sign3A_474 = arith.constant 0 : i32
      %sign3A_475 = arith.cmpi slt, %jit3A_462, %sign3A_474 : i32
      %sign3A_476 = arith.extui %sign3A_475 : i1 to i32
      %sign3A_477 = arith.subi %sign3A_473, %sign3A_476 : i32
      %ne3A_478 = arith.cmpi ne, %sign3A_470, %sign3A_477 : i32
      %rem3A_479 = arith.remsi %min3A_459, %jit3A_462 : i32
      %ne3A_480 = arith.constant 0 : i32
      %ne3A_481 = arith.cmpi ne, %rem3A_479, %ne3A_480 : i32
      %and3A_482 = arith.andi %ne3A_478, %ne3A_481 : i1
      %sub3A_483 = arith.constant 1 : i32
      %sub3A_484 = arith.subi %div3A_463, %sub3A_483 : i32
      %select_n3A_485 = arith.select %and3A_482, %sub3A_484, %div3A_463 : i32
      %mul3A_486 = arith.constant 16 : i32
      %mul3A_487 = arith.muli %select_n3A_485, %mul3A_486 : i32
      %add3A_488 = arith.addi %mul3A_461, %mul3A_487 : i32
      %jit3A_489 = arith.constant 32 : i32
      %eq3A_490 = arith.constant 0 : i32
      %eq3A_491 = arith.cmpi eq, %jit3A_489, %eq3A_490 : i32
      %jit3A_492 = arith.constant 1 : i32
      %select_n3A_493 = arith.select %eq3A_491, %jit3A_492, %jit3A_489 : i32
      %rem3A_494 = arith.remsi %min3A_459, %select_n3A_493 : i32
      %ne3A_495 = arith.constant 0 : i32
      %ne3A_496 = arith.cmpi ne, %rem3A_494, %ne3A_495 : i32
      %lt3A_497 = arith.constant 0 : i32
      %lt3A_498 = arith.cmpi slt, %rem3A_494, %lt3A_497 : i32
      %lt3A_499 = arith.constant 0 : i32
      %lt3A_500 = arith.cmpi slt, %select_n3A_493, %lt3A_499 : i32
      %ne3A_501 = arith.xori %lt3A_498, %lt3A_500 : i1
      %and3A_502 = arith.andi %ne3A_501, %ne3A_496 : i1
      %add3A_503 = arith.addi %rem3A_494, %select_n3A_493 : i32
      %select_n3A_504 = arith.select %and3A_502, %add3A_503, %rem3A_494 : i32
      %mul3A_505 = arith.constant 1024 : i32
      %mul3A_506 = arith.muli %select_n3A_504, %mul3A_505 : i32
      %dma_start3A_507 = tpu.memref_slice %arg2[%add3A_488, %mul3A_506] : memref<1024x32768xf32, #tpu.memory_space<hbm>> -> memref<16x1024xf32, #tpu.memory_space<hbm>>
      %dma_start3A_508 = tpu.memref_slice %arg2[%add3A_488, %mul3A_506] : memref<1024x32768xf32, #tpu.memory_space<hbm>> -> memref<16x1024xf32, #tpu.memory_space<hbm>>
      tpu.enqueue_dma source(%dma_start3A_508 : memref<16x1024xf32, #tpu.memory_space<hbm>>) target(%arg5 : memref<16x1024xf32, #tpu.memory_space<vmem>>) target_semaphore(%arg12 : memref<!tpu.dma_semaphore, #tpu.memory_space<semaphore_mem>>)
      %mul3A_509 = arith.constant 32 : i32
      %mul3A_510 = arith.muli %add3A, %mul3A_509 : i32
      %jit3A_511 = arith.constant 32 : i32
      %div3A_512 = arith.divsi %min3A_459, %jit3A_511 : i32
      %sign3A_513 = arith.constant 0 : i32
      %sign3A_514 = arith.cmpi sgt, %min3A_459, %sign3A_513 : i32
      %sign3A_515 = arith.extui %sign3A_514 : i1 to i32
      %sign3A_516 = arith.constant 0 : i32
      %sign3A_517 = arith.cmpi slt, %min3A_459, %sign3A_516 : i32
      %sign3A_518 = arith.extui %sign3A_517 : i1 to i32
      %sign3A_519 = arith.subi %sign3A_515, %sign3A_518 : i32
      %sign3A_520 = arith.constant 0 : i32
      %sign3A_521 = arith.cmpi sgt, %jit3A_511, %sign3A_520 : i32
      %sign3A_522 = arith.extui %sign3A_521 : i1 to i32
      %sign3A_523 = arith.constant 0 : i32
      %sign3A_524 = arith.cmpi slt, %jit3A_511, %sign3A_523 : i32
      %sign3A_525 = arith.extui %sign3A_524 : i1 to i32
      %sign3A_526 = arith.subi %sign3A_522, %sign3A_525 : i32
      %ne3A_527 = arith.cmpi ne, %sign3A_519, %sign3A_526 : i32
      %rem3A_528 = arith.remsi %min3A_459, %jit3A_511 : i32
      %ne3A_529 = arith.constant 0 : i32
      %ne3A_530 = arith.cmpi ne, %rem3A_528, %ne3A_529 : i32
      %and3A_531 = arith.andi %ne3A_527, %ne3A_530 : i1
      %sub3A_532 = arith.constant 1 : i32
      %sub3A_533 = arith.subi %div3A_512, %sub3A_532 : i32
      %select_n3A_534 = arith.select %and3A_531, %sub3A_533, %div3A_512 : i32
      %mul3A_535 = arith.constant 16 : i32
      %mul3A_536 = arith.muli %select_n3A_534, %mul3A_535 : i32
      %add3A_537 = arith.addi %mul3A_510, %mul3A_536 : i32
      %jit3A_538 = arith.constant 32 : i32
      %eq3A_539 = arith.constant 0 : i32
      %eq3A_540 = arith.cmpi eq, %jit3A_538, %eq3A_539 : i32
      %jit3A_541 = arith.constant 1 : i32
      %select_n3A_542 = arith.select %eq3A_540, %jit3A_541, %jit3A_538 : i32
      %rem3A_543 = arith.remsi %min3A_459, %select_n3A_542 : i32
      %ne3A_544 = arith.constant 0 : i32
      %ne3A_545 = arith.cmpi ne, %rem3A_543, %ne3A_544 : i32
      %lt3A_546 = arith.constant 0 : i32
      %lt3A_547 = arith.cmpi slt, %rem3A_543, %lt3A_546 : i32
      %lt3A_548 = arith.constant 0 : i32
      %lt3A_549 = arith.cmpi slt, %select_n3A_542, %lt3A_548 : i32
      %ne3A_550 = arith.xori %lt3A_547, %lt3A_549 : i1
      %and3A_551 = arith.andi %ne3A_550, %ne3A_545 : i1
      %add3A_552 = arith.addi %rem3A_543, %select_n3A_542 : i32
      %select_n3A_553 = arith.select %and3A_551, %add3A_552, %rem3A_543 : i32
      %mul3A_554 = arith.constant 1024 : i32
      %mul3A_555 = arith.muli %select_n3A_553, %mul3A_554 : i32
      %dma_start3A_556 = tpu.memref_slice %arg3[%add3A_537, %mul3A_555] : memref<1024x32768xf32, #tpu.memory_space<hbm>> -> memref<16x1024xf32, #tpu.memory_space<hbm>>
      %dma_start3A_557 = tpu.memref_slice %arg3[%add3A_537, %mul3A_555] : memref<1024x32768xf32, #tpu.memory_space<hbm>> -> memref<16x1024xf32, #tpu.memory_space<hbm>>
      tpu.enqueue_dma source(%dma_start3A_557 : memref<16x1024xf32, #tpu.memory_space<hbm>>) target(%arg7 : memref<16x1024xf32, #tpu.memory_space<vmem>>) target_semaphore(%arg14 : memref<!tpu.dma_semaphore, #tpu.memory_space<semaphore_mem>>)
      %mul3A_558 = arith.constant 32 : i32
      %mul3A_559 = arith.muli %add3A, %mul3A_558 : i32
      %jit3A_560 = arith.constant 32 : i32
      %div3A_561 = arith.divsi %add3A_455, %jit3A_560 : i32
      %sign3A_562 = arith.constant 0 : i32
      %sign3A_563 = arith.cmpi sgt, %add3A_455, %sign3A_562 : i32
      %sign3A_564 = arith.extui %sign3A_563 : i1 to i32
      %sign3A_565 = arith.constant 0 : i32
      %sign3A_566 = arith.cmpi slt, %add3A_455, %sign3A_565 : i32
      %sign3A_567 = arith.extui %sign3A_566 : i1 to i32
      %sign3A_568 = arith.subi %sign3A_564, %sign3A_567 : i32
      %sign3A_569 = arith.constant 0 : i32
      %sign3A_570 = arith.cmpi sgt, %jit3A_560, %sign3A_569 : i32
      %sign3A_571 = arith.extui %sign3A_570 : i1 to i32
      %sign3A_572 = arith.constant 0 : i32
      %sign3A_573 = arith.cmpi slt, %jit3A_560, %sign3A_572 : i32
      %sign3A_574 = arith.extui %sign3A_573 : i1 to i32
      %sign3A_575 = arith.subi %sign3A_571, %sign3A_574 : i32
      %ne3A_576 = arith.cmpi ne, %sign3A_568, %sign3A_575 : i32
      %rem3A_577 = arith.remsi %add3A_455, %jit3A_560 : i32
      %ne3A_578 = arith.constant 0 : i32
      %ne3A_579 = arith.cmpi ne, %rem3A_577, %ne3A_578 : i32
      %and3A_580 = arith.andi %ne3A_576, %ne3A_579 : i1
      %sub3A_581 = arith.constant 1 : i32
      %sub3A_582 = arith.subi %div3A_561, %sub3A_581 : i32
      %select_n3A_583 = arith.select %and3A_580, %sub3A_582, %div3A_561 : i32
      %mul3A_584 = arith.constant 16 : i32
      %mul3A_585 = arith.muli %select_n3A_583, %mul3A_584 : i32
      %add3A_586 = arith.addi %mul3A_559, %mul3A_585 : i32
      %jit3A_587 = arith.constant 32 : i32
      %eq3A_588 = arith.constant 0 : i32
      %eq3A_589 = arith.cmpi eq, %jit3A_587, %eq3A_588 : i32
      %jit3A_590 = arith.constant 1 : i32
      %select_n3A_591 = arith.select %eq3A_589, %jit3A_590, %jit3A_587 : i32
      %rem3A_592 = arith.remsi %add3A_455, %select_n3A_591 : i32
      %ne3A_593 = arith.constant 0 : i32
      %ne3A_594 = arith.cmpi ne, %rem3A_592, %ne3A_593 : i32
      %lt3A_595 = arith.constant 0 : i32
      %lt3A_596 = arith.cmpi slt, %rem3A_592, %lt3A_595 : i32
      %lt3A_597 = arith.constant 0 : i32
      %lt3A_598 = arith.cmpi slt, %select_n3A_591, %lt3A_597 : i32
      %ne3A_599 = arith.xori %lt3A_596, %lt3A_598 : i1
      %and3A_600 = arith.andi %ne3A_599, %ne3A_594 : i1
      %add3A_601 = arith.addi %rem3A_592, %select_n3A_591 : i32
      %select_n3A_602 = arith.select %and3A_600, %add3A_601, %rem3A_592 : i32
      %mul3A_603 = arith.constant 1024 : i32
      %mul3A_604 = arith.muli %select_n3A_602, %mul3A_603 : i32
      %dma_wait3A_605 = tpu.memref_slice %arg2[%add3A_586, %mul3A_604] : memref<1024x32768xf32, #tpu.memory_space<hbm>> -> memref<16x1024xf32, #tpu.memory_space<hbm>>
      %dma_wait3A_606 = tpu.memref_slice %arg2[%add3A_586, %mul3A_604] : memref<1024x32768xf32, #tpu.memory_space<hbm>> -> memref<16x1024xf32, #tpu.memory_space<hbm>>
      tpu.wait_dma2 semaphore(%arg13 : memref<!tpu.dma_semaphore, #tpu.memory_space<semaphore_mem>>) src(%dma_wait3A_606 : memref<16x1024xf32, #tpu.memory_space<hbm>>) dst(%arg6 : memref<16x1024xf32, #tpu.memory_space<vmem>>)
      %mul3A_607 = arith.constant 32 : i32
      %mul3A_608 = arith.muli %add3A, %mul3A_607 : i32
      %jit3A_609 = arith.constant 32 : i32
      %div3A_610 = arith.divsi %add3A_455, %jit3A_609 : i32
      %sign3A_611 = arith.constant 0 : i32
      %sign3A_612 = arith.cmpi sgt, %add3A_455, %sign3A_611 : i32
      %sign3A_613 = arith.extui %sign3A_612 : i1 to i32
      %sign3A_614 = arith.constant 0 : i32
      %sign3A_615 = arith.cmpi slt, %add3A_455, %sign3A_614 : i32
      %sign3A_616 = arith.extui %sign3A_615 : i1 to i32
      %sign3A_617 = arith.subi %sign3A_613, %sign3A_616 : i32
      %sign3A_618 = arith.constant 0 : i32
      %sign3A_619 = arith.cmpi sgt, %jit3A_609, %sign3A_618 : i32
      %sign3A_620 = arith.extui %sign3A_619 : i1 to i32
      %sign3A_621 = arith.constant 0 : i32
      %sign3A_622 = arith.cmpi slt, %jit3A_609, %sign3A_621 : i32
      %sign3A_623 = arith.extui %sign3A_622 : i1 to i32
      %sign3A_624 = arith.subi %sign3A_620, %sign3A_623 : i32
      %ne3A_625 = arith.cmpi ne, %sign3A_617, %sign3A_624 : i32
      %rem3A_626 = arith.remsi %add3A_455, %jit3A_609 : i32
      %ne3A_627 = arith.constant 0 : i32
      %ne3A_628 = arith.cmpi ne, %rem3A_626, %ne3A_627 : i32
      %and3A_629 = arith.andi %ne3A_625, %ne3A_628 : i1
      %sub3A_630 = arith.constant 1 : i32
      %sub3A_631 = arith.subi %div3A_610, %sub3A_630 : i32
      %select_n3A_632 = arith.select %and3A_629, %sub3A_631, %div3A_610 : i32
      %mul3A_633 = arith.constant 16 : i32
      %mul3A_634 = arith.muli %select_n3A_632, %mul3A_633 : i32
      %add3A_635 = arith.addi %mul3A_608, %mul3A_634 : i32
      %jit3A_636 = arith.constant 32 : i32
      %eq3A_637 = arith.constant 0 : i32
      %eq3A_638 = arith.cmpi eq, %jit3A_636, %eq3A_637 : i32
      %jit3A_639 = arith.constant 1 : i32
      %select_n3A_640 = arith.select %eq3A_638, %jit3A_639, %jit3A_636 : i32
      %rem3A_641 = arith.remsi %add3A_455, %select_n3A_640 : i32
      %ne3A_642 = arith.constant 0 : i32
      %ne3A_643 = arith.cmpi ne, %rem3A_641, %ne3A_642 : i32
      %lt3A_644 = arith.constant 0 : i32
      %lt3A_645 = arith.cmpi slt, %rem3A_641, %lt3A_644 : i32
      %lt3A_646 = arith.constant 0 : i32
      %lt3A_647 = arith.cmpi slt, %select_n3A_640, %lt3A_646 : i32
      %ne3A_648 = arith.xori %lt3A_645, %lt3A_647 : i1
      %and3A_649 = arith.andi %ne3A_648, %ne3A_643 : i1
      %add3A_650 = arith.addi %rem3A_641, %select_n3A_640 : i32
      %select_n3A_651 = arith.select %and3A_649, %add3A_650, %rem3A_641 : i32
      %mul3A_652 = arith.constant 1024 : i32
      %mul3A_653 = arith.muli %select_n3A_651, %mul3A_652 : i32
      %dma_wait3A_654 = tpu.memref_slice %arg3[%add3A_635, %mul3A_653] : memref<1024x32768xf32, #tpu.memory_space<hbm>> -> memref<16x1024xf32, #tpu.memory_space<hbm>>
      %dma_wait3A_655 = tpu.memref_slice %arg3[%add3A_635, %mul3A_653] : memref<1024x32768xf32, #tpu.memory_space<hbm>> -> memref<16x1024xf32, #tpu.memory_space<hbm>>
      tpu.wait_dma2 semaphore(%arg15 : memref<!tpu.dma_semaphore, #tpu.memory_space<semaphore_mem>>) src(%dma_wait3A_655 : memref<16x1024xf32, #tpu.memory_space<hbm>>) dst(%arg8 : memref<16x1024xf32, #tpu.memory_space<vmem>>)
      %ge3A_656 = arith.constant 1 : i32
      %ge3A_657 = arith.cmpi sge, %scan3A_53, %ge3A_656 : i32
      %convert_element_type3A_658 = arith.extui %ge3A_657 : i1 to i32
      %cond3A_659 = arith.constant 0 : i32
      %cond3A_660 = arith.cmpi ne, %convert_element_type3A_658, %cond3A_659 : i32
      scf.if %cond3A_660 {
        %sub3A_867 = arith.constant 2 : i32
        %sub3A_868 = arith.subi %add3A_455, %sub3A_867 : i32
        %mul3A_869 = arith.constant 32 : i32
        %mul3A_870 = arith.muli %add3A, %mul3A_869 : i32
        %jit3A_871 = arith.constant 32 : i32
        %div3A_872 = arith.divsi %sub3A_868, %jit3A_871 : i32
        %sign3A_873 = arith.constant 0 : i32
        %sign3A_874 = arith.cmpi sgt, %sub3A_868, %sign3A_873 : i32
        %sign3A_875 = arith.extui %sign3A_874 : i1 to i32
        %sign3A_876 = arith.constant 0 : i32
        %sign3A_877 = arith.cmpi slt, %sub3A_868, %sign3A_876 : i32
        %sign3A_878 = arith.extui %sign3A_877 : i1 to i32
        %sign3A_879 = arith.subi %sign3A_875, %sign3A_878 : i32
        %sign3A_880 = arith.constant 0 : i32
        %sign3A_881 = arith.cmpi sgt, %jit3A_871, %sign3A_880 : i32
        %sign3A_882 = arith.extui %sign3A_881 : i1 to i32
        %sign3A_883 = arith.constant 0 : i32
        %sign3A_884 = arith.cmpi slt, %jit3A_871, %sign3A_883 : i32
        %sign3A_885 = arith.extui %sign3A_884 : i1 to i32
        %sign3A_886 = arith.subi %sign3A_882, %sign3A_885 : i32
        %ne3A_887 = arith.cmpi ne, %sign3A_879, %sign3A_886 : i32
        %rem3A_888 = arith.remsi %sub3A_868, %jit3A_871 : i32
        %ne3A_889 = arith.constant 0 : i32
        %ne3A_890 = arith.cmpi ne, %rem3A_888, %ne3A_889 : i32
        %and3A_891 = arith.andi %ne3A_887, %ne3A_890 : i1
        %sub3A_892 = arith.constant 1 : i32
        %sub3A_893 = arith.subi %div3A_872, %sub3A_892 : i32
        %select_n3A_894 = arith.select %and3A_891, %sub3A_893, %div3A_872 : i32
        %mul3A_895 = arith.constant 16 : i32
        %mul3A_896 = arith.muli %select_n3A_894, %mul3A_895 : i32
        %add3A_897 = arith.addi %mul3A_870, %mul3A_896 : i32
        %jit3A_898 = arith.constant 32 : i32
        %eq3A_899 = arith.constant 0 : i32
        %eq3A_900 = arith.cmpi eq, %jit3A_898, %eq3A_899 : i32
        %jit3A_901 = arith.constant 1 : i32
        %select_n3A_902 = arith.select %eq3A_900, %jit3A_901, %jit3A_898 : i32
        %rem3A_903 = arith.remsi %sub3A_868, %select_n3A_902 : i32
        %ne3A_904 = arith.constant 0 : i32
        %ne3A_905 = arith.cmpi ne, %rem3A_903, %ne3A_904 : i32
        %lt3A_906 = arith.constant 0 : i32
        %lt3A_907 = arith.cmpi slt, %rem3A_903, %lt3A_906 : i32
        %lt3A_908 = arith.constant 0 : i32
        %lt3A_909 = arith.cmpi slt, %select_n3A_902, %lt3A_908 : i32
        %ne3A_910 = arith.xori %lt3A_907, %lt3A_909 : i1
        %and3A_911 = arith.andi %ne3A_910, %ne3A_905 : i1
        %add3A_912 = arith.addi %rem3A_903, %select_n3A_902 : i32
        %select_n3A_913 = arith.select %and3A_911, %add3A_912, %rem3A_903 : i32
        %mul3A_914 = arith.constant 1024 : i32
        %mul3A_915 = arith.muli %select_n3A_913, %mul3A_914 : i32
        %dma_wait3A_916 = tpu.memref_slice %arg4[%add3A_897, %mul3A_915] : memref<1024x32768xf32, #tpu.memory_space<hbm>> -> memref<16x1024xf32, #tpu.memory_space<hbm>>
        %dma_wait3A_917 = tpu.memref_slice %arg4[%add3A_897, %mul3A_915] : memref<1024x32768xf32, #tpu.memory_space<hbm>> -> memref<16x1024xf32, #tpu.memory_space<hbm>>
        tpu.wait_dma2 semaphore(%arg17 : memref<!tpu.dma_semaphore, #tpu.memory_space<semaphore_mem>>) src(%arg10 : memref<16x1024xf32, #tpu.memory_space<vmem>>) dst(%dma_wait3A_917 : memref<16x1024xf32, #tpu.memory_space<hbm>>)
      } else {
      }
      %jit3A_661 = arith.constant 32 : i32
      %eq3A_662 = arith.constant 0 : i32
      %eq3A_663 = arith.cmpi eq, %jit3A_661, %eq3A_662 : i32
      %jit3A_664 = arith.constant 1 : i32
      %select_n3A_665 = arith.select %eq3A_663, %jit3A_664, %jit3A_661 : i32
      %rem3A_666 = arith.remsi %add3A_455, %select_n3A_665 : i32
      %ne3A_667 = arith.constant 0 : i32
      %ne3A_668 = arith.cmpi ne, %rem3A_666, %ne3A_667 : i32
      %lt3A_669 = arith.constant 0 : i32
      %lt3A_670 = arith.cmpi slt, %rem3A_666, %lt3A_669 : i32
      %lt3A_671 = arith.constant 0 : i32
      %lt3A_672 = arith.cmpi slt, %select_n3A_665, %lt3A_671 : i32
      %ne3A_673 = arith.xori %lt3A_670, %lt3A_672 : i1
      %and3A_674 = arith.andi %ne3A_673, %ne3A_668 : i1
      %add3A_675 = arith.addi %rem3A_666, %select_n3A_665 : i32
      %select_n3A_676 = arith.select %and3A_674, %add3A_675, %rem3A_666 : i32
      %eq3A_677 = arith.constant 0 : i32
      %eq3A_678 = arith.cmpi eq, %select_n3A_676, %eq3A_677 : i32
      %convert_element_type3A_679 = arith.extui %eq3A_678 : i1 to i32
      %cond3A_680 = arith.constant 0 : i32
      %cond3A_681 = arith.cmpi ne, %convert_element_type3A_679, %cond3A_680 : i32
      scf.if %cond3A_681 {
        %swap3A_867 = arith.constant 0 : i32
        %swap3A_868 = arith.index_cast %swap3A_867 : i32 to index
        %swap3A_869 = arith.constant 0 : index
        %swap3A_870 = tpu.vector_load %arg11[%swap3A_868, %swap3A_869] {strides = array<i32>} : memref<16x16xf32, #tpu.memory_space<vmem>>, vector<16xf32>,
        tpu.vector_store %arg11[%swap3A_868, %swap3A_869], %broadcast_in_dim3A_1 {strides = array<i32>} : memref<16x16xf32, #tpu.memory_space<vmem>>, vector<16xf32>,
        %swap3A_871 = arith.constant 1 : i32
        %swap3A_872 = arith.index_cast %swap3A_871 : i32 to index
        %swap3A_873 = arith.constant 0 : index
        %swap3A_874 = tpu.vector_load %arg11[%swap3A_872, %swap3A_873] {strides = array<i32>} : memref<16x16xf32, #tpu.memory_space<vmem>>, vector<16xf32>,
        tpu.vector_store %arg11[%swap3A_872, %swap3A_873], %broadcast_in_dim3A_1 {strides = array<i32>} : memref<16x16xf32, #tpu.memory_space<vmem>>, vector<16xf32>,
        %swap3A_875 = arith.constant 2 : i32
        %swap3A_876 = arith.index_cast %swap3A_875 : i32 to index
        %swap3A_877 = arith.constant 0 : index
        %swap3A_878 = tpu.vector_load %arg11[%swap3A_876, %swap3A_877] {strides = array<i32>} : memref<16x16xf32, #tpu.memory_space<vmem>>, vector<16xf32>,
        tpu.vector_store %arg11[%swap3A_876, %swap3A_877], %broadcast_in_dim3A_1 {strides = array<i32>} : memref<16x16xf32, #tpu.memory_space<vmem>>, vector<16xf32>,
        %swap3A_879 = arith.constant 3 : i32
        %swap3A_880 = arith.index_cast %swap3A_879 : i32 to index
        %swap3A_881 = arith.constant 0 : index
        %swap3A_882 = tpu.vector_load %arg11[%swap3A_880, %swap3A_881] {strides = array<i32>} : memref<16x16xf32, #tpu.memory_space<vmem>>, vector<16xf32>,
        tpu.vector_store %arg11[%swap3A_880, %swap3A_881], %broadcast_in_dim3A_1 {strides = array<i32>} : memref<16x16xf32, #tpu.memory_space<vmem>>, vector<16xf32>,
        %swap3A_883 = arith.constant 4 : i32
        %swap3A_884 = arith.index_cast %swap3A_883 : i32 to index
        %swap3A_885 = arith.constant 0 : index
        %swap3A_886 = tpu.vector_load %arg11[%swap3A_884, %swap3A_885] {strides = array<i32>} : memref<16x16xf32, #tpu.memory_space<vmem>>, vector<16xf32>,
        tpu.vector_store %arg11[%swap3A_884, %swap3A_885], %broadcast_in_dim3A_1 {strides = array<i32>} : memref<16x16xf32, #tpu.memory_space<vmem>>, vector<16xf32>,
        %swap3A_887 = arith.constant 5 : i32
        %swap3A_888 = arith.index_cast %swap3A_887 : i32 to index
        %swap3A_889 = arith.constant 0 : index
        %swap3A_890 = tpu.vector_load %arg11[%swap3A_888, %swap3A_889] {strides = array<i32>} : memref<16x16xf32, #tpu.memory_space<vmem>>, vector<16xf32>,
        tpu.vector_store %arg11[%swap3A_888, %swap3A_889], %broadcast_in_dim3A_1 {strides = array<i32>} : memref<16x16xf32, #tpu.memory_space<vmem>>, vector<16xf32>,
        %swap3A_891 = arith.constant 6 : i32
        %swap3A_892 = arith.index_cast %swap3A_891 : i32 to index
        %swap3A_893 = arith.constant 0 : index
        %swap3A_894 = tpu.vector_load %arg11[%swap3A_892, %swap3A_893] {strides = array<i32>} : memref<16x16xf32, #tpu.memory_space<vmem>>, vector<16xf32>,
        tpu.vector_store %arg11[%swap3A_892, %swap3A_893], %broadcast_in_dim3A_1 {strides = array<i32>} : memref<16x16xf32, #tpu.memory_space<vmem>>, vector<16xf32>,
        %swap3A_895 = arith.constant 7 : i32
        %swap3A_896 = arith.index_cast %swap3A_895 : i32 to index
        %swap3A_897 = arith.constant 0 : index
        %swap3A_898 = tpu.vector_load %arg11[%swap3A_896, %swap3A_897] {strides = array<i32>} : memref<16x16xf32, #tpu.memory_space<vmem>>, vector<16xf32>,
        tpu.vector_store %arg11[%swap3A_896, %swap3A_897], %broadcast_in_dim3A_1 {strides = array<i32>} : memref<16x16xf32, #tpu.memory_space<vmem>>, vector<16xf32>,
        %swap3A_899 = arith.constant 8 : i32
        %swap3A_900 = arith.index_cast %swap3A_899 : i32 to index
        %swap3A_901 = arith.constant 0 : index
        %swap3A_902 = tpu.vector_load %arg11[%swap3A_900, %swap3A_901] {strides = array<i32>} : memref<16x16xf32, #tpu.memory_space<vmem>>, vector<16xf32>,
        tpu.vector_store %arg11[%swap3A_900, %swap3A_901], %broadcast_in_dim3A_1 {strides = array<i32>} : memref<16x16xf32, #tpu.memory_space<vmem>>, vector<16xf32>,
        %swap3A_903 = arith.constant 9 : i32
        %swap3A_904 = arith.index_cast %swap3A_903 : i32 to index
        %swap3A_905 = arith.constant 0 : index
        %swap3A_906 = tpu.vector_load %arg11[%swap3A_904, %swap3A_905] {strides = array<i32>} : memref<16x16xf32, #tpu.memory_space<vmem>>, vector<16xf32>,
        tpu.vector_store %arg11[%swap3A_904, %swap3A_905], %broadcast_in_dim3A_1 {strides = array<i32>} : memref<16x16xf32, #tpu.memory_space<vmem>>, vector<16xf32>,
        %swap3A_907 = arith.constant 10 : i32
        %swap3A_908 = arith.index_cast %swap3A_907 : i32 to index
        %swap3A_909 = arith.constant 0 : index
        %swap3A_910 = tpu.vector_load %arg11[%swap3A_908, %swap3A_909] {strides = array<i32>} : memref<16x16xf32, #tpu.memory_space<vmem>>, vector<16xf32>,
        tpu.vector_store %arg11[%swap3A_908, %swap3A_909], %broadcast_in_dim3A_1 {strides = array<i32>} : memref<16x16xf32, #tpu.memory_space<vmem>>, vector<16xf32>,
        %swap3A_911 = arith.constant 11 : i32
        %swap3A_912 = arith.index_cast %swap3A_911 : i32 to index
        %swap3A_913 = arith.constant 0 : index
        %swap3A_914 = tpu.vector_load %arg11[%swap3A_912, %swap3A_913] {strides = array<i32>} : memref<16x16xf32, #tpu.memory_space<vmem>>, vector<16xf32>,
        tpu.vector_store %arg11[%swap3A_912, %swap3A_913], %broadcast_in_dim3A_1 {strides = array<i32>} : memref<16x16xf32, #tpu.memory_space<vmem>>, vector<16xf32>,
        %swap3A_915 = arith.constant 12 : i32
        %swap3A_916 = arith.index_cast %swap3A_915 : i32 to index
        %swap3A_917 = arith.constant 0 : index
        %swap3A_918 = tpu.vector_load %arg11[%swap3A_916, %swap3A_917] {strides = array<i32>} : memref<16x16xf32, #tpu.memory_space<vmem>>, vector<16xf32>,
        tpu.vector_store %arg11[%swap3A_916, %swap3A_917], %broadcast_in_dim3A_1 {strides = array<i32>} : memref<16x16xf32, #tpu.memory_space<vmem>>, vector<16xf32>,
        %swap3A_919 = arith.constant 13 : i32
        %swap3A_920 = arith.index_cast %swap3A_919 : i32 to index
        %swap3A_921 = arith.constant 0 : index
        %swap3A_922 = tpu.vector_load %arg11[%swap3A_920, %swap3A_921] {strides = array<i32>} : memref<16x16xf32, #tpu.memory_space<vmem>>, vector<16xf32>,
        tpu.vector_store %arg11[%swap3A_920, %swap3A_921], %broadcast_in_dim3A_1 {strides = array<i32>} : memref<16x16xf32, #tpu.memory_space<vmem>>, vector<16xf32>,
        %swap3A_923 = arith.constant 14 : i32
        %swap3A_924 = arith.index_cast %swap3A_923 : i32 to index
        %swap3A_925 = arith.constant 0 : index
        %swap3A_926 = tpu.vector_load %arg11[%swap3A_924, %swap3A_925] {strides = array<i32>} : memref<16x16xf32, #tpu.memory_space<vmem>>, vector<16xf32>,
        tpu.vector_store %arg11[%swap3A_924, %swap3A_925], %broadcast_in_dim3A_1 {strides = array<i32>} : memref<16x16xf32, #tpu.memory_space<vmem>>, vector<16xf32>,
        %swap3A_927 = arith.constant 15 : i32
        %swap3A_928 = arith.index_cast %swap3A_927 : i32 to index
        %swap3A_929 = arith.constant 0 : index
        %swap3A_930 = tpu.vector_load %arg11[%swap3A_928, %swap3A_929] {strides = array<i32>} : memref<16x16xf32, #tpu.memory_space<vmem>>, vector<16xf32>,
        tpu.vector_store %arg11[%swap3A_928, %swap3A_929], %broadcast_in_dim3A_1 {strides = array<i32>} : memref<16x16xf32, #tpu.memory_space<vmem>>, vector<16xf32>,
      } else {
      }
      %get3A_682 = arith.constant 0 : i32
      %get3A_683 = arith.index_cast %get3A_682 : i32 to index
      %get3A_684 = arith.constant 0 : index
      %get3A_685 = tpu.vector_load %arg11[%get3A_683, %get3A_684] {strides = array<i32>} : memref<16x16xf32, #tpu.memory_space<vmem>>, vector<16xf32>,
      %get3A_686 = arith.constant 1 : i32
      %get3A_687 = arith.index_cast %get3A_686 : i32 to index
      %get3A_688 = arith.constant 0 : index
      %get3A_689 = tpu.vector_load %arg11[%get3A_687, %get3A_688] {strides = array<i32>} : memref<16x16xf32, #tpu.memory_space<vmem>>, vector<16xf32>,
      %get3A_690 = arith.constant 2 : i32
      %get3A_691 = arith.index_cast %get3A_690 : i32 to index
      %get3A_692 = arith.constant 0 : index
      %get3A_693 = tpu.vector_load %arg11[%get3A_691, %get3A_692] {strides = array<i32>} : memref<16x16xf32, #tpu.memory_space<vmem>>, vector<16xf32>,
      %get3A_694 = arith.constant 3 : i32
      %get3A_695 = arith.index_cast %get3A_694 : i32 to index
      %get3A_696 = arith.constant 0 : index
      %get3A_697 = tpu.vector_load %arg11[%get3A_695, %get3A_696] {strides = array<i32>} : memref<16x16xf32, #tpu.memory_space<vmem>>, vector<16xf32>,
      %get3A_698 = arith.constant 4 : i32
      %get3A_699 = arith.index_cast %get3A_698 : i32 to index
      %get3A_700 = arith.constant 0 : index
      %get3A_701 = tpu.vector_load %arg11[%get3A_699, %get3A_700] {strides = array<i32>} : memref<16x16xf32, #tpu.memory_space<vmem>>, vector<16xf32>,
      %get3A_702 = arith.constant 5 : i32
      %get3A_703 = arith.index_cast %get3A_702 : i32 to index
      %get3A_704 = arith.constant 0 : index
      %get3A_705 = tpu.vector_load %arg11[%get3A_703, %get3A_704] {strides = array<i32>} : memref<16x16xf32, #tpu.memory_space<vmem>>, vector<16xf32>,
      %get3A_706 = arith.constant 6 : i32
      %get3A_707 = arith.index_cast %get3A_706 : i32 to index
      %get3A_708 = arith.constant 0 : index
      %get3A_709 = tpu.vector_load %arg11[%get3A_707, %get3A_708] {strides = array<i32>} : memref<16x16xf32, #tpu.memory_space<vmem>>, vector<16xf32>,
      %get3A_710 = arith.constant 7 : i32
      %get3A_711 = arith.index_cast %get3A_710 : i32 to index
      %get3A_712 = arith.constant 0 : index
      %get3A_713 = tpu.vector_load %arg11[%get3A_711, %get3A_712] {strides = array<i32>} : memref<16x16xf32, #tpu.memory_space<vmem>>, vector<16xf32>,
      %parallel_loop3A_714 = arith.constant 0 : i32
      %parallel_loop3A_715 = arith.constant 64 : i32
      %parallel_loop3A_716 = arith.constant 1 : i32
      %parallel_loop3A_717:8 = scf.for %parallel_loop3A_867 = %parallel_loop3A_714 to %parallel_loop3A_715 step %parallel_loop3A_716 iter_args(%parallel_loop3A_868 = %get3A_685, %parallel_loop3A_869 = %get3A_689, %parallel_loop3A_870 = %get3A_693, %parallel_loop3A_871 = %get3A_697, %parallel_loop3A_872 = %get3A_701, %parallel_loop3A_873 = %get3A_705, %parallel_loop3A_874 = %get3A_709, %parallel_loop3A_875 = %get3A_713) -> (vector<16xf32>, vector<16xf32>, vector<16xf32>, vector<16xf32>, vector<16xf32>, vector<16xf32>, vector<16xf32>, vector<16xf32>)  : i32 {
        %parallel_loop3A_876 = arith.constant 16 : i32
        %parallel_loop3A_877 = arith.muli %parallel_loop3A_867, %parallel_loop3A_876 : i32
        %parallel_loop3A_878 = arith.constant 0 : i32
        %parallel_loop3A_879 = arith.index_cast %parallel_loop3A_878 : i32 to index
        %parallel_loop3A_880 = arith.index_cast %parallel_loop3A_877 : i32 to index
        %parallel_loop3A_881 = tpu.vector_load %arg6[%parallel_loop3A_879, %parallel_loop3A_880] {strides = array<i32>} : memref<16x1024xf32, #tpu.memory_space<vmem>>, vector<16xf32>,
        %parallel_loop3A_882 = arith.constant 0 : i32
        %parallel_loop3A_883 = arith.index_cast %parallel_loop3A_882 : i32 to index
        %parallel_loop3A_884 = arith.index_cast %parallel_loop3A_877 : i32 to index
        %parallel_loop3A_885 = tpu.vector_load %arg8[%parallel_loop3A_883, %parallel_loop3A_884] {strides = array<i32>} : memref<16x1024xf32, #tpu.memory_space<vmem>>, vector<16xf32>,
        %parallel_loop3A_886 = arith.mulf %parallel_loop3A_881, %parallel_loop3A_885 : vector<16xf32>
        %parallel_loop3A_887 = arith.constant true
        %parallel_loop3A_888 = vector.broadcast %parallel_loop3A_887 : i1 to vector<16xi1>
        %parallel_loop3A_889 = tpu.scan <sum>, %parallel_loop3A_886 masked %parallel_loop3A_888 : vector<16xf32>, vector<16xi1> -> vector<16xf32>
        %parallel_loop3A_890 = arith.addf %parallel_loop3A_889, %parallel_loop3A_868 : vector<16xf32>
        %parallel_loop3A_891 = arith.constant 0 : i32
        %parallel_loop3A_892 = arith.index_cast %parallel_loop3A_891 : i32 to index
        %parallel_loop3A_893 = arith.index_cast %parallel_loop3A_877 : i32 to index
        %parallel_loop3A_894 = tpu.vector_load %arg10[%parallel_loop3A_892, %parallel_loop3A_893] {strides = array<i32>} : memref<16x1024xf32, #tpu.memory_space<vmem>>, vector<16xf32>,
        tpu.vector_store %arg10[%parallel_loop3A_892, %parallel_loop3A_893], %parallel_loop3A_890 {strides = array<i32>} : memref<16x1024xf32, #tpu.memory_space<vmem>>, vector<16xf32>,
        %parallel_loop3A_895 = vector.extract_strided_slice %parallel_loop3A_890 {offsets = [15], sizes = [1], strides = [1]} : vector<16xf32> to vector<1xf32>
        %parallel_loop3A_896 = vector.extract %parallel_loop3A_895[0] : f32 from vector<1xf32>
        %parallel_loop3A_897 = vector.broadcast %parallel_loop3A_896 : f32 to vector<16xf32>
        %parallel_loop3A_898 = arith.constant 16 : i32
        %parallel_loop3A_899 = arith.muli %parallel_loop3A_867, %parallel_loop3A_898 : i32
        %parallel_loop3A_900 = arith.constant 1 : i32
        %parallel_loop3A_901 = arith.index_cast %parallel_loop3A_900 : i32 to index
        %parallel_loop3A_902 = arith.index_cast %parallel_loop3A_899 : i32 to index
        %parallel_loop3A_903 = tpu.vector_load %arg6[%parallel_loop3A_901, %parallel_loop3A_902] {strides = array<i32>} : memref<16x1024xf32, #tpu.memory_space<vmem>>, vector<16xf32>,
        %parallel_loop3A_904 = arith.constant 1 : i32
        %parallel_loop3A_905 = arith.index_cast %parallel_loop3A_904 : i32 to index
        %parallel_loop3A_906 = arith.index_cast %parallel_loop3A_899 : i32 to index
        %parallel_loop3A_907 = tpu.vector_load %arg8[%parallel_loop3A_905, %parallel_loop3A_906] {strides = array<i32>} : memref<16x1024xf32, #tpu.memory_space<vmem>>, vector<16xf32>,
        %parallel_loop3A_908 = arith.mulf %parallel_loop3A_903, %parallel_loop3A_907 : vector<16xf32>
        %parallel_loop3A_909 = arith.constant true
        %parallel_loop3A_910 = vector.broadcast %parallel_loop3A_909 : i1 to vector<16xi1>
        %parallel_loop3A_911 = tpu.scan <sum>, %parallel_loop3A_908 masked %parallel_loop3A_910 : vector<16xf32>, vector<16xi1> -> vector<16xf32>
        %parallel_loop3A_912 = arith.addf %parallel_loop3A_911, %parallel_loop3A_869 : vector<16xf32>
        %parallel_loop3A_913 = arith.constant 1 : i32
        %parallel_loop3A_914 = arith.index_cast %parallel_loop3A_913 : i32 to index
        %parallel_loop3A_915 = arith.index_cast %parallel_loop3A_899 : i32 to index
        %parallel_loop3A_916 = tpu.vector_load %arg10[%parallel_loop3A_914, %parallel_loop3A_915] {strides = array<i32>} : memref<16x1024xf32, #tpu.memory_space<vmem>>, vector<16xf32>,
        tpu.vector_store %arg10[%parallel_loop3A_914, %parallel_loop3A_915], %parallel_loop3A_912 {strides = array<i32>} : memref<16x1024xf32, #tpu.memory_space<vmem>>, vector<16xf32>,
        %parallel_loop3A_917 = vector.extract_strided_slice %parallel_loop3A_912 {offsets = [15], sizes = [1], strides = [1]} : vector<16xf32> to vector<1xf32>
        %parallel_loop3A_918 = vector.extract %parallel_loop3A_917[0] : f32 from vector<1xf32>
        %parallel_loop3A_919 = vector.broadcast %parallel_loop3A_918 : f32 to vector<16xf32>
        %parallel_loop3A_920 = arith.constant 16 : i32
        %parallel_loop3A_921 = arith.muli %parallel_loop3A_867, %parallel_loop3A_920 : i32
        %parallel_loop3A_922 = arith.constant 2 : i32
        %parallel_loop3A_923 = arith.index_cast %parallel_loop3A_922 : i32 to index
        %parallel_loop3A_924 = arith.index_cast %parallel_loop3A_921 : i32 to index
        %parallel_loop3A_925 = tpu.vector_load %arg6[%parallel_loop3A_923, %parallel_loop3A_924] {strides = array<i32>} : memref<16x1024xf32, #tpu.memory_space<vmem>>, vector<16xf32>,
        %parallel_loop3A_926 = arith.constant 2 : i32
        %parallel_loop3A_927 = arith.index_cast %parallel_loop3A_926 : i32 to index
        %parallel_loop3A_928 = arith.index_cast %parallel_loop3A_921 : i32 to index
        %parallel_loop3A_929 = tpu.vector_load %arg8[%parallel_loop3A_927, %parallel_loop3A_928] {strides = array<i32>} : memref<16x1024xf32, #tpu.memory_space<vmem>>, vector<16xf32>,
        %parallel_loop3A_930 = arith.mulf %parallel_loop3A_925, %parallel_loop3A_929 : vector<16xf32>
        %parallel_loop3A_931 = arith.constant true
        %parallel_loop3A_932 = vector.broadcast %parallel_loop3A_931 : i1 to vector<16xi1>
        %parallel_loop3A_933 = tpu.scan <sum>, %parallel_loop3A_930 masked %parallel_loop3A_932 : vector<16xf32>, vector<16xi1> -> vector<16xf32>
        %parallel_loop3A_934 = arith.addf %parallel_loop3A_933, %parallel_loop3A_870 : vector<16xf32>
        %parallel_loop3A_935 = arith.constant 2 : i32
        %parallel_loop3A_936 = arith.index_cast %parallel_loop3A_935 : i32 to index
        %parallel_loop3A_937 = arith.index_cast %parallel_loop3A_921 : i32 to index
        %parallel_loop3A_938 = tpu.vector_load %arg10[%parallel_loop3A_936, %parallel_loop3A_937] {strides = array<i32>} : memref<16x1024xf32, #tpu.memory_space<vmem>>, vector<16xf32>,
        tpu.vector_store %arg10[%parallel_loop3A_936, %parallel_loop3A_937], %parallel_loop3A_934 {strides = array<i32>} : memref<16x1024xf32, #tpu.memory_space<vmem>>, vector<16xf32>,
        %parallel_loop3A_939 = vector.extract_strided_slice %parallel_loop3A_934 {offsets = [15], sizes = [1], strides = [1]} : vector<16xf32> to vector<1xf32>
        %parallel_loop3A_940 = vector.extract %parallel_loop3A_939[0] : f32 from vector<1xf32>
        %parallel_loop3A_941 = vector.broadcast %parallel_loop3A_940 : f32 to vector<16xf32>
        %parallel_loop3A_942 = arith.constant 16 : i32
        %parallel_loop3A_943 = arith.muli %parallel_loop3A_867, %parallel_loop3A_942 : i32
        %parallel_loop3A_944 = arith.constant 3 : i32
        %parallel_loop3A_945 = arith.index_cast %parallel_loop3A_944 : i32 to index
        %parallel_loop3A_946 = arith.index_cast %parallel_loop3A_943 : i32 to index
        %parallel_loop3A_947 = tpu.vector_load %arg6[%parallel_loop3A_945, %parallel_loop3A_946] {strides = array<i32>} : memref<16x1024xf32, #tpu.memory_space<vmem>>, vector<16xf32>,
        %parallel_loop3A_948 = arith.constant 3 : i32
        %parallel_loop3A_949 = arith.index_cast %parallel_loop3A_948 : i32 to index
        %parallel_loop3A_950 = arith.index_cast %parallel_loop3A_943 : i32 to index
        %parallel_loop3A_951 = tpu.vector_load %arg8[%parallel_loop3A_949, %parallel_loop3A_950] {strides = array<i32>} : memref<16x1024xf32, #tpu.memory_space<vmem>>, vector<16xf32>,
        %parallel_loop3A_952 = arith.mulf %parallel_loop3A_947, %parallel_loop3A_951 : vector<16xf32>
        %parallel_loop3A_953 = arith.constant true
        %parallel_loop3A_954 = vector.broadcast %parallel_loop3A_953 : i1 to vector<16xi1>
        %parallel_loop3A_955 = tpu.scan <sum>, %parallel_loop3A_952 masked %parallel_loop3A_954 : vector<16xf32>, vector<16xi1> -> vector<16xf32>
        %parallel_loop3A_956 = arith.addf %parallel_loop3A_955, %parallel_loop3A_871 : vector<16xf32>
        %parallel_loop3A_957 = arith.constant 3 : i32
        %parallel_loop3A_958 = arith.index_cast %parallel_loop3A_957 : i32 to index
        %parallel_loop3A_959 = arith.index_cast %parallel_loop3A_943 : i32 to index
        %parallel_loop3A_960 = tpu.vector_load %arg10[%parallel_loop3A_958, %parallel_loop3A_959] {strides = array<i32>} : memref<16x1024xf32, #tpu.memory_space<vmem>>, vector<16xf32>,
        tpu.vector_store %arg10[%parallel_loop3A_958, %parallel_loop3A_959], %parallel_loop3A_956 {strides = array<i32>} : memref<16x1024xf32, #tpu.memory_space<vmem>>, vector<16xf32>,
        %parallel_loop3A_961 = vector.extract_strided_slice %parallel_loop3A_956 {offsets = [15], sizes = [1], strides = [1]} : vector<16xf32> to vector<1xf32>
        %parallel_loop3A_962 = vector.extract %parallel_loop3A_961[0] : f32 from vector<1xf32>
        %parallel_loop3A_963 = vector.broadcast %parallel_loop3A_962 : f32 to vector<16xf32>
        %parallel_loop3A_964 = arith.constant 16 : i32
        %parallel_loop3A_965 = arith.muli %parallel_loop3A_867, %parallel_loop3A_964 : i32
        %parallel_loop3A_966 = arith.constant 4 : i32
        %parallel_loop3A_967 = arith.index_cast %parallel_loop3A_966 : i32 to index
        %parallel_loop3A_968 = arith.index_cast %parallel_loop3A_965 : i32 to index
        %parallel_loop3A_969 = tpu.vector_load %arg6[%parallel_loop3A_967, %parallel_loop3A_968] {strides = array<i32>} : memref<16x1024xf32, #tpu.memory_space<vmem>>, vector<16xf32>,
        %parallel_loop3A_970 = arith.constant 4 : i32
        %parallel_loop3A_971 = arith.index_cast %parallel_loop3A_970 : i32 to index
        %parallel_loop3A_972 = arith.index_cast %parallel_loop3A_965 : i32 to index
        %parallel_loop3A_973 = tpu.vector_load %arg8[%parallel_loop3A_971, %parallel_loop3A_972] {strides = array<i32>} : memref<16x1024xf32, #tpu.memory_space<vmem>>, vector<16xf32>,
        %parallel_loop3A_974 = arith.mulf %parallel_loop3A_969, %parallel_loop3A_973 : vector<16xf32>
        %parallel_loop3A_975 = arith.constant true
        %parallel_loop3A_976 = vector.broadcast %parallel_loop3A_975 : i1 to vector<16xi1>
        %parallel_loop3A_977 = tpu.scan <sum>, %parallel_loop3A_974 masked %parallel_loop3A_976 : vector<16xf32>, vector<16xi1> -> vector<16xf32>
        %parallel_loop3A_978 = arith.addf %parallel_loop3A_977, %parallel_loop3A_872 : vector<16xf32>
        %parallel_loop3A_979 = arith.constant 4 : i32
        %parallel_loop3A_980 = arith.index_cast %parallel_loop3A_979 : i32 to index
        %parallel_loop3A_981 = arith.index_cast %parallel_loop3A_965 : i32 to index
        %parallel_loop3A_982 = tpu.vector_load %arg10[%parallel_loop3A_980, %parallel_loop3A_981] {strides = array<i32>} : memref<16x1024xf32, #tpu.memory_space<vmem>>, vector<16xf32>,
        tpu.vector_store %arg10[%parallel_loop3A_980, %parallel_loop3A_981], %parallel_loop3A_978 {strides = array<i32>} : memref<16x1024xf32, #tpu.memory_space<vmem>>, vector<16xf32>,
        %parallel_loop3A_983 = vector.extract_strided_slice %parallel_loop3A_978 {offsets = [15], sizes = [1], strides = [1]} : vector<16xf32> to vector<1xf32>
        %parallel_loop3A_984 = vector.extract %parallel_loop3A_983[0] : f32 from vector<1xf32>
        %parallel_loop3A_985 = vector.broadcast %parallel_loop3A_984 : f32 to vector<16xf32>
        %parallel_loop3A_986 = arith.constant 16 : i32
        %parallel_loop3A_987 = arith.muli %parallel_loop3A_867, %parallel_loop3A_986 : i32
        %parallel_loop3A_988 = arith.constant 5 : i32
        %parallel_loop3A_989 = arith.index_cast %parallel_loop3A_988 : i32 to index
        %parallel_loop3A_990 = arith.index_cast %parallel_loop3A_987 : i32 to index
        %parallel_loop3A_991 = tpu.vector_load %arg6[%parallel_loop3A_989, %parallel_loop3A_990] {strides = array<i32>} : memref<16x1024xf32, #tpu.memory_space<vmem>>, vector<16xf32>,
        %parallel_loop3A_992 = arith.constant 5 : i32
        %parallel_loop3A_993 = arith.index_cast %parallel_loop3A_992 : i32 to index
        %parallel_loop3A_994 = arith.index_cast %parallel_loop3A_987 : i32 to index
        %parallel_loop3A_995 = tpu.vector_load %arg8[%parallel_loop3A_993, %parallel_loop3A_994] {strides = array<i32>} : memref<16x1024xf32, #tpu.memory_space<vmem>>, vector<16xf32>,
        %parallel_loop3A_996 = arith.mulf %parallel_loop3A_991, %parallel_loop3A_995 : vector<16xf32>
        %parallel_loop3A_997 = arith.constant true
        %parallel_loop3A_998 = vector.broadcast %parallel_loop3A_997 : i1 to vector<16xi1>
        %parallel_loop3A_999 = tpu.scan <sum>, %parallel_loop3A_996 masked %parallel_loop3A_998 : vector<16xf32>, vector<16xi1> -> vector<16xf32>
        %parallel_loop3A_1000 = arith.addf %parallel_loop3A_999, %parallel_loop3A_873 : vector<16xf32>
        %parallel_loop3A_1001 = arith.constant 5 : i32
        %parallel_loop3A_1002 = arith.index_cast %parallel_loop3A_1001 : i32 to index
        %parallel_loop3A_1003 = arith.index_cast %parallel_loop3A_987 : i32 to index
        %parallel_loop3A_1004 = tpu.vector_load %arg10[%parallel_loop3A_1002, %parallel_loop3A_1003] {strides = array<i32>} : memref<16x1024xf32, #tpu.memory_space<vmem>>, vector<16xf32>,
        tpu.vector_store %arg10[%parallel_loop3A_1002, %parallel_loop3A_1003], %parallel_loop3A_1000 {strides = array<i32>} : memref<16x1024xf32, #tpu.memory_space<vmem>>, vector<16xf32>,
        %parallel_loop3A_1005 = vector.extract_strided_slice %parallel_loop3A_1000 {offsets = [15], sizes = [1], strides = [1]} : vector<16xf32> to vector<1xf32>
        %parallel_loop3A_1006 = vector.extract %parallel_loop3A_1005[0] : f32 from vector<1xf32>
        %parallel_loop3A_1007 = vector.broadcast %parallel_loop3A_1006 : f32 to vector<16xf32>
        %parallel_loop3A_1008 = arith.constant 16 : i32
        %parallel_loop3A_1009 = arith.muli %parallel_loop3A_867, %parallel_loop3A_1008 : i32
        %parallel_loop3A_1010 = arith.constant 6 : i32
        %parallel_loop3A_1011 = arith.index_cast %parallel_loop3A_1010 : i32 to index
        %parallel_loop3A_1012 = arith.index_cast %parallel_loop3A_1009 : i32 to index
        %parallel_loop3A_1013 = tpu.vector_load %arg6[%parallel_loop3A_1011, %parallel_loop3A_1012] {strides = array<i32>} : memref<16x1024xf32, #tpu.memory_space<vmem>>, vector<16xf32>,
        %parallel_loop3A_1014 = arith.constant 6 : i32
        %parallel_loop3A_1015 = arith.index_cast %parallel_loop3A_1014 : i32 to index
        %parallel_loop3A_1016 = arith.index_cast %parallel_loop3A_1009 : i32 to index
        %parallel_loop3A_1017 = tpu.vector_load %arg8[%parallel_loop3A_1015, %parallel_loop3A_1016] {strides = array<i32>} : memref<16x1024xf32, #tpu.memory_space<vmem>>, vector<16xf32>,
        %parallel_loop3A_1018 = arith.mulf %parallel_loop3A_1013, %parallel_loop3A_1017 : vector<16xf32>
        %parallel_loop3A_1019 = arith.constant true
        %parallel_loop3A_1020 = vector.broadcast %parallel_loop3A_1019 : i1 to vector<16xi1>
        %parallel_loop3A_1021 = tpu.scan <sum>, %parallel_loop3A_1018 masked %parallel_loop3A_1020 : vector<16xf32>, vector<16xi1> -> vector<16xf32>
        %parallel_loop3A_1022 = arith.addf %parallel_loop3A_1021, %parallel_loop3A_874 : vector<16xf32>
        %parallel_loop3A_1023 = arith.constant 6 : i32
        %parallel_loop3A_1024 = arith.index_cast %parallel_loop3A_1023 : i32 to index
        %parallel_loop3A_1025 = arith.index_cast %parallel_loop3A_1009 : i32 to index
        %parallel_loop3A_1026 = tpu.vector_load %arg10[%parallel_loop3A_1024, %parallel_loop3A_1025] {strides = array<i32>} : memref<16x1024xf32, #tpu.memory_space<vmem>>, vector<16xf32>,
        tpu.vector_store %arg10[%parallel_loop3A_1024, %parallel_loop3A_1025], %parallel_loop3A_1022 {strides = array<i32>} : memref<16x1024xf32, #tpu.memory_space<vmem>>, vector<16xf32>,
        %parallel_loop3A_1027 = vector.extract_strided_slice %parallel_loop3A_1022 {offsets = [15], sizes = [1], strides = [1]} : vector<16xf32> to vector<1xf32>
        %parallel_loop3A_1028 = vector.extract %parallel_loop3A_1027[0] : f32 from vector<1xf32>
        %parallel_loop3A_1029 = vector.broadcast %parallel_loop3A_1028 : f32 to vector<16xf32>
        %parallel_loop3A_1030 = arith.constant 16 : i32
        %parallel_loop3A_1031 = arith.muli %parallel_loop3A_867, %parallel_loop3A_1030 : i32
        %parallel_loop3A_1032 = arith.constant 7 : i32
        %parallel_loop3A_1033 = arith.index_cast %parallel_loop3A_1032 : i32 to index
        %parallel_loop3A_1034 = arith.index_cast %parallel_loop3A_1031 : i32 to index
        %parallel_loop3A_1035 = tpu.vector_load %arg6[%parallel_loop3A_1033, %parallel_loop3A_1034] {strides = array<i32>} : memref<16x1024xf32, #tpu.memory_space<vmem>>, vector<16xf32>,
        %parallel_loop3A_1036 = arith.constant 7 : i32
        %parallel_loop3A_1037 = arith.index_cast %parallel_loop3A_1036 : i32 to index
        %parallel_loop3A_1038 = arith.index_cast %parallel_loop3A_1031 : i32 to index
        %parallel_loop3A_1039 = tpu.vector_load %arg8[%parallel_loop3A_1037, %parallel_loop3A_1038] {strides = array<i32>} : memref<16x1024xf32, #tpu.memory_space<vmem>>, vector<16xf32>,
        %parallel_loop3A_1040 = arith.mulf %parallel_loop3A_1035, %parallel_loop3A_1039 : vector<16xf32>
        %parallel_loop3A_1041 = arith.constant true
        %parallel_loop3A_1042 = vector.broadcast %parallel_loop3A_1041 : i1 to vector<16xi1>
        %parallel_loop3A_1043 = tpu.scan <sum>, %parallel_loop3A_1040 masked %parallel_loop3A_1042 : vector<16xf32>, vector<16xi1> -> vector<16xf32>
        %parallel_loop3A_1044 = arith.addf %parallel_loop3A_1043, %parallel_loop3A_875 : vector<16xf32>
        %parallel_loop3A_1045 = arith.constant 7 : i32
        %parallel_loop3A_1046 = arith.index_cast %parallel_loop3A_1045 : i32 to index
        %parallel_loop3A_1047 = arith.index_cast %parallel_loop3A_1031 : i32 to index
        %parallel_loop3A_1048 = tpu.vector_load %arg10[%parallel_loop3A_1046, %parallel_loop3A_1047] {strides = array<i32>} : memref<16x1024xf32, #tpu.memory_space<vmem>>, vector<16xf32>,
        tpu.vector_store %arg10[%parallel_loop3A_1046, %parallel_loop3A_1047], %parallel_loop3A_1044 {strides = array<i32>} : memref<16x1024xf32, #tpu.memory_space<vmem>>, vector<16xf32>,
        %parallel_loop3A_1049 = vector.extract_strided_slice %parallel_loop3A_1044 {offsets = [15], sizes = [1], strides = [1]} : vector<16xf32> to vector<1xf32>
        %parallel_loop3A_1050 = vector.extract %parallel_loop3A_1049[0] : f32 from vector<1xf32>
        %parallel_loop3A_1051 = vector.broadcast %parallel_loop3A_1050 : f32 to vector<16xf32>
        scf.yield %parallel_loop3A_897, %parallel_loop3A_919, %parallel_loop3A_941, %parallel_loop3A_963, %parallel_loop3A_985, %parallel_loop3A_1007, %parallel_loop3A_1029, %parallel_loop3A_1051 : vector<16xf32>, vector<16xf32>, vector<16xf32>, vector<16xf32>, vector<16xf32>, vector<16xf32>, vector<16xf32>, vector<16xf32>
      } {sc.loop_unroll_factor = 2 : i64, sc.parallel_access}
      %swap3A_718 = arith.constant 0 : i32
      %swap3A_719 = arith.index_cast %swap3A_718 : i32 to index
      %swap3A_720 = arith.constant 0 : index
      %swap3A_721 = tpu.vector_load %arg11[%swap3A_719, %swap3A_720] {strides = array<i32>} : memref<16x16xf32, #tpu.memory_space<vmem>>, vector<16xf32>,
      tpu.vector_store %arg11[%swap3A_719, %swap3A_720], %parallel_loop3A_717#0 {strides = array<i32>} : memref<16x16xf32, #tpu.memory_space<vmem>>, vector<16xf32>,
      %swap3A_722 = arith.constant 1 : i32
      %swap3A_723 = arith.index_cast %swap3A_722 : i32 to index
      %swap3A_724 = arith.constant 0 : index
      %swap3A_725 = tpu.vector_load %arg11[%swap3A_723, %swap3A_724] {strides = array<i32>} : memref<16x16xf32, #tpu.memory_space<vmem>>, vector<16xf32>,
      tpu.vector_store %arg11[%swap3A_723, %swap3A_724], %parallel_loop3A_717#1 {strides = array<i32>} : memref<16x16xf32, #tpu.memory_space<vmem>>, vector<16xf32>,
      %swap3A_726 = arith.constant 2 : i32
      %swap3A_727 = arith.index_cast %swap3A_726 : i32 to index
      %swap3A_728 = arith.constant 0 : index
      %swap3A_729 = tpu.vector_load %arg11[%swap3A_727, %swap3A_728] {strides = array<i32>} : memref<16x16xf32, #tpu.memory_space<vmem>>, vector<16xf32>,
      tpu.vector_store %arg11[%swap3A_727, %swap3A_728], %parallel_loop3A_717#2 {strides = array<i32>} : memref<16x16xf32, #tpu.memory_space<vmem>>, vector<16xf32>,
      %swap3A_730 = arith.constant 3 : i32
      %swap3A_731 = arith.index_cast %swap3A_730 : i32 to index
      %swap3A_732 = arith.constant 0 : index
      %swap3A_733 = tpu.vector_load %arg11[%swap3A_731, %swap3A_732] {strides = array<i32>} : memref<16x16xf32, #tpu.memory_space<vmem>>, vector<16xf32>,
      tpu.vector_store %arg11[%swap3A_731, %swap3A_732], %parallel_loop3A_717#3 {strides = array<i32>} : memref<16x16xf32, #tpu.memory_space<vmem>>, vector<16xf32>,
      %swap3A_734 = arith.constant 4 : i32
      %swap3A_735 = arith.index_cast %swap3A_734 : i32 to index
      %swap3A_736 = arith.constant 0 : index
      %swap3A_737 = tpu.vector_load %arg11[%swap3A_735, %swap3A_736] {strides = array<i32>} : memref<16x16xf32, #tpu.memory_space<vmem>>, vector<16xf32>,
      tpu.vector_store %arg11[%swap3A_735, %swap3A_736], %parallel_loop3A_717#4 {strides = array<i32>} : memref<16x16xf32, #tpu.memory_space<vmem>>, vector<16xf32>,
      %swap3A_738 = arith.constant 5 : i32
      %swap3A_739 = arith.index_cast %swap3A_738 : i32 to index
      %swap3A_740 = arith.constant 0 : index
      %swap3A_741 = tpu.vector_load %arg11[%swap3A_739, %swap3A_740] {strides = array<i32>} : memref<16x16xf32, #tpu.memory_space<vmem>>, vector<16xf32>,
      tpu.vector_store %arg11[%swap3A_739, %swap3A_740], %parallel_loop3A_717#5 {strides = array<i32>} : memref<16x16xf32, #tpu.memory_space<vmem>>, vector<16xf32>,
      %swap3A_742 = arith.constant 6 : i32
      %swap3A_743 = arith.index_cast %swap3A_742 : i32 to index
      %swap3A_744 = arith.constant 0 : index
      %swap3A_745 = tpu.vector_load %arg11[%swap3A_743, %swap3A_744] {strides = array<i32>} : memref<16x16xf32, #tpu.memory_space<vmem>>, vector<16xf32>,
      tpu.vector_store %arg11[%swap3A_743, %swap3A_744], %parallel_loop3A_717#6 {strides = array<i32>} : memref<16x16xf32, #tpu.memory_space<vmem>>, vector<16xf32>,
      %swap3A_746 = arith.constant 7 : i32
      %swap3A_747 = arith.index_cast %swap3A_746 : i32 to index
      %swap3A_748 = arith.constant 0 : index
      %swap3A_749 = tpu.vector_load %arg11[%swap3A_747, %swap3A_748] {strides = array<i32>} : memref<16x16xf32, #tpu.memory_space<vmem>>, vector<16xf32>,
      tpu.vector_store %arg11[%swap3A_747, %swap3A_748], %parallel_loop3A_717#7 {strides = array<i32>} : memref<16x16xf32, #tpu.memory_space<vmem>>, vector<16xf32>,
      %get3A_750 = arith.constant 8 : i32
      %get3A_751 = arith.index_cast %get3A_750 : i32 to index
      %get3A_752 = arith.constant 0 : index
      %get3A_753 = tpu.vector_load %arg11[%get3A_751, %get3A_752] {strides = array<i32>} : memref<16x16xf32, #tpu.memory_space<vmem>>, vector<16xf32>,
      %get3A_754 = arith.constant 9 : i32
      %get3A_755 = arith.index_cast %get3A_754 : i32 to index
      %get3A_756 = arith.constant 0 : index
      %get3A_757 = tpu.vector_load %arg11[%get3A_755, %get3A_756] {strides = array<i32>} : memref<16x16xf32, #tpu.memory_space<vmem>>, vector<16xf32>,
      %get3A_758 = arith.constant 10 : i32
      %get3A_759 = arith.index_cast %get3A_758 : i32 to index
      %get3A_760 = arith.constant 0 : index
      %get3A_761 = tpu.vector_load %arg11[%get3A_759, %get3A_760] {strides = array<i32>} : memref<16x16xf32, #tpu.memory_space<vmem>>, vector<16xf32>,
      %get3A_762 = arith.constant 11 : i32
      %get3A_763 = arith.index_cast %get3A_762 : i32 to index
      %get3A_764 = arith.constant 0 : index
      %get3A_765 = tpu.vector_load %arg11[%get3A_763, %get3A_764] {strides = array<i32>} : memref<16x16xf32, #tpu.memory_space<vmem>>, vector<16xf32>,
      %get3A_766 = arith.constant 12 : i32
      %get3A_767 = arith.index_cast %get3A_766 : i32 to index
      %get3A_768 = arith.constant 0 : index
      %get3A_769 = tpu.vector_load %arg11[%get3A_767, %get3A_768] {strides = array<i32>} : memref<16x16xf32, #tpu.memory_space<vmem>>, vector<16xf32>,
      %get3A_770 = arith.constant 13 : i32
      %get3A_771 = arith.index_cast %get3A_770 : i32 to index
      %get3A_772 = arith.constant 0 : index
      %get3A_773 = tpu.vector_load %arg11[%get3A_771, %get3A_772] {strides = array<i32>} : memref<16x16xf32, #tpu.memory_space<vmem>>, vector<16xf32>,
      %get3A_774 = arith.constant 14 : i32
      %get3A_775 = arith.index_cast %get3A_774 : i32 to index
      %get3A_776 = arith.constant 0 : index
      %get3A_777 = tpu.vector_load %arg11[%get3A_775, %get3A_776] {strides = array<i32>} : memref<16x16xf32, #tpu.memory_space<vmem>>, vector<16xf32>,
      %get3A_778 = arith.constant 15 : i32
      %get3A_779 = arith.index_cast %get3A_778 : i32 to index
      %get3A_780 = arith.constant 0 : index
      %get3A_781 = tpu.vector_load %arg11[%get3A_779, %get3A_780] {strides = array<i32>} : memref<16x16xf32, #tpu.memory_space<vmem>>, vector<16xf32>,
      %parallel_loop3A_782 = arith.constant 0 : i32
      %parallel_loop3A_783 = arith.constant 64 : i32
      %parallel_loop3A_784 = arith.constant 1 : i32
      %parallel_loop3A_785:8 = scf.for %parallel_loop3A_867 = %parallel_loop3A_782 to %parallel_loop3A_783 step %parallel_loop3A_784 iter_args(%parallel_loop3A_868 = %get3A_753, %parallel_loop3A_869 = %get3A_757, %parallel_loop3A_870 = %get3A_761, %parallel_loop3A_871 = %get3A_765, %parallel_loop3A_872 = %get3A_769, %parallel_loop3A_873 = %get3A_773, %parallel_loop3A_874 = %get3A_777, %parallel_loop3A_875 = %get3A_781) -> (vector<16xf32>, vector<16xf32>, vector<16xf32>, vector<16xf32>, vector<16xf32>, vector<16xf32>, vector<16xf32>, vector<16xf32>)  : i32 {
        %parallel_loop3A_876 = arith.constant 16 : i32
        %parallel_loop3A_877 = arith.muli %parallel_loop3A_867, %parallel_loop3A_876 : i32
        %parallel_loop3A_878 = arith.constant 8 : i32
        %parallel_loop3A_879 = arith.index_cast %parallel_loop3A_878 : i32 to index
        %parallel_loop3A_880 = arith.index_cast %parallel_loop3A_877 : i32 to index
        %parallel_loop3A_881 = tpu.vector_load %arg6[%parallel_loop3A_879, %parallel_loop3A_880] {strides = array<i32>} : memref<16x1024xf32, #tpu.memory_space<vmem>>, vector<16xf32>,
        %parallel_loop3A_882 = arith.constant 8 : i32
        %parallel_loop3A_883 = arith.index_cast %parallel_loop3A_882 : i32 to index
        %parallel_loop3A_884 = arith.index_cast %parallel_loop3A_877 : i32 to index
        %parallel_loop3A_885 = tpu.vector_load %arg8[%parallel_loop3A_883, %parallel_loop3A_884] {strides = array<i32>} : memref<16x1024xf32, #tpu.memory_space<vmem>>, vector<16xf32>,
        %parallel_loop3A_886 = arith.mulf %parallel_loop3A_881, %parallel_loop3A_885 : vector<16xf32>
        %parallel_loop3A_887 = arith.constant true
        %parallel_loop3A_888 = vector.broadcast %parallel_loop3A_887 : i1 to vector<16xi1>
        %parallel_loop3A_889 = tpu.scan <sum>, %parallel_loop3A_886 masked %parallel_loop3A_888 : vector<16xf32>, vector<16xi1> -> vector<16xf32>
        %parallel_loop3A_890 = arith.addf %parallel_loop3A_889, %parallel_loop3A_868 : vector<16xf32>
        %parallel_loop3A_891 = arith.constant 8 : i32
        %parallel_loop3A_892 = arith.index_cast %parallel_loop3A_891 : i32 to index
        %parallel_loop3A_893 = arith.index_cast %parallel_loop3A_877 : i32 to index
        %parallel_loop3A_894 = tpu.vector_load %arg10[%parallel_loop3A_892, %parallel_loop3A_893] {strides = array<i32>} : memref<16x1024xf32, #tpu.memory_space<vmem>>, vector<16xf32>,
        tpu.vector_store %arg10[%parallel_loop3A_892, %parallel_loop3A_893], %parallel_loop3A_890 {strides = array<i32>} : memref<16x1024xf32, #tpu.memory_space<vmem>>, vector<16xf32>,
        %parallel_loop3A_895 = vector.extract_strided_slice %parallel_loop3A_890 {offsets = [15], sizes = [1], strides = [1]} : vector<16xf32> to vector<1xf32>
        %parallel_loop3A_896 = vector.extract %parallel_loop3A_895[0] : f32 from vector<1xf32>
        %parallel_loop3A_897 = vector.broadcast %parallel_loop3A_896 : f32 to vector<16xf32>
        %parallel_loop3A_898 = arith.constant 16 : i32
        %parallel_loop3A_899 = arith.muli %parallel_loop3A_867, %parallel_loop3A_898 : i32
        %parallel_loop3A_900 = arith.constant 9 : i32
        %parallel_loop3A_901 = arith.index_cast %parallel_loop3A_900 : i32 to index
        %parallel_loop3A_902 = arith.index_cast %parallel_loop3A_899 : i32 to index
        %parallel_loop3A_903 = tpu.vector_load %arg6[%parallel_loop3A_901, %parallel_loop3A_902] {strides = array<i32>} : memref<16x1024xf32, #tpu.memory_space<vmem>>, vector<16xf32>,
        %parallel_loop3A_904 = arith.constant 9 : i32
        %parallel_loop3A_905 = arith.index_cast %parallel_loop3A_904 : i32 to index
        %parallel_loop3A_906 = arith.index_cast %parallel_loop3A_899 : i32 to index
        %parallel_loop3A_907 = tpu.vector_load %arg8[%parallel_loop3A_905, %parallel_loop3A_906] {strides = array<i32>} : memref<16x1024xf32, #tpu.memory_space<vmem>>, vector<16xf32>,
        %parallel_loop3A_908 = arith.mulf %parallel_loop3A_903, %parallel_loop3A_907 : vector<16xf32>
        %parallel_loop3A_909 = arith.constant true
        %parallel_loop3A_910 = vector.broadcast %parallel_loop3A_909 : i1 to vector<16xi1>
        %parallel_loop3A_911 = tpu.scan <sum>, %parallel_loop3A_908 masked %parallel_loop3A_910 : vector<16xf32>, vector<16xi1> -> vector<16xf32>
        %parallel_loop3A_912 = arith.addf %parallel_loop3A_911, %parallel_loop3A_869 : vector<16xf32>
        %parallel_loop3A_913 = arith.constant 9 : i32
        %parallel_loop3A_914 = arith.index_cast %parallel_loop3A_913 : i32 to index
        %parallel_loop3A_915 = arith.index_cast %parallel_loop3A_899 : i32 to index
        %parallel_loop3A_916 = tpu.vector_load %arg10[%parallel_loop3A_914, %parallel_loop3A_915] {strides = array<i32>} : memref<16x1024xf32, #tpu.memory_space<vmem>>, vector<16xf32>,
        tpu.vector_store %arg10[%parallel_loop3A_914, %parallel_loop3A_915], %parallel_loop3A_912 {strides = array<i32>} : memref<16x1024xf32, #tpu.memory_space<vmem>>, vector<16xf32>,
        %parallel_loop3A_917 = vector.extract_strided_slice %parallel_loop3A_912 {offsets = [15], sizes = [1], strides = [1]} : vector<16xf32> to vector<1xf32>
        %parallel_loop3A_918 = vector.extract %parallel_loop3A_917[0] : f32 from vector<1xf32>
        %parallel_loop3A_919 = vector.broadcast %parallel_loop3A_918 : f32 to vector<16xf32>
        %parallel_loop3A_920 = arith.constant 16 : i32
        %parallel_loop3A_921 = arith.muli %parallel_loop3A_867, %parallel_loop3A_920 : i32
        %parallel_loop3A_922 = arith.constant 10 : i32
        %parallel_loop3A_923 = arith.index_cast %parallel_loop3A_922 : i32 to index
        %parallel_loop3A_924 = arith.index_cast %parallel_loop3A_921 : i32 to index
        %parallel_loop3A_925 = tpu.vector_load %arg6[%parallel_loop3A_923, %parallel_loop3A_924] {strides = array<i32>} : memref<16x1024xf32, #tpu.memory_space<vmem>>, vector<16xf32>,
        %parallel_loop3A_926 = arith.constant 10 : i32
        %parallel_loop3A_927 = arith.index_cast %parallel_loop3A_926 : i32 to index
        %parallel_loop3A_928 = arith.index_cast %parallel_loop3A_921 : i32 to index
        %parallel_loop3A_929 = tpu.vector_load %arg8[%parallel_loop3A_927, %parallel_loop3A_928] {strides = array<i32>} : memref<16x1024xf32, #tpu.memory_space<vmem>>, vector<16xf32>,
        %parallel_loop3A_930 = arith.mulf %parallel_loop3A_925, %parallel_loop3A_929 : vector<16xf32>
        %parallel_loop3A_931 = arith.constant true
        %parallel_loop3A_932 = vector.broadcast %parallel_loop3A_931 : i1 to vector<16xi1>
        %parallel_loop3A_933 = tpu.scan <sum>, %parallel_loop3A_930 masked %parallel_loop3A_932 : vector<16xf32>, vector<16xi1> -> vector<16xf32>
        %parallel_loop3A_934 = arith.addf %parallel_loop3A_933, %parallel_loop3A_870 : vector<16xf32>
        %parallel_loop3A_935 = arith.constant 10 : i32
        %parallel_loop3A_936 = arith.index_cast %parallel_loop3A_935 : i32 to index
        %parallel_loop3A_937 = arith.index_cast %parallel_loop3A_921 : i32 to index
        %parallel_loop3A_938 = tpu.vector_load %arg10[%parallel_loop3A_936, %parallel_loop3A_937] {strides = array<i32>} : memref<16x1024xf32, #tpu.memory_space<vmem>>, vector<16xf32>,
        tpu.vector_store %arg10[%parallel_loop3A_936, %parallel_loop3A_937], %parallel_loop3A_934 {strides = array<i32>} : memref<16x1024xf32, #tpu.memory_space<vmem>>, vector<16xf32>,
        %parallel_loop3A_939 = vector.extract_strided_slice %parallel_loop3A_934 {offsets = [15], sizes = [1], strides = [1]} : vector<16xf32> to vector<1xf32>
        %parallel_loop3A_940 = vector.extract %parallel_loop3A_939[0] : f32 from vector<1xf32>
        %parallel_loop3A_941 = vector.broadcast %parallel_loop3A_940 : f32 to vector<16xf32>
        %parallel_loop3A_942 = arith.constant 16 : i32
        %parallel_loop3A_943 = arith.muli %parallel_loop3A_867, %parallel_loop3A_942 : i32
        %parallel_loop3A_944 = arith.constant 11 : i32
        %parallel_loop3A_945 = arith.index_cast %parallel_loop3A_944 : i32 to index
        %parallel_loop3A_946 = arith.index_cast %parallel_loop3A_943 : i32 to index
        %parallel_loop3A_947 = tpu.vector_load %arg6[%parallel_loop3A_945, %parallel_loop3A_946] {strides = array<i32>} : memref<16x1024xf32, #tpu.memory_space<vmem>>, vector<16xf32>,
        %parallel_loop3A_948 = arith.constant 11 : i32
        %parallel_loop3A_949 = arith.index_cast %parallel_loop3A_948 : i32 to index
        %parallel_loop3A_950 = arith.index_cast %parallel_loop3A_943 : i32 to index
        %parallel_loop3A_951 = tpu.vector_load %arg8[%parallel_loop3A_949, %parallel_loop3A_950] {strides = array<i32>} : memref<16x1024xf32, #tpu.memory_space<vmem>>, vector<16xf32>,
        %parallel_loop3A_952 = arith.mulf %parallel_loop3A_947, %parallel_loop3A_951 : vector<16xf32>
        %parallel_loop3A_953 = arith.constant true
        %parallel_loop3A_954 = vector.broadcast %parallel_loop3A_953 : i1 to vector<16xi1>
        %parallel_loop3A_955 = tpu.scan <sum>, %parallel_loop3A_952 masked %parallel_loop3A_954 : vector<16xf32>, vector<16xi1> -> vector<16xf32>
        %parallel_loop3A_956 = arith.addf %parallel_loop3A_955, %parallel_loop3A_871 : vector<16xf32>
        %parallel_loop3A_957 = arith.constant 11 : i32
        %parallel_loop3A_958 = arith.index_cast %parallel_loop3A_957 : i32 to index
        %parallel_loop3A_959 = arith.index_cast %parallel_loop3A_943 : i32 to index
        %parallel_loop3A_960 = tpu.vector_load %arg10[%parallel_loop3A_958, %parallel_loop3A_959] {strides = array<i32>} : memref<16x1024xf32, #tpu.memory_space<vmem>>, vector<16xf32>,
        tpu.vector_store %arg10[%parallel_loop3A_958, %parallel_loop3A_959], %parallel_loop3A_956 {strides = array<i32>} : memref<16x1024xf32, #tpu.memory_space<vmem>>, vector<16xf32>,
        %parallel_loop3A_961 = vector.extract_strided_slice %parallel_loop3A_956 {offsets = [15], sizes = [1], strides = [1]} : vector<16xf32> to vector<1xf32>
        %parallel_loop3A_962 = vector.extract %parallel_loop3A_961[0] : f32 from vector<1xf32>
        %parallel_loop3A_963 = vector.broadcast %parallel_loop3A_962 : f32 to vector<16xf32>
        %parallel_loop3A_964 = arith.constant 16 : i32
        %parallel_loop3A_965 = arith.muli %parallel_loop3A_867, %parallel_loop3A_964 : i32
        %parallel_loop3A_966 = arith.constant 12 : i32
        %parallel_loop3A_967 = arith.index_cast %parallel_loop3A_966 : i32 to index
        %parallel_loop3A_968 = arith.index_cast %parallel_loop3A_965 : i32 to index
        %parallel_loop3A_969 = tpu.vector_load %arg6[%parallel_loop3A_967, %parallel_loop3A_968] {strides = array<i32>} : memref<16x1024xf32, #tpu.memory_space<vmem>>, vector<16xf32>,
        %parallel_loop3A_970 = arith.constant 12 : i32
        %parallel_loop3A_971 = arith.index_cast %parallel_loop3A_970 : i32 to index
        %parallel_loop3A_972 = arith.index_cast %parallel_loop3A_965 : i32 to index
        %parallel_loop3A_973 = tpu.vector_load %arg8[%parallel_loop3A_971, %parallel_loop3A_972] {strides = array<i32>} : memref<16x1024xf32, #tpu.memory_space<vmem>>, vector<16xf32>,
        %parallel_loop3A_974 = arith.mulf %parallel_loop3A_969, %parallel_loop3A_973 : vector<16xf32>
        %parallel_loop3A_975 = arith.constant true
        %parallel_loop3A_976 = vector.broadcast %parallel_loop3A_975 : i1 to vector<16xi1>
        %parallel_loop3A_977 = tpu.scan <sum>, %parallel_loop3A_974 masked %parallel_loop3A_976 : vector<16xf32>, vector<16xi1> -> vector<16xf32>
        %parallel_loop3A_978 = arith.addf %parallel_loop3A_977, %parallel_loop3A_872 : vector<16xf32>
        %parallel_loop3A_979 = arith.constant 12 : i32
        %parallel_loop3A_980 = arith.index_cast %parallel_loop3A_979 : i32 to index
        %parallel_loop3A_981 = arith.index_cast %parallel_loop3A_965 : i32 to index
        %parallel_loop3A_982 = tpu.vector_load %arg10[%parallel_loop3A_980, %parallel_loop3A_981] {strides = array<i32>} : memref<16x1024xf32, #tpu.memory_space<vmem>>, vector<16xf32>,
        tpu.vector_store %arg10[%parallel_loop3A_980, %parallel_loop3A_981], %parallel_loop3A_978 {strides = array<i32>} : memref<16x1024xf32, #tpu.memory_space<vmem>>, vector<16xf32>,
        %parallel_loop3A_983 = vector.extract_strided_slice %parallel_loop3A_978 {offsets = [15], sizes = [1], strides = [1]} : vector<16xf32> to vector<1xf32>
        %parallel_loop3A_984 = vector.extract %parallel_loop3A_983[0] : f32 from vector<1xf32>
        %parallel_loop3A_985 = vector.broadcast %parallel_loop3A_984 : f32 to vector<16xf32>
        %parallel_loop3A_986 = arith.constant 16 : i32
        %parallel_loop3A_987 = arith.muli %parallel_loop3A_867, %parallel_loop3A_986 : i32
        %parallel_loop3A_988 = arith.constant 13 : i32
        %parallel_loop3A_989 = arith.index_cast %parallel_loop3A_988 : i32 to index
        %parallel_loop3A_990 = arith.index_cast %parallel_loop3A_987 : i32 to index
        %parallel_loop3A_991 = tpu.vector_load %arg6[%parallel_loop3A_989, %parallel_loop3A_990] {strides = array<i32>} : memref<16x1024xf32, #tpu.memory_space<vmem>>, vector<16xf32>,
        %parallel_loop3A_992 = arith.constant 13 : i32
        %parallel_loop3A_993 = arith.index_cast %parallel_loop3A_992 : i32 to index
        %parallel_loop3A_994 = arith.index_cast %parallel_loop3A_987 : i32 to index
        %parallel_loop3A_995 = tpu.vector_load %arg8[%parallel_loop3A_993, %parallel_loop3A_994] {strides = array<i32>} : memref<16x1024xf32, #tpu.memory_space<vmem>>, vector<16xf32>,
        %parallel_loop3A_996 = arith.mulf %parallel_loop3A_991, %parallel_loop3A_995 : vector<16xf32>
        %parallel_loop3A_997 = arith.constant true
        %parallel_loop3A_998 = vector.broadcast %parallel_loop3A_997 : i1 to vector<16xi1>
        %parallel_loop3A_999 = tpu.scan <sum>, %parallel_loop3A_996 masked %parallel_loop3A_998 : vector<16xf32>, vector<16xi1> -> vector<16xf32>
        %parallel_loop3A_1000 = arith.addf %parallel_loop3A_999, %parallel_loop3A_873 : vector<16xf32>
        %parallel_loop3A_1001 = arith.constant 13 : i32
        %parallel_loop3A_1002 = arith.index_cast %parallel_loop3A_1001 : i32 to index
        %parallel_loop3A_1003 = arith.index_cast %parallel_loop3A_987 : i32 to index
        %parallel_loop3A_1004 = tpu.vector_load %arg10[%parallel_loop3A_1002, %parallel_loop3A_1003] {strides = array<i32>} : memref<16x1024xf32, #tpu.memory_space<vmem>>, vector<16xf32>,
        tpu.vector_store %arg10[%parallel_loop3A_1002, %parallel_loop3A_1003], %parallel_loop3A_1000 {strides = array<i32>} : memref<16x1024xf32, #tpu.memory_space<vmem>>, vector<16xf32>,
        %parallel_loop3A_1005 = vector.extract_strided_slice %parallel_loop3A_1000 {offsets = [15], sizes = [1], strides = [1]} : vector<16xf32> to vector<1xf32>
        %parallel_loop3A_1006 = vector.extract %parallel_loop3A_1005[0] : f32 from vector<1xf32>
        %parallel_loop3A_1007 = vector.broadcast %parallel_loop3A_1006 : f32 to vector<16xf32>
        %parallel_loop3A_1008 = arith.constant 16 : i32
        %parallel_loop3A_1009 = arith.muli %parallel_loop3A_867, %parallel_loop3A_1008 : i32
        %parallel_loop3A_1010 = arith.constant 14 : i32
        %parallel_loop3A_1011 = arith.index_cast %parallel_loop3A_1010 : i32 to index
        %parallel_loop3A_1012 = arith.index_cast %parallel_loop3A_1009 : i32 to index
        %parallel_loop3A_1013 = tpu.vector_load %arg6[%parallel_loop3A_1011, %parallel_loop3A_1012] {strides = array<i32>} : memref<16x1024xf32, #tpu.memory_space<vmem>>, vector<16xf32>,
        %parallel_loop3A_1014 = arith.constant 14 : i32
        %parallel_loop3A_1015 = arith.index_cast %parallel_loop3A_1014 : i32 to index
        %parallel_loop3A_1016 = arith.index_cast %parallel_loop3A_1009 : i32 to index
        %parallel_loop3A_1017 = tpu.vector_load %arg8[%parallel_loop3A_1015, %parallel_loop3A_1016] {strides = array<i32>} : memref<16x1024xf32, #tpu.memory_space<vmem>>, vector<16xf32>,
        %parallel_loop3A_1018 = arith.mulf %parallel_loop3A_1013, %parallel_loop3A_1017 : vector<16xf32>
        %parallel_loop3A_1019 = arith.constant true
        %parallel_loop3A_1020 = vector.broadcast %parallel_loop3A_1019 : i1 to vector<16xi1>
        %parallel_loop3A_1021 = tpu.scan <sum>, %parallel_loop3A_1018 masked %parallel_loop3A_1020 : vector<16xf32>, vector<16xi1> -> vector<16xf32>
        %parallel_loop3A_1022 = arith.addf %parallel_loop3A_1021, %parallel_loop3A_874 : vector<16xf32>
        %parallel_loop3A_1023 = arith.constant 14 : i32
        %parallel_loop3A_1024 = arith.index_cast %parallel_loop3A_1023 : i32 to index
        %parallel_loop3A_1025 = arith.index_cast %parallel_loop3A_1009 : i32 to index
        %parallel_loop3A_1026 = tpu.vector_load %arg10[%parallel_loop3A_1024, %parallel_loop3A_1025] {strides = array<i32>} : memref<16x1024xf32, #tpu.memory_space<vmem>>, vector<16xf32>,
        tpu.vector_store %arg10[%parallel_loop3A_1024, %parallel_loop3A_1025], %parallel_loop3A_1022 {strides = array<i32>} : memref<16x1024xf32, #tpu.memory_space<vmem>>, vector<16xf32>,
        %parallel_loop3A_1027 = vector.extract_strided_slice %parallel_loop3A_1022 {offsets = [15], sizes = [1], strides = [1]} : vector<16xf32> to vector<1xf32>
        %parallel_loop3A_1028 = vector.extract %parallel_loop3A_1027[0] : f32 from vector<1xf32>
        %parallel_loop3A_1029 = vector.broadcast %parallel_loop3A_1028 : f32 to vector<16xf32>
        %parallel_loop3A_1030 = arith.constant 16 : i32
        %parallel_loop3A_1031 = arith.muli %parallel_loop3A_867, %parallel_loop3A_1030 : i32
        %parallel_loop3A_1032 = arith.constant 15 : i32
        %parallel_loop3A_1033 = arith.index_cast %parallel_loop3A_1032 : i32 to index
        %parallel_loop3A_1034 = arith.index_cast %parallel_loop3A_1031 : i32 to index
        %parallel_loop3A_1035 = tpu.vector_load %arg6[%parallel_loop3A_1033, %parallel_loop3A_1034] {strides = array<i32>} : memref<16x1024xf32, #tpu.memory_space<vmem>>, vector<16xf32>,
        %parallel_loop3A_1036 = arith.constant 15 : i32
        %parallel_loop3A_1037 = arith.index_cast %parallel_loop3A_1036 : i32 to index
        %parallel_loop3A_1038 = arith.index_cast %parallel_loop3A_1031 : i32 to index
        %parallel_loop3A_1039 = tpu.vector_load %arg8[%parallel_loop3A_1037, %parallel_loop3A_1038] {strides = array<i32>} : memref<16x1024xf32, #tpu.memory_space<vmem>>, vector<16xf32>,
        %parallel_loop3A_1040 = arith.mulf %parallel_loop3A_1035, %parallel_loop3A_1039 : vector<16xf32>
        %parallel_loop3A_1041 = arith.constant true
        %parallel_loop3A_1042 = vector.broadcast %parallel_loop3A_1041 : i1 to vector<16xi1>
        %parallel_loop3A_1043 = tpu.scan <sum>, %parallel_loop3A_1040 masked %parallel_loop3A_1042 : vector<16xf32>, vector<16xi1> -> vector<16xf32>
        %parallel_loop3A_1044 = arith.addf %parallel_loop3A_1043, %parallel_loop3A_875 : vector<16xf32>
        %parallel_loop3A_1045 = arith.constant 15 : i32
        %parallel_loop3A_1046 = arith.index_cast %parallel_loop3A_1045 : i32 to index
        %parallel_loop3A_1047 = arith.index_cast %parallel_loop3A_1031 : i32 to index
        %parallel_loop3A_1048 = tpu.vector_load %arg10[%parallel_loop3A_1046, %parallel_loop3A_1047] {strides = array<i32>} : memref<16x1024xf32, #tpu.memory_space<vmem>>, vector<16xf32>,
        tpu.vector_store %arg10[%parallel_loop3A_1046, %parallel_loop3A_1047], %parallel_loop3A_1044 {strides = array<i32>} : memref<16x1024xf32, #tpu.memory_space<vmem>>, vector<16xf32>,
        %parallel_loop3A_1049 = vector.extract_strided_slice %parallel_loop3A_1044 {offsets = [15], sizes = [1], strides = [1]} : vector<16xf32> to vector<1xf32>
        %parallel_loop3A_1050 = vector.extract %parallel_loop3A_1049[0] : f32 from vector<1xf32>
        %parallel_loop3A_1051 = vector.broadcast %parallel_loop3A_1050 : f32 to vector<16xf32>
        scf.yield %parallel_loop3A_897, %parallel_loop3A_919, %parallel_loop3A_941, %parallel_loop3A_963, %parallel_loop3A_985, %parallel_loop3A_1007, %parallel_loop3A_1029, %parallel_loop3A_1051 : vector<16xf32>, vector<16xf32>, vector<16xf32>, vector<16xf32>, vector<16xf32>, vector<16xf32>, vector<16xf32>, vector<16xf32>
      } {sc.loop_unroll_factor = 2 : i64, sc.parallel_access}
      %swap3A_786 = arith.constant 8 : i32
      %swap3A_787 = arith.index_cast %swap3A_786 : i32 to index
      %swap3A_788 = arith.constant 0 : index
      %swap3A_789 = tpu.vector_load %arg11[%swap3A_787, %swap3A_788] {strides = array<i32>} : memref<16x16xf32, #tpu.memory_space<vmem>>, vector<16xf32>,
      tpu.vector_store %arg11[%swap3A_787, %swap3A_788], %parallel_loop3A_785#0 {strides = array<i32>} : memref<16x16xf32, #tpu.memory_space<vmem>>, vector<16xf32>,
      %swap3A_790 = arith.constant 9 : i32
      %swap3A_791 = arith.index_cast %swap3A_790 : i32 to index
      %swap3A_792 = arith.constant 0 : index
      %swap3A_793 = tpu.vector_load %arg11[%swap3A_791, %swap3A_792] {strides = array<i32>} : memref<16x16xf32, #tpu.memory_space<vmem>>, vector<16xf32>,
      tpu.vector_store %arg11[%swap3A_791, %swap3A_792], %parallel_loop3A_785#1 {strides = array<i32>} : memref<16x16xf32, #tpu.memory_space<vmem>>, vector<16xf32>,
      %swap3A_794 = arith.constant 10 : i32
      %swap3A_795 = arith.index_cast %swap3A_794 : i32 to index
      %swap3A_796 = arith.constant 0 : index
      %swap3A_797 = tpu.vector_load %arg11[%swap3A_795, %swap3A_796] {strides = array<i32>} : memref<16x16xf32, #tpu.memory_space<vmem>>, vector<16xf32>,
      tpu.vector_store %arg11[%swap3A_795, %swap3A_796], %parallel_loop3A_785#2 {strides = array<i32>} : memref<16x16xf32, #tpu.memory_space<vmem>>, vector<16xf32>,
      %swap3A_798 = arith.constant 11 : i32
      %swap3A_799 = arith.index_cast %swap3A_798 : i32 to index
      %swap3A_800 = arith.constant 0 : index
      %swap3A_801 = tpu.vector_load %arg11[%swap3A_799, %swap3A_800] {strides = array<i32>} : memref<16x16xf32, #tpu.memory_space<vmem>>, vector<16xf32>,
      tpu.vector_store %arg11[%swap3A_799, %swap3A_800], %parallel_loop3A_785#3 {strides = array<i32>} : memref<16x16xf32, #tpu.memory_space<vmem>>, vector<16xf32>,
      %swap3A_802 = arith.constant 12 : i32
      %swap3A_803 = arith.index_cast %swap3A_802 : i32 to index
      %swap3A_804 = arith.constant 0 : index
      %swap3A_805 = tpu.vector_load %arg11[%swap3A_803, %swap3A_804] {strides = array<i32>} : memref<16x16xf32, #tpu.memory_space<vmem>>, vector<16xf32>,
      tpu.vector_store %arg11[%swap3A_803, %swap3A_804], %parallel_loop3A_785#4 {strides = array<i32>} : memref<16x16xf32, #tpu.memory_space<vmem>>, vector<16xf32>,
      %swap3A_806 = arith.constant 13 : i32
      %swap3A_807 = arith.index_cast %swap3A_806 : i32 to index
      %swap3A_808 = arith.constant 0 : index
      %swap3A_809 = tpu.vector_load %arg11[%swap3A_807, %swap3A_808] {strides = array<i32>} : memref<16x16xf32, #tpu.memory_space<vmem>>, vector<16xf32>,
      tpu.vector_store %arg11[%swap3A_807, %swap3A_808], %parallel_loop3A_785#5 {strides = array<i32>} : memref<16x16xf32, #tpu.memory_space<vmem>>, vector<16xf32>,
      %swap3A_810 = arith.constant 14 : i32
      %swap3A_811 = arith.index_cast %swap3A_810 : i32 to index
      %swap3A_812 = arith.constant 0 : index
      %swap3A_813 = tpu.vector_load %arg11[%swap3A_811, %swap3A_812] {strides = array<i32>} : memref<16x16xf32, #tpu.memory_space<vmem>>, vector<16xf32>,
      tpu.vector_store %arg11[%swap3A_811, %swap3A_812], %parallel_loop3A_785#6 {strides = array<i32>} : memref<16x16xf32, #tpu.memory_space<vmem>>, vector<16xf32>,
      %swap3A_814 = arith.constant 15 : i32
      %swap3A_815 = arith.index_cast %swap3A_814 : i32 to index
      %swap3A_816 = arith.constant 0 : index
      %swap3A_817 = tpu.vector_load %arg11[%swap3A_815, %swap3A_816] {strides = array<i32>} : memref<16x16xf32, #tpu.memory_space<vmem>>, vector<16xf32>,
      tpu.vector_store %arg11[%swap3A_815, %swap3A_816], %parallel_loop3A_785#7 {strides = array<i32>} : memref<16x16xf32, #tpu.memory_space<vmem>>, vector<16xf32>,
      %mul3A_818 = arith.constant 32 : i32
      %mul3A_819 = arith.muli %add3A, %mul3A_818 : i32
      %jit3A_820 = arith.constant 32 : i32
      %div3A_821 = arith.divsi %add3A_455, %jit3A_820 : i32
      %sign3A_822 = arith.constant 0 : i32
      %sign3A_823 = arith.cmpi sgt, %add3A_455, %sign3A_822 : i32
      %sign3A_824 = arith.extui %sign3A_823 : i1 to i32
      %sign3A_825 = arith.constant 0 : i32
      %sign3A_826 = arith.cmpi slt, %add3A_455, %sign3A_825 : i32
      %sign3A_827 = arith.extui %sign3A_826 : i1 to i32
      %sign3A_828 = arith.subi %sign3A_824, %sign3A_827 : i32
      %sign3A_829 = arith.constant 0 : i32
      %sign3A_830 = arith.cmpi sgt, %jit3A_820, %sign3A_829 : i32
      %sign3A_831 = arith.extui %sign3A_830 : i1 to i32
      %sign3A_832 = arith.constant 0 : i32
      %sign3A_833 = arith.cmpi slt, %jit3A_820, %sign3A_832 : i32
      %sign3A_834 = arith.extui %sign3A_833 : i1 to i32
      %sign3A_835 = arith.subi %sign3A_831, %sign3A_834 : i32
      %ne3A_836 = arith.cmpi ne, %sign3A_828, %sign3A_835 : i32
      %rem3A_837 = arith.remsi %add3A_455, %jit3A_820 : i32
      %ne3A_838 = arith.constant 0 : i32
      %ne3A_839 = arith.cmpi ne, %rem3A_837, %ne3A_838 : i32
      %and3A_840 = arith.andi %ne3A_836, %ne3A_839 : i1
      %sub3A_841 = arith.constant 1 : i32
      %sub3A_842 = arith.subi %div3A_821, %sub3A_841 : i32
      %select_n3A_843 = arith.select %and3A_840, %sub3A_842, %div3A_821 : i32
      %mul3A_844 = arith.constant 16 : i32
      %mul3A_845 = arith.muli %select_n3A_843, %mul3A_844 : i32
      %add3A_846 = arith.addi %mul3A_819, %mul3A_845 : i32
      %jit3A_847 = arith.constant 32 : i32
      %eq3A_848 = arith.constant 0 : i32
      %eq3A_849 = arith.cmpi eq, %jit3A_847, %eq3A_848 : i32
      %jit3A_850 = arith.constant 1 : i32
      %select_n3A_851 = arith.select %eq3A_849, %jit3A_850, %jit3A_847 : i32
      %rem3A_852 = arith.remsi %add3A_455, %select_n3A_851 : i32
      %ne3A_853 = arith.constant 0 : i32
      %ne3A_854 = arith.cmpi ne, %rem3A_852, %ne3A_853 : i32
      %lt3A_855 = arith.constant 0 : i32
      %lt3A_856 = arith.cmpi slt, %rem3A_852, %lt3A_855 : i32
      %lt3A_857 = arith.constant 0 : i32
      %lt3A_858 = arith.cmpi slt, %select_n3A_851, %lt3A_857 : i32
      %ne3A_859 = arith.xori %lt3A_856, %lt3A_858 : i1
      %and3A_860 = arith.andi %ne3A_859, %ne3A_854 : i1
      %add3A_861 = arith.addi %rem3A_852, %select_n3A_851 : i32
      %select_n3A_862 = arith.select %and3A_860, %add3A_861, %rem3A_852 : i32
      %mul3A_863 = arith.constant 1024 : i32
      %mul3A_864 = arith.muli %select_n3A_862, %mul3A_863 : i32
      %dma_start3A_865 = tpu.memref_slice %arg4[%add3A_846, %mul3A_864] : memref<1024x32768xf32, #tpu.memory_space<hbm>> -> memref<16x1024xf32, #tpu.memory_space<hbm>>
      %dma_start3A_866 = tpu.memref_slice %arg4[%add3A_846, %mul3A_864] : memref<1024x32768xf32, #tpu.memory_space<hbm>> -> memref<16x1024xf32, #tpu.memory_space<hbm>>
      tpu.enqueue_dma source(%arg10 : memref<16x1024xf32, #tpu.memory_space<vmem>>) target(%dma_start3A_866 : memref<16x1024xf32, #tpu.memory_space<hbm>>) target_semaphore(%arg17 : memref<!tpu.dma_semaphore, #tpu.memory_space<semaphore_mem>>)
    }
    %scan3A_21 = arith.constant 32 : i32
    %mul3A_22 = arith.constant 32 : i32
    %mul3A_23 = arith.muli %add3A, %mul3A_22 : i32
    %add3A_24 = arith.constant 16 : i32
    %add3A_25 = arith.addi %mul3A_23, %add3A_24 : i32
    %dma_wait3A = arith.constant 30720 : i32
    %dma_wait3A_26 = tpu.memref_slice %arg4[%add3A_25, %dma_wait3A] : memref<1024x32768xf32, #tpu.memory_space<hbm>> -> memref<16x1024xf32, #tpu.memory_space<hbm>>
    %dma_wait3A_27 = arith.constant 30720 : i32
    %dma_wait3A_28 = tpu.memref_slice %arg4[%add3A_25, %dma_wait3A_27] : memref<1024x32768xf32, #tpu.memory_space<hbm>> -> memref<16x1024xf32, #tpu.memory_space<hbm>>
    tpu.wait_dma2 semaphore(%arg16 : memref<!tpu.dma_semaphore, #tpu.memory_space<semaphore_mem>>) src(%arg9 : memref<16x1024xf32, #tpu.memory_space<vmem>>) dst(%dma_wait3A_28 : memref<16x1024xf32, #tpu.memory_space<hbm>>)
    %mul3A_29 = arith.constant 32 : i32
    %mul3A_30 = arith.muli %add3A, %mul3A_29 : i32
    %add3A_31 = arith.constant 16 : i32
    %add3A_32 = arith.addi %mul3A_30, %add3A_31 : i32
    %dma_wait3A_33 = arith.constant 31744 : i32
    %dma_wait3A_34 = tpu.memref_slice %arg4[%add3A_32, %dma_wait3A_33] : memref<1024x32768xf32, #tpu.memory_space<hbm>> -> memref<16x1024xf32, #tpu.memory_space<hbm>>
    %dma_wait3A_35 = arith.constant 31744 : i32
    %dma_wait3A_36 = tpu.memref_slice %arg4[%add3A_32, %dma_wait3A_35] : memref<1024x32768xf32, #tpu.memory_space<hbm>> -> memref<16x1024xf32, #tpu.memory_space<hbm>>
    tpu.wait_dma2 semaphore(%arg17 : memref<!tpu.dma_semaphore, #tpu.memory_space<semaphore_mem>>) src(%arg10 : memref<16x1024xf32, #tpu.memory_space<vmem>>) dst(%dma_wait3A_36 : memref<16x1024xf32, #tpu.memory_space<hbm>>)
    %mul3A_37 = arith.constant 32 : i32
    %mul3A_38 = arith.muli %add3A, %mul3A_37 : i32
    %add3A_39 = arith.constant 16 : i32
    %add3A_40 = arith.addi %mul3A_38, %add3A_39 : i32
    %dma_wait3A_41 = arith.constant 31744 : i32
    %dma_wait3A_42 = tpu.memref_slice %arg2[%add3A_40, %dma_wait3A_41] : memref<1024x32768xf32, #tpu.memory_space<hbm>> -> memref<16x1024xf32, #tpu.memory_space<hbm>>
    %dma_wait3A_43 = arith.constant 31744 : i32
    %dma_wait3A_44 = tpu.memref_slice %arg2[%add3A_40, %dma_wait3A_43] : memref<1024x32768xf32, #tpu.memory_space<hbm>> -> memref<16x1024xf32, #tpu.memory_space<hbm>>
    tpu.wait_dma2 semaphore(%arg12 : memref<!tpu.dma_semaphore, #tpu.memory_space<semaphore_mem>>) src(%dma_wait3A_44 : memref<16x1024xf32, #tpu.memory_space<hbm>>) dst(%arg5 : memref<16x1024xf32, #tpu.memory_space<vmem>>)
    %mul3A_45 = arith.constant 32 : i32
    %mul3A_46 = arith.muli %add3A, %mul3A_45 : i32
    %add3A_47 = arith.constant 16 : i32
    %add3A_48 = arith.addi %mul3A_46, %add3A_47 : i32
    %dma_wait3A_49 = arith.constant 31744 : i32
    %dma_wait3A_50 = tpu.memref_slice %arg3[%add3A_48, %dma_wait3A_49] : memref<1024x32768xf32, #tpu.memory_space<hbm>> -> memref<16x1024xf32, #tpu.memory_space<hbm>>
    %dma_wait3A_51 = arith.constant 31744 : i32
    %dma_wait3A_52 = tpu.memref_slice %arg3[%add3A_48, %dma_wait3A_51] : memref<1024x32768xf32, #tpu.memory_space<hbm>> -> memref<16x1024xf32, #tpu.memory_space<hbm>>
    tpu.wait_dma2 semaphore(%arg14 : memref<!tpu.dma_semaphore, #tpu.memory_space<semaphore_mem>>) src(%dma_wait3A_52 : memref<16x1024xf32, #tpu.memory_space<hbm>>) dst(%arg7 : memref<16x1024xf32, #tpu.memory_space<vmem>>)
    return
  }
}

</mosaic_0001>

<sc_bundles>
// kernel: kernel.3.cloned.1.call-start
scs
__scs_entry_jumppad:
0x0: {  	(pc) =	sbr.rel $0x88, $3  }
0x1: {  	(tag) =	ssettag $0x0;
	lr =	simm.s32 $0x1  }
0x2: {  	[smem:$0x3F9F] =	sst lr;
	_ =	strace $0xD0000000  }
0x3: {  	_ = 	snop  }
0x4: {  	_ = 	snop  }
0x5: {  	_ = 	snop  }
0x6: {  	_ = 	snop  }
0x7: {  	_ = 	snop  }
__scs_overlays_trampoline_lowered:
0x8: {  	[smem:$0x3FAE] =	sst s0  }
0x9: {  	[smem:$0x3FAF] =	sst s1  }
0xa: {  	[smem:$0x3FB0] =	sst s2  }
0xb: {  	[smem:$0x3FB1] =	sst s3  }
0xc: {  	[smem:$0x3FB2] =	sst s4  }
0xd: {  	[smem:$0x3FB3] =	sst s5  }
0xe: {  	[smem:$0x3FB4] =	sst s6  }
0xf: {  	[smem:$0x3FB5] =	sst s7  }
0x10: {  	[smem:$0x3FB6] =	sst s8  }
0x11: {  	[smem:$0x3FB7] =	sst s9;
	s0 =	simm.s32 @!p0 $0x0  }
0x12: {  	s1 =	sld [smem:$0x3F9D];
	s0 =	simm.s32 @p0 $0x1  }
0x13: {  	[smem:$0x3FB8] =	sst s0;
	s0 =	simm.s32 @!p1 $0x0  }
0x14: {  	s2 =	sld [smem:$0x3F9C];
	s0 =	simm.s32 @p1 $0x1  }
0x15: {  	[smem:$0x3FB9] =	sst s0;
	s0 =	simm.s32 @!p2 $0x0  }
0x16: {  	s3 =	sld [smem:$0x3FDB];
	s0 =	simm.s32 @p2 $0x1  }
0x17: {  	s4 =	simm.s32 $0x1BF5;
	[smem:$0x3FBB] =	sst s0  }
0x18: {  	s0 =	sld [smem:$0x3F9E];
	_ =	swait.ge [sflag:s4], $0x0  }
0x19: {  	s7 =	sld [smem:$0x3F9F]  }
0x1a: {  	s8 =	sadd.s32 $0xFFFFE003, lr  }
0x1b: {  	s9 =	sadd.s32 $0xFFFFFEF7, lr;
	s5 =	simm.s32 $0xFFFFFFFF;
	p2 =	slt.u32 s8, $0xFFFFF086  }
0x1c: {  	p1 =	slt.u32 s9, $0xF7A;
	s5 =	simm.s32 @!p2 $0x0  }
0x1d: {  	s5 =	simm.s32 @p1 $0x1;
	p0 =	seq.s32 s7, s2  }
0x1e: {  	s7 =	smul.u32 @!p0 $0xF7A, s2;
	p2 =	seq.s32 @!p0 s5, $0x0  }
0x1f: {  	s9 =	smul.u32 $0xF7A, s1;
	s8 =	simm.s32 @!p0 $0x1BF5;
	p2 =	por !p2, p0  }
0x20: {  	[sflag:s8] =	ssyncset.s32 @!p0 $0xFFFFF086;
	s6 =	sadd.s32 @!p0 s3, s7;
	s7 =	simm.s32 @!p0 $0x108  }
0x21: {  	s3 =	sadd.s32 s3, s9;
	s6 =	sadd.s32 @!p0 $0x88, s6;
	s7 =	simm.s32 @p2 $0x1082  }
0x22: {  	[simem:s7], [sflag:s8] =	dma.local @!p0 [hbm:s6], $0xF7A  }
0x23: {  	s9 =	sor.u32 $0xD0000000, s2;
	s6 =	simm.s32 $0x108;
	_ =	swait.ge @!p0 [sflag:s8], $0x0  }
0x24: {  	s3 =	sadd.s32 $0x88, s3;
	s6 =	simm.s32 @!p1 $0x1082;
	[sflag:s4] =	ssyncset.s32 $0xFFFFF086  }
0x25: {  	[simem:s6], [sflag:s4] =	dma.local [hbm:s3], $0xF7A  }
0x26: {  	[smem:$0x3F9F] =	sst s1;
	(tag) =	ssettag s2;
	_ =	strace s9  }
0x27: {  	s1 =	sld [smem:$0x3FAF]  }
0x28: {  	s2 =	sld [smem:$0x3FB0]  }
0x29: {  	s4 =	sld [smem:$0x3FB2]  }
0x2a: {  	p0 =	seq.s32 s5, $0x0;
	s5 =	sld [smem:$0x3FB3]  }
0x2b: {  	s6 =	sld [smem:$0x3FB4]  }
0x2c: {  	s7 =	sld [smem:$0x3FB5]  }
0x2d: {  	s3 =	simm.s32 $0x108;
	s8 =	sld [smem:$0x3FB6]  }
0x2e: {  	s3 =	simm.s32 @!p0 $0x1082;
	s9 =	sld [smem:$0x3FB7]  }
0x2f: {  	lr =	sadd.s32 s0, s3;
	s0 =	sld [smem:$0x3FAE]  }
0x30: {  	s3 =	sld [smem:$0x3FB1]  }
0x31: {  	[smem:$0x3FBA] =	sst s10  }
0x32: {  	s10 =	sld [smem:$0x3FB8];
	_ =	sdelay $0x3  }
0x33: {  	p0 =	seq.s32 s10, $0x1;
	s10 =	sld [smem:$0x3FBA];
	_ =	sdelay $0x3  }
0x34: {  	[smem:$0x3FBA] =	sst s10  }
0x35: {  	s10 =	sld [smem:$0x3FB9];
	_ =	sdelay $0x3  }
0x36: {  	p1 =	seq.s32 s10, $0x1;
	s10 =	sld [smem:$0x3FBA];
	_ =	sdelay $0x3  }
0x37: {  	[smem:$0x3FBA] =	sst s10  }
0x38: {  	s10 =	sld [smem:$0x3FBB]  }
0x39: {  	_ = 	snop;
	(pc) =	sbr.ind lr, $3  }
0x3a: {  	_ = 	snop  }
0x3b: {  	_ = 	snop  }
0x3c: {  	p2 =	seq.s32 s10, $0x1;
	s10 =	sld [smem:$0x3FBA]  }
0x3d: {  	_ =	shalt  }
0x3e: {  	_ =	shalt  }
0x3f: {  	_ =	shalt  }
0x40: {  	_ =	shalt  }
0x41: {  	_ =	shalt  }
0x42: {  	_ =	shalt  }
0x43: {  	_ =	shalt  }
0x44: {  	_ =	shalt  }
0x45: {  	_ =	shalt  }
0x46: {  	_ =	shalt  }
0x47: {  	_ =	shalt  }
0x48: {  	_ =	shalt  }
0x49: {  	_ =	shalt  }
0x4a: {  	_ =	shalt  }
0x4b: {  	_ =	shalt  }
0x4c: {  	_ =	shalt  }
0x4d: {  	_ =	shalt  }
0x4e: {  	_ =	shalt  }
0x4f: {  	_ =	shalt  }
0x50: {  	_ =	shalt  }
0x51: {  	_ =	shalt  }
0x52: {  	_ =	shalt  }
0x53: {  	_ =	shalt  }
0x54: {  	_ =	shalt  }
0x55: {  	_ =	shalt  }
0x56: {  	_ =	shalt  }
0x57: {  	_ =	shalt  }
0x58: {  	_ =	shalt  }
0x59: {  	_ =	shalt  }
0x5a: {  	_ =	shalt  }
0x5b: {  	_ =	shalt  }
0x5c: {  	_ =	shalt  }
0x5d: {  	_ =	shalt  }
0x5e: {  	_ =	shalt  }
0x5f: {  	_ =	shalt  }
0x60: {  	_ =	shalt  }
0x61: {  	_ =	shalt  }
0x62: {  	_ =	shalt  }
0x63: {  	_ =	shalt  }
0x64: {  	_ =	shalt  }
0x65: {  	_ =	shalt  }
0x66: {  	_ =	shalt  }
0x67: {  	_ =	shalt  }
0x68: {  	_ =	shalt  }
0x69: {  	_ =	shalt  }
0x6a: {  	_ =	shalt  }
0x6b: {  	_ =	shalt  }
0x6c: {  	_ =	shalt  }
0x6d: {  	_ =	shalt  }
0x6e: {  	_ =	shalt  }
0x6f: {  	_ =	shalt  }
0x70: {  	_ =	shalt  }
0x71: {  	_ =	shalt  }
0x72: {  	_ =	shalt  }
0x73: {  	_ =	shalt  }
0x74: {  	_ =	shalt  }
0x75: {  	_ =	shalt  }
0x76: {  	_ =	shalt  }
0x77: {  	_ =	shalt  }
0x78: {  	_ =	shalt  }
0x79: {  	_ =	shalt  }
0x7a: {  	_ =	shalt  }
0x7b: {  	_ =	shalt  }
0x7c: {  	_ =	shalt  }
0x7d: {  	_ =	shalt  }
0x7e: {  	_ =	shalt  }
0x7f: {  	_ =	shalt  }
0x80: {  	_ =	shalt  }
0x81: {  	_ =	shalt  }
0x82: {  	_ =	shalt  }
0x83: {  	_ =	shalt  }
0x84: {  	_ =	shalt  }
0x85: {  	_ =	shalt  }
0x86: {  	_ =	shalt  }
0x87: {  	_ =	shalt  }
.Lfunc_end0:
.L_simem_size_0:
called_computation_lowered:
.L_overlay_start_0:
0x88: {  	s2 =	sld [smem:$0x3FD9]  }
0x89: {  	s3 =	sld [smem:$0x3FFE];
	_ =	sdelay $0x1  }
0x8a: {  	s1 =	srdreg.scid  }
0x8b: {  	s0 =	sand.u32 $0x1, s1  }
0x8c: {  	s17 =	sshll.u32 s0, $0xA;
	s2 =	sadd.s32 s3, s2  }
0x8d: {  	s2 =	sadd.s32 s2, s17  }
0x8e: {  	[smem:$0x3FC6] =	sst s2  }
0x8f: {  	_ = 	snop  }
0x90: {  	s2 =	sld [smem:$0x3FC9]  }
0x91: {  	s18 =	sld [smem:$0x3FD0];
	(tm) =	ssettm $0x1  }
0x92: {  	s4 =	sld [smem:$0x3FFB];
	_ =	sdelay $0x3  }
0x93: {  	_ =	strace s4  }
0x94: {  	s4 =	sld [smem:$0x3FFC];
	_ =	sdelay $0x3  }
0x95: {  	_ =	strace s4  }
0x96: {  	s4 =	sld [smem:$0x3FFD];
	_ =	sdelay $0x3  }
0x97: {  	_ =	strace s4  }
0x98: {  	_ =	strace $0x8FFFFFFF  }
0x99: {  	s19 =	sld [smem:$0x3FDB];
	_ =	sdelay $0x1  }
0x9a: {  	s5 =	simm.s32 $_scs_section_size  }
0x9b: {  	s6 =	simm.s32 $_size__tile_overlayer_lowered;
	s7 =	simm.s32 $_tile_overlayer_lowered  }
0x9c: {  	s22 =	simm.s32 $0x1BFF;
	s21 =	sshll.u32 s7, $0x1;
	s4 =	sadd.s32 s5, s19  }
0x9d: {  	s8 =	simm.s32 $0x0;
	s20 =	sshll.u32 s6, $0x1;
	s6 =	sadd.s32 s21, s4  }
0x9e: {  	[timem:s8], [sflag:s22] =	dma.local [hbm:s6], s20  }
0x9f: {  	_ =	swait.ge [sflag:s22], s20  }
0xa0: {  	s5 =	ssub.s32 $0x0, s20;
	[sflag:s22] =	ssyncset.done $0x0  }
0xa1: {  	[sflag:s22] =	ssyncadd.s32 s5;
	_ =	sdelay $0x1  }
0xa2: {  	s23 =	simm.s32 $0x1B8B  }
0xa3: {  	_ =	swait.ge [sflag:s23], $0x1  }
0xa4: {  	[sflag:s23] =	ssyncset.done $0x0  }
0xa5: {  	s25 =	simm.s32 $0x1B8E;
	s24 =	sld [smem:$0x3FFE];
	[sflag:s23] =	ssyncadd.s32 $0xFFFFFFFF  }
0xa6: {  	s26 =	simm.s32 $execute0_lowered;
	[smem:$0x3FD2] =	sst s25  }
0xa7: {  	s6 =	sshll.u32 s26, $0x1;
	_ =	strace $0x80000046;
	[dreg:$0x1] =	wrdreg $0xFFFFFFFF  }
0xa8: {  	s28 =	simm.s32 $_size_execute0_lowered;
	s4 =	sadd.s32 s4, s6;
	[dreg:$0x0] =	wrdreg $0x0  }
0xa9: {  	s6 =	sshll.u32 s28, $0x1;
	[dreg:$0x2] =	wrdreg s4  }
0xaa: {  	[dreg:$0x3] =	wrdreg s6  }
0xab: {  	[dreg:$0x4] =	wrdreg $0xC0  }
0xac: {  	_ =	task [dreg:s8], $0x5FFFF  }
0xad: {  	[dreg:$0x1] =	wrdreg $0xFFFFFFFF  }
0xae: {  	[dreg:$0x0] =	wrdreg $0x60  }
0xaf: {  	[dreg:$0x2] =	wrdreg s2  }
0xb0: {  	[dreg:$0x3] =	wrdreg s24  }
0xb1: {  	[dreg:$0x4] =	wrdreg s18  }
0xb2: {  	[dreg:$0x5] =	wrdreg $0x9  }
0xb3: {  	_ =	task.clear_ibuf [dreg:s8], $0x6FFFF;
	_ =	strace $0x90000046  }
0xb4: {  	s29 =	simm.s32 $0x9;
	_ =	strace $0x80000048  }
0xb5: {  	_ =	swait.ge [sflag:s29], $0x1  }
0xb6: {  	[sflag:s29] =	ssyncadd.s32 $0xFFFFFFFF  }
0xb7: {  	_ =	strace $0x90000048  }
0xb8: {  	_ =	sfence  }
0xb9: {  	s30 =	sld [smem:$0x0];
	_ =	sdelay $0x2  }
0xba: {  	s31 =	sshll.u32 s1, $0xD;
	s1 =	sshrl.u32 s1, $0x2  }
0xbb: {  	s3 =	sand.u32 $0x4000, s31;
	s1 =	sadd.s32 s1, s30  }
0xbc: {  	s0 =	sor.u32 s3, s0;
	s1 =	sshll.u32 s1, $0x11  }
0xbd: {  	s0 =	sor.u32 s1, s0  }
0xbe: {  	s0 =	sadd.s32 $0x8F2B, s0  }
0xbf: {  	[sflag:s0] =	ssyncadd.remote.s32 $0x1  }
0xc0: {  	_ =	sfence.sel $0xFFFF  }
0xc1: {  	[dreg:$0x0] =	wrdreg $0xFFFFFFFF;
	(pc) =	sbr.abs _section_cstart, $3  }
0xc2: {  	[dreg:$0x1] =	wrdreg $0xFFFFFFFF  }
0xc3: {  	_ =	task.clear_ibuf [dreg:s8], $0x2FFFF;
	_ =	strace $0x9FFFFFFF  }
0xc4: {  	(tm) =	ssettm $0x7FFFFFFF  }
0xc5: {  	_ =	shalt  }
tec
execute0_lowered:
.L_overlay_start_1:
0x0: {  	(tag) =	ssettag $0x1  }
0x1: {  	s29 =	rddreg [dreg:$0x0]  }
0x2: {  	s0 =	rddreg [dreg:$0x1]  }
0x3: {  	s30 =	rddreg [dreg:$0x2];
	s2 =	srdreg.scid;
	s3 =	simm.s32 $0x0  }
0x4: {  	s1 =	stileid.u32;
	s11 =	simm.s32 $0x2000;
	s12 =	simm.s32 $0x40000  }
0x5: {  	s16 =	simm.s32 $0x1;
	s17 =	simm.s32 $0x3;
	s2 =	sand.u32 $0x1, s2  }
0x6: {  	[smem:$0x7FF] =	sst s3;
	s4 =	sshll.u32 s1, $0x6;
	s5 =	sshll.u32 s2, $0x5  }
0x7: {  	_ =	strace $0x80000047;
	s2 =	ssub.s32 $0x2, s2;
	s1 =	sor.u32 s5, s4  }
0x8: {  	s28 =	sshrl.u32 s2, $0x1;
	[dreg:$0x4] =	wrdreg s1;
	s1 =	sshll.u32 s1, $0xC  }
0x9: {  	s6 =	sadd.s32 $0x400, s0;
	s0 =	ssub.s32 s2, s28;
	s31 =	sadd.s32 s29, s1  }
0xa: {  	s7 =	smov.u32 s1;
	s1 =	sadd.s32 s6, s1;
	[dreg:$0x5] =	wrdreg s31  }
0xb: {  	s19 =	simm.s32 $0x2;
	s0 =	smax.u32 s0, $0x1;
	[dreg:$0x6] =	wrdreg s1  }
0xc: {  	s20 =	simm.s32 $0x4;
	[dreg:$0x7] =	wrdreg s0;
	s1 =	simm.s32 $0x0  }
.LBB2_1:
0xd: {  	[dreg:$0x8] =	wrdreg s1  }
0xe: {  	s0 =	simm.s32 $0x0;
	s26 =	rddreg [dreg:$0x5]  }
0xf: {  	[tilespmem:s0], [sflag:$0x1] =	stream.strided.gather [hbm4b:s26+s11], $0x4000, s12, s11, $0x38;
	[tilespmem:$0x18800] =	vst v63  }
0x10: {  	s28 =	rddreg [dreg:$0x6];
	s31 =	simm.s32 $0x8000;
	s25 =	simm.s32 $0x0  }
0x11: {  	[tilespmem:s31], [sflag:$0x3] =	stream.strided.gather [hbm4b:s28+s11], $0x4000, s12, s11, $0x38;
	[tilespmem:$0x18800] =	vst v63  }
.LBB2_2:
0x12: {  	s0 =	sand.u32 $0x10, s25;
	s1 =	rddreg [dreg:$0x4]  }
0x13: {  	s2 =	sshll.u32 s25, $0xB;
	s0 =	sor.u32 s1, s0  }
0x14: {  	s10 =	sand.u32 $0x7800, s2;
	s28 =	sshll.u32 s0, $0xC  }
0x15: {  	s0 =	sor.u32 s28, s10  }
0x16: {  	s26 =	sor.u32 $0x400, s0  }
0x17: {  	s13 =	simm.s32 $0x4000;
	s0 =	sadd.s32 s29, s26  }
0x18: {  	[tilespmem:s13], [sflag:$0x2] =	stream.strided.gather [hbm4b:s0+s11], $0x4000, s12, s11, $0x38;
	[tilespmem:$0x18800] =	vst v63  }
0x19: {  	s15 =	simm.s32 $0xC000;
	s14 =	sadd.s32 s6, s26  }
0x1a: {  	[tilespmem:s15], [sflag:$0x4] =	stream.strided.gather [hbm4b:s14+s11], $0x4000, s12, s11, $0x38;
	[tilespmem:$0x18800] =	vst v63  }
0x1b: {  	_ =	swait.ge [sflag:s16], $0x4000  }
0x1c: {  	[sflag:s16] =	ssyncset.done $0x0  }
0x1d: {  	[sflag:s16] =	ssyncadd.s32 $0xFFFFC000  }
0x1e: {  	_ =	swait.ge [sflag:s17], $0x4000  }
0x1f: {  	s3 =	smov.u32 s29;
	p0 =	seq.s32 s25, $0x0;
	[sflag:s17] =	ssyncset.done $0x0  }
0x20: {  	s29 =	sshll.u32 s25, $0x1;
	s0 =	simm.s32 @!p0 $0x5;
	[sflag:s17] =	ssyncadd.s32 $0xFFFFC000  }
0x21: {  	s5 =	smov.u32 s30;
	s30 =	sand.u32 $0x1E, s29;
	_ =	swait.ge @!p0 [sflag:s0], $0x4000  }
0x22: {  	p1 =	sne.s32 s30, $0x0;
	[sflag:s0] =	ssyncset.done @!p0 $0x0  }
0x23: {  	v0 =	vimm.f32 @!p1 $0.0e+00;
	[sflag:s0] =	ssyncadd.s32 @!p0 $0xFFFFC000  }
0x24: {  	[tilespmem:$0x18000] =	vst @!p1 v0  }
0x25: {  	[tilespmem:$0x18080] =	vst @!p1 v0  }
0x26: {  	[tilespmem:$0x18100] =	vst @!p1 v0  }
0x27: {  	[tilespmem:$0x18180] =	vst @!p1 v0  }
0x28: {  	[tilespmem:$0x18200] =	vst @!p1 v0  }
0x29: {  	[tilespmem:$0x18280] =	vst @!p1 v0  }
0x2a: {  	[tilespmem:$0x18300] =	vst @!p1 v0  }
0x2b: {  	[tilespmem:$0x18380] =	vst @!p1 v0  }
0x2c: {  	[tilespmem:$0x18400] =	vst @!p1 v0  }
0x2d: {  	[tilespmem:$0x18480] =	vst @!p1 v0  }
0x2e: {  	[tilespmem:$0x18500] =	vst @!p1 v0  }
0x2f: {  	[tilespmem:$0x18580] =	vst @!p1 v0  }
0x30: {  	[tilespmem:$0x18600] =	vst @!p1 v0  }
0x31: {  	s8 =	simm.s32 $0x0;
	[tilespmem:$0x18680] =	vst @!p1 v0  }
0x32: {  	s18 =	sand.u32 $0x60, s8;
	s21 =	sand.u32 $0x1C00, s8;
	[tilespmem:$0x18700] =	vst @!p1 v0  }
0x33: {  	s9 =	sor.u32 s18, s21;
	[tilespmem:$0x18780] =	vst @!p1 v0  }
0x34: {  	v0 =	vld [tilespmem:s9+$0x280]  }
0x35: {  	v1 =	vld [tilespmem:s9+$0x8090]  }
0x36: {  	v2 =	vld [tilespmem:s9+$0x0]  }
0x37: {  	v3 =	vld [tilespmem:s9+$0x8000]  }
0x38: {  	v4 =	vld [tilespmem:s9+$0x90]  }
0x39: {  	v5 =	vld [tilespmem:s9+$0x180]  }
0x3a: {  	v6 =	vld [tilespmem:s9+$0x8180]  }
0x3b: {  	v7 =	vld [tilespmem:s9+$0x8190]  }
0x3c: {  	v9 =	vld [tilespmem:s9+$0x8080]  }
0x3d: {  	v10 =	vld [tilespmem:s9+$0x80]  }
0x3e: {  	v8 =	vld [tilespmem:s9+$0x190]  }
0x3f: {  	v11 =	vld [tilespmem:s9+$0x8200]  }
0x40: {  	v12 =	vld [tilespmem:s9+$0x200]  }
0x41: {  	v14 =	vld [tilespmem:s9+$0x8010]  }
0x42: {  	v9 =	vmul.f32 v9, v10;
	v10 =	vld [tilespmem:s9+$0x10]  }
0x43: {  	v2 =	vmul.f32 v3, v2;
	v3 =	vld [tilespmem:s9+$0x8210]  }
0x44: {  	v1 =	vmul.f32 v1, v4;
	v4 =	vld [tilespmem:s9+$0x210]  }
0x45: {  	v5 =	vmul.f32 v6, v5;
	v6 =	vmul.f32 v7, v8;
	v7 =	vld [tilespmem:s9+$0x110];
	(xrf2) =	vadd.scan.msk.f32 $0xffff, v9  }
0x46: {  	(xrf2) =	vadd.scan.msk.f32 $0xffff, v2;
	v2 =	vld [tilespmem:s9+$0x8280]  }
0x47: {  	v9 =	vmul.f32 v11, v12;
	(xrf2) =	vadd.scan.msk.f32 $0xffff, v1;
	v1 =	vld [tilespmem:s9+$0x8110]  }
0x48: {  	v13 =	vld [tilespmem:s9+$0x100]  }
0x49: {  	v8 =	vld [tilespmem:s9+$0x8100];
	(xrf2) =	vadd.scan.msk.f32 $0xffff, v9  }
0x4a: {  	v9 =	vmul.f32 v14, v10;
	v3 =	vmul.f32 v3, v4;
	v4 =	vld [tilespmem:s9+$0x8290];
	(xrf2) =	vadd.scan.msk.f32 $0xffff, v5  }
0x4b: {  	s2 =	simm.s32 $0x100;
	s15 =	simm.s32 $0x20;
	v5 =	vld [tilespmem:s9+$0x290];
	(xrf2) =	vadd.scan.msk.f32 $0xffff, v6  }
0x4c: {  	s4 =	sand.u32 $0x1C00, s2;
	s22 =	sand.u32 $0x60, s15;
	(xrf2) =	vadd.scan.msk.f32 $0xffff, v9;
	v0 =	vmul.f32 v2, v0;
	v1 =	vmul.f32 v1, v7  }
0x4d: {  	s0 =	sor.u32 s22, s4;
	v2 =	vld [tilespmem:$0x18000];
	(xrf2) =	vadd.scan.msk.f32 $0xffff, v3  }
0x4e: {  	v16 =	vld [tilespmem:s0+$0x0];
	v6 =	vmul.f32 v8, v13;
	(xrf2) =	vadd.scan.msk.f32 $0xffff, v0  }
0x4f: {  	v17 =	vld [tilespmem:s0+$0x80];
	v7, _, _ =	vpop (xrf2);
	(xrf2) =	vadd.scan.msk.f32 $0xffff, v1  }
0x50: {  	v3 =	vld [tilespmem:$0x18200];
	v4 =	vmul.f32 v4, v5;
	v1, _, _ =	vpop (xrf2);
	(xrf2) =	vadd.scan.msk.f32 $0xffff, v6  }
0x51: {  	v0 =	vld [tilespmem:$0x18180]  }
0x52: {  	v6 =	vld [tilespmem:$0x18080];
	v5, _, _ =	vpop (xrf2);
	v1 =	vadd.f32 v1, v2  }
0x53: {  	v10 =	vld [tilespmem:$0x18280];
	v9, _, _ =	vpop (xrf2);
	(xrf2) =	vadd.scan.msk.f32 $0xffff, v4  }
0x54: {  	v8 =	vld [tilespmem:$0x18100];
	v4, _, _ =	vpop (xrf2);
	v14 =	vbroadcast v1, $0xF  }
0x55: {  	v3 =	vadd.f32 v9, v3;
	v9 =	vld [tilespmem:$0x18300];
	v11, _, _ =	vpop (xrf2)  }
0x56: {  	v4 =	vadd.f32 v4, v0;
	v0 =	vld [tilespmem:$0x18380];
	[tilespmem:s9+$0x10000] =	vst v1;
	v2, _, _ =	vpop (xrf2)  }
0x57: {  	v18 =	vld [tilespmem:s0+$0x200];
	v12 =	vbroadcast v3, $0xF;
	[tilespmem:s9+$0x10200] =	vst v3;
	v1 =	vadd.f32 v7, v6;
	v15, _, _ =	vpop (xrf2)  }
0x58: {  	v13 =	vld [tilespmem:s0+$0x8090];
	[tilespmem:s9+$0x10180] =	vst v4;
	v2 =	vadd.f32 v2, v14;
	v14, _, _ =	vpop (xrf2)  }
0x59: {  	v3 =	vld [tilespmem:s0+$0x8000];
	v12 =	vadd.f32 v15, v12;
	[tilespmem:s9+$0x10080] =	vst v1;
	v10 =	vadd.f32 v14, v10;
	v7, _, _ =	vpop (xrf2)  }
0x5a: {  	s23 =	sand.u32 $0x3, s8;
	v6 =	vld [tilespmem:s0+$0x90];
	v4 =	vbroadcast v4, $0xF;
	[tilespmem:s9+$0x10010] =	vst v2;
	v15, _, _ =	vpop (xrf2)  }
0x5b: {  	s4 =	sshll.u32 s23, $0x5;
	v1 =	vbroadcast v1, $0xF;
	v14 =	vld [tilespmem:s0+$0x8080];
	[tilespmem:s9+$0x10210] =	vst v12;
	v8 =	vadd.f32 v15, v8  }
0x5c: {  	s10 =	sadd.s32 $0x0, s4;
	v4 =	vadd.f32 v11, v4;
	v11 =	vld [tilespmem:s0+$0x8200];
	[tilespmem:s9+$0x10280] =	vst v10;
	v15 =	vbroadcast v10, $0xF  }
0x5d: {  	s4 =	sor.u32 $0x300, s10;
	v5 =	vadd.f32 v5, v1;
	v10, _, _ =	vpop (xrf2);
	v19 =	vbroadcast v8, $0xF;
	[tilespmem:s9+$0x10100] =	vst v8;
	v8 =	vld [tilespmem:s0+$0x180]  }
0x5e: {  	[tilespmem:s9+$0x10190] =	vst v4;
	v15 =	vadd.f32 v10, v15;
	v1 =	vld [tilespmem:s4+$0x8000]  }
0x5f: {  	[tilespmem:s9+$0x10090] =	vst v5;
	v20 =	vadd.f32 v7, v19;
	v7 =	vld [tilespmem:s4+$0x0]  }
0x60: {  	s10 =	sadd.s32 $0x10, s10;
	v10 =	vmul.f32 v14, v17;
	v14 =	vld [tilespmem:s0+$0x8180];
	[tilespmem:s9+$0x10290] =	vst v15  }
0x61: {  	s13 =	sor.u32 $0x300, s10;
	v3 =	vmul.f32 v3, v16;
	[tilespmem:s9+$0x10110] =	vst v20  }
0x62: {  	v6 =	vmul.f32 v13, v6;
	(xrf2) =	vadd.scan.msk.f32 $0xffff, v10;
	v10 =	vld [tilespmem:s13+$0x0]  }
0x63: {  	v11 =	vmul.f32 v11, v18;
	(xrf2) =	vadd.scan.msk.f32 $0xffff, v3;
	v3 =	vld [tilespmem:s13+$0x8000]  }
0x64: {  	(xrf2) =	vadd.scan.msk.f32 $0xffff, v6;
	v1 =	vmul.f32 v1, v7  }
0x65: {  	(xrf2) =	vadd.scan.msk.f32 $0xffff, v11;
	v8 =	vmul.f32 v14, v8;
	v14 =	vld [tilespmem:s0+$0x210]  }
0x66: {  	v7 =	vld [tilespmem:s0+$0x8190];
	(xrf2) =	vadd.scan.msk.f32 $0xffff, v1  }
0x67: {  	v1 =	vld [tilespmem:s0+$0x190]  }
0x68: {  	v3 =	vmul.f32 v3, v10;
	v10 =	vld [tilespmem:s0+$0x8010]  }
0x69: {  	(xrf2) =	vadd.scan.msk.f32 $0xffff, v8;
	v8 =	vld [tilespmem:s0+$0x10]  }
0x6a: {  	(xrf2) =	vadd.scan.msk.f32 $0xffff, v3;
	v3 =	vld [tilespmem:s0+$0x8210];
	_ =	sdelay $0x1  }
0x6b: {  	v21 =	vld [tilespmem:s0+$0x8110];
	v13, _, _ =	vpop (xrf2)  }
0x6c: {  	v22 =	vld [tilespmem:s0+$0x110];
	v16, _, _ =	vpop (xrf2);
	v1 =	vmul.f32 v7, v1  }
0x6d: {  	v19 =	vld [tilespmem:s0+$0x8280];
	v18, _, _ =	vpop (xrf2);
	v8 =	vmul.f32 v10, v8  }
0x6e: {  	v6 =	vld [tilespmem:s0+$0x280];
	v7, _, _ =	vpop (xrf2);
	(xrf2) =	vadd.scan.msk.f32 $0xffff, v1;
	v3 =	vmul.f32 v3, v14  }
0x6f: {  	v23 =	vld [tilespmem:s0+$0x8290];
	(xrf2) =	vadd.scan.msk.f32 $0xffff, v8;
	v10, _, _ =	vpop (xrf2)  }
0x70: {  	s31 =	simm.s32 $0x200;
	s14 =	simm.s32 $0x40;
	v24 =	vld [tilespmem:s0+$0x290];
	(xrf2) =	vadd.scan.msk.f32 $0xffff, v3;
	v9 =	vadd.f32 v10, v9  }
0x71: {  	s18 =	sand.u32 $0x1C00, s31;
	s24 =	sand.u32 $0x60, s14;
	v17 =	vld [tilespmem:s0+$0x8100]  }
0x72: {  	s22 =	sor.u32 s24, s18;
	v5 =	vbroadcast v5, $0xF;
	v11 =	vld [tilespmem:s0+$0x100];
	v8, _, _ =	vpop (xrf2);
	v3 =	vbroadcast v9, $0xF  }
0x73: {  	v25 =	vld [tilespmem:s22+$0x8090];
	v4 =	vbroadcast v4, $0xF;
	v6 =	vmul.f32 v19, v6;
	v10, _, _ =	vpop (xrf2)  }
0x74: {  	v27 =	vld [tilespmem:s22+$0x0];
	v3 =	vadd.f32 v10, v3;
	v10 =	vadd.f32 v13, v5;
	v5 =	vbroadcast v12, $0xF  }
0x75: {  	v2 =	vbroadcast v2, $0xF;
	v1 =	vld [tilespmem:s22+$0x280];
	v14 =	vmul.f32 v21, v22  }
0x76: {  	s8 =	sor.u32 s8, s8;
	v22 =	vld [tilespmem:s22+$0x8000];
	(xrf2) =	vadd.scan.msk.f32 $0xffff, v6;
	v12 =	vadd.f32 v8, v4  }
0x77: {  	s9 =	sor.u32 $0x380, s8;
	(xrf2) =	vadd.scan.msk.f32 $0xffff, v14;
	v14 =	vadd.f32 v16, v2;
	v16 =	vmul.f32 v17, v11;
	v17 =	vld [tilespmem:s22+$0x8180];
	[tilespmem:s4+$0x10000] =	vst v9  }
0x78: {  	v6 =	vld [tilespmem:s9+$0x0];
	v2 =	vbroadcast v12, $0xF;
	v19 =	vadd.f32 v7, v5;
	v5, _, _ =	vpop (xrf2)  }
0x79: {  	s10 =	sor.u32 $0x380, s10;
	v28 =	vld [tilespmem:s9+$0x8000];
	[tilespmem:s13+$0x10000] =	vst v3;
	v4 =	vbroadcast v10, $0xF;
	v13, _, _ =	vpop (xrf2)  }
0x7a: {  	v21 =	vld [tilespmem:s10+$0x0];
	v11 =	vadd.f32 v5, v2;
	v5 =	vbroadcast v3, $0xF;
	v3, _, _ =	vpop (xrf2);
	(xrf2) =	vadd.scan.msk.f32 $0xffff, v16  }
0x7b: {  	v23 =	vmul.f32 v23, v24;
	v26 =	vld [tilespmem:s10+$0x8000];
	v7 =	vadd.f32 v18, v4;
	v4 =	vbroadcast v14, $0xF  }
0x7c: {  	v18 =	vld [tilespmem:s22+$0x90];
	v29 =	vbroadcast v19, $0xF  }
0x7d: {  	v9 =	vbroadcast v20, $0xF;
	v8 =	vbroadcast v15, $0xF;
	v15 =	vld [tilespmem:s22+$0x180];
	v20 =	vadd.f32 v13, v4;
	(xrf2) =	vadd.scan.msk.f32 $0xffff, v23  }
0x7e: {  	v28 =	vmul.f32 v28, v6;
	v2 =	vbroadcast v7, $0xF;
	v13 =	vld [tilespmem:s22+$0x8190];
	v24 =	vadd.f32 v3, v29  }
0x7f: {  	v16 =	vld [tilespmem:s22+$0x190];
	v4 =	vbroadcast v11, $0xF;
	v3 =	vbroadcast v20, $0xF  }
0x80: {  	s23 =	sor.u32 s2, s15;
	s24 =	simm.s32 $0x1;
	v23 =	vld [tilespmem:s22+$0x8080];
	v21 =	vmul.f32 v26, v21;
	v26, _, _ =	vpop (xrf2);
	(xrf2) =	vadd.scan.msk.f32 $0xffff, v28;
	v6 =	vbroadcast v24, $0xF  }
0x81: {  	s18 =	simm.s32 $0x4;
	s15 =	sand.u32 $0x3, s24;
	s8 =	sor.u32 s31, s14;
	[tilespmem:s0+$0x10180] =	vst v12;
	v12 =	vmul.f32 v25, v18;
	v18 =	vmul.f32 v22, v27;
	v25 =	vld [tilespmem:s22+$0x80];
	v22, _, _ =	vpop (xrf2)  }
.LBB2_3:
0x82: {  	s18 =	sadd.s32 $0x2, s18;
	v15 =	vmul.f32 v17, v15;
	v17 =	vld [tilespmem:s22+$0x8200];
	[tilespmem:s0+$0x10200] =	vst v19;
	s24 =	sadd.s32 $0x1, s24  }
0x83: {  	p1 =	slt.u32 s18, $0x3E;
	s4 =	sand.u32 $0x3, s24;
	v19 =	vld [tilespmem:s22+$0x200];
	[tilespmem:s0+$0x10000] =	vst v14;
	(xrf2) =	vadd.scan.msk.f32 $0xffff, v21  }
0x84: {  	v26 =	vadd.f32 v26, v8;
	v14 =	vld [tilespmem:s22+$0x100];
	[tilespmem:s0+$0x10210] =	vst v24;
	v21, _, _ =	vpop (xrf2)  }
0x85: {  	v13 =	vmul.f32 v13, v16;
	[tilespmem:s0+$0x10010] =	vst v20  }
0x86: {  	v9 =	vadd.f32 v21, v9;
	v16 =	vmul.f32 v23, v25;
	v20 =	vld [tilespmem:s22+$0x8100];
	[tilespmem:s0+$0x10080] =	vst v10;
	v10 =	vbroadcast v26, $0xF  }
0x87: {  	s13 =	sshll.u32 s15, $0x5;
	s15 =	smov.u32 s4;
	[tilespmem:s0+$0x10280] =	vst v26;
	v8, _, _ =	vpop (xrf2)  }
0x88: {  	s4 =	sadd.s32 s13, s2;
	s2 =	smov.u32 s31;
	(xrf2) =	vadd.scan.msk.f32 $0xffff, v16;
	v16 =	vbroadcast v9, $0xF;
	[tilespmem:s0+$0x10190] =	vst v11;
	v8 =	vadd.f32 v8, v10  }
0x89: {  	s13 =	sor.u32 $0x300, s4;
	s21 =	sadd.s32 $0x10, s4;
	[tilespmem:s0+$0x10100] =	vst v9  }
0x8a: {  	v10 =	vld [tilespmem:s13+$0x8000];
	v9 =	vadd.f32 v22, v16;
	[tilespmem:s0+$0x10290] =	vst v8;
	v8 =	vbroadcast v8, $0xF;
	v11, _, _ =	vpop (xrf2)  }
0x8b: {  	v16 =	vmul.f32 v17, v19;
	v17 =	vld [tilespmem:s22+$0x8010];
	(xrf2) =	vadd.scan.msk.f32 $0xffff, v18;
	[tilespmem:s0+$0x10090] =	vst v7;
	v0 =	vadd.f32 v11, v0  }
0x8c: {  	v18 =	vmul.f32 v20, v14;
	v7 =	vld [tilespmem:s22+$0x10];
	[tilespmem:s0+$0x10110] =	vst v9;
	v9 =	vbroadcast v9, $0xF;
	s0 =	smov.u32 s22  }
0x8d: {  	s4 =	sor.u32 $0x300, s21;
	v11 =	vld [tilespmem:s13+$0x0];
	[tilespmem:s9+$0x10000] =	vst v0;
	v0 =	vbroadcast v0, $0xF;
	v14, _, _ =	vpop (xrf2)  }
0x8e: {  	(xrf2) =	vadd.scan.msk.f32 $0xffff, v12;
	v12 =	vld [tilespmem:s4+$0x0]  }
0x8f: {  	v19 =	vld [tilespmem:s4+$0x8000];
	v0 =	vadd.f32 v14, v0;
	_ =	sdelay $0x1  }
0x90: {  	v14 =	vmul.f32 v17, v7;
	(xrf2) =	vadd.scan.msk.f32 $0xffff, v16;
	[tilespmem:s10+$0x10000] =	vst v0;
	v0 =	vbroadcast v0, $0xF  }
0x91: {  	v7, _, _ =	vpop (xrf2);
	v11 =	vmul.f32 v10, v11  }
0x92: {  	v10 =	vadd.f32 v7, v2  }
0x93: {  	v2 =	vld [tilespmem:s0+$0x8210];
	v12 =	vmul.f32 v19, v12;
	(xrf2) =	vadd.scan.msk.f32 $0xffff, v11  }
0x94: {  	v11 =	vld [tilespmem:s0+$0x210];
	v16, _, _ =	vpop (xrf2);
	_ =	sdelay $0x1  }
0x95: {  	v7 =	vbroadcast v10, $0xF;
	(xrf2) =	vadd.scan.msk.f32 $0xffff, v15  }
0x96: {  	v15, _, _ =	vpop (xrf2)  }
0x97: {  	v7 =	vadd.f32 v15, v7  }
0x98: {  	v11 =	vmul.f32 v2, v11;
	(xrf2) =	vadd.scan.msk.f32 $0xffff, v12  }
0x99: {  	v2 =	vbroadcast v7, $0xF;
	v12, _, _ =	vpop (xrf2);
	_ =	sdelay $0x1  }
0x9a: {  	(xrf2) =	vadd.scan.msk.f32 $0xffff, v13  }
0x9b: {  	v13 =	vld [tilespmem:s0+$0x8280];
	v15, _, _ =	vpop (xrf2);
	_ =	sdelay $0x1  }
0x9c: {  	v17 =	vld [tilespmem:s0+$0x8110];
	(xrf2) =	vadd.scan.msk.f32 $0xffff, v14  }
0x9d: {  	s14 =	sadd.s32 $0x20, s14;
	s31 =	sadd.s32 $0x100, s31;
	v5 =	vadd.f32 v15, v5;
	v14 =	vld [tilespmem:s0+$0x110];
	v19, _, _ =	vpop (xrf2)  }
0x9e: {  	s1 =	sor.u32 s31, s14;
	s9 =	sand.u32 $0x60, s14;
	s10 =	sand.u32 $0x1C00, s31;
	v15 =	vld [tilespmem:s0+$0x8290]  }
0x9f: {  	s22 =	sor.u32 s9, s10;
	v13 =	vmul.f32 v13, v1;
	v20 =	vld [tilespmem:s0+$0x290];
	(xrf2) =	vadd.scan.msk.f32 $0xffff, v11;
	[tilespmem:s13+$0x10000] =	vst v5;
	v5 =	vbroadcast v5, $0xF  }
0xa0: {  	v1 =	vld [tilespmem:s22+$0x280];
	v11, _, _ =	vpop (xrf2)  }
0xa1: {  	v4 =	vadd.f32 v19, v4;
	v22 =	vld [tilespmem:s22+$0x8090];
	v11 =	vadd.f32 v11, v5  }
0xa2: {  	v25 =	vld [tilespmem:s22+$0x0];
	v17 =	vmul.f32 v17, v14;
	(xrf2) =	vadd.scan.msk.f32 $0xffff, v13  }
0xa3: {  	s9 =	sor.u32 $0x380, s23;
	s23 =	smov.u32 s8;
	s8 =	smov.u32 s1;
	v27 =	vld [tilespmem:s22+$0x8000];
	[tilespmem:s0+$0x10180] =	vst v4;
	v4 =	vbroadcast v4, $0xF;
	v13, _, _ =	vpop (xrf2);
	v5 =	vbroadcast v11, $0xF  }
0xa4: {  	s10 =	sor.u32 $0x380, s21;
	v14 =	vadd.f32 v16, v3;
	v16 =	vmul.f32 v15, v20;
	v23 =	vld [tilespmem:s9+$0x0];
	[tilespmem:s4+$0x10000] =	vst v11  }
0xa5: {  	v11 =	vadd.f32 v13, v4;
	(xrf2) =	vadd.scan.msk.f32 $0xffff, v17;
	v21 =	vld [tilespmem:s10+$0x0]  }
0xa6: {  	v19 =	vadd.f32 v12, v6;
	v3 =	vbroadcast v14, $0xF;
	v6, _, _ =	vpop (xrf2);
	v12 =	vld [tilespmem:s10+$0x8000]  }
0xa7: {  	v4 =	vbroadcast v11, $0xF;
	v28 =	vld [tilespmem:s9+$0x8000]  }
0xa8: {  	v13 =	vbroadcast v19, $0xF;
	v20 =	vadd.f32 v6, v3;
	v29 =	vld [tilespmem:s22+$0x90];
	(xrf2) =	vadd.scan.msk.f32 $0xffff, v18  }
0xa9: {  	v15 =	vld [tilespmem:s22+$0x180];
	v6, _, _ =	vpop (xrf2)  }
0xaa: {  	v3 =	vbroadcast v20, $0xF;
	v17 =	vld [tilespmem:s22+$0x8180];
	v24 =	vadd.f32 v6, v13  }
.Ltmp0:
0xab: {  	v13 =	vld [tilespmem:s22+$0x8190];
	(xrf2) =	vadd.scan.msk.f32 $0xffff, v16;
	v21 =	vmul.f32 v12, v21;
	(pc) =	sbr.rel @p1 .LBB2_3-.Ltmp0, $3  }
0xac: {  	v16 =	vld [tilespmem:s22+$0x190];
	v6 =	vbroadcast v24, $0xF;
	v26, _, _ =	vpop (xrf2);
	v18 =	vmul.f32 v28, v23;
	_ =	sdelay $0x1  }
0xad: {  	v12 =	vmul.f32 v22, v29;
	v23 =	vld [tilespmem:s22+$0x8080];
	(xrf2) =	vadd.scan.msk.f32 $0xffff, v18  }
0xae: {  	v18 =	vmul.f32 v27, v25;
	v25 =	vld [tilespmem:s22+$0x80];
	v22, _, _ =	vpop (xrf2)  }
0xaf: {  	[tilespmem:s0+$0x10200] =	vst v19  }
0xb0: {  	[tilespmem:s0+$0x10000] =	vst v14  }
0xb1: {  	v8 =	vadd.f32 v26, v8;
	[tilespmem:s0+$0x10210] =	vst v24  }
0xb2: {  	[tilespmem:s0+$0x10010] =	vst v20;
	v14, _, _ =	vpop (xrf2)  }
0xb3: {  	[tilespmem:s0+$0x10080] =	vst v10;
	s1 =	sshll.u32 s15, $0x5;
	v9 =	vadd.f32 v14, v9  }
0xb4: {  	v19 =	vld [tilespmem:s22+$0x200];
	s1 =	sadd.s32 s1, s2;
	v10 =	vbroadcast v8, $0xF;
	[tilespmem:s0+$0x10280] =	vst v8  }
0xb5: {  	s4 =	sor.u32 $0x300, s1;
	v14 =	vld [tilespmem:s22+$0x8200];
	v8, _, _ =	vpop (xrf2);
	v20 =	vbroadcast v9, $0xF;
	[tilespmem:s0+$0x10100] =	vst v9  }
0xb6: {  	[tilespmem:s0+$0x10190] =	vst v11;
	v8 =	vadd.f32 v8, v10;
	v9 =	vld [tilespmem:s4+$0x8000]  }
0xb7: {  	[tilespmem:s0+$0x10090] =	vst v7;
	v11 =	vld [tilespmem:s4+$0x0];
	v10 =	vadd.f32 v22, v20  }
0xb8: {  	s2 =	sadd.s32 $0x10, s1;
	v22 =	vmul.f32 v23, v25;
	[tilespmem:s0+$0x10290] =	vst v8  }
0xb9: {  	v7 =	vld [tilespmem:s22+$0x8010];
	(xrf2) =	vadd.scan.msk.f32 $0xffff, v21;
	s13 =	sor.u32 $0x300, s2;
	[tilespmem:s0+$0x10110] =	vst v10  }
0xba: {  	(xrf2) =	vadd.scan.msk.f32 $0xffff, v22;
	v21 =	vld [tilespmem:s13+$0x0]  }
0xbb: {  	v14 =	vmul.f32 v14, v19;
	(xrf2) =	vadd.scan.msk.f32 $0xffff, v18;
	v18 =	vld [tilespmem:s13+$0x8000]  }
0xbc: {  	v19 =	vld [tilespmem:s22+$0x10];
	(xrf2) =	vadd.scan.msk.f32 $0xffff, v12;
	v9 =	vmul.f32 v9, v11  }
0xbd: {  	v11 =	vld [tilespmem:s22+$0x8210];
	(xrf2) =	vadd.scan.msk.f32 $0xffff, v14  }
0xbe: {  	(xrf2) =	vadd.scan.msk.f32 $0xffff, v9;
	v9 =	vld [tilespmem:s22+$0x210]  }
0xbf: {  	v13 =	vmul.f32 v13, v16;
	v16 =	vld [tilespmem:s22+$0x8100]  }
0xc0: {  	v12 =	vmul.f32 v17, v15;
	v14 =	vld [tilespmem:s22+$0x8280];
	v15 =	vmul.f32 v18, v21  }
0xc1: {  	v17 =	vld [tilespmem:s22+$0x8110]  }
0xc2: {  	(xrf2) =	vadd.scan.msk.f32 $0xffff, v12;
	v12 =	vld [tilespmem:s22+$0x110]  }
0xc3: {  	v20 =	vld [tilespmem:s22+$0x100];
	v7 =	vmul.f32 v7, v19;
	v18, _, _ =	vpop (xrf2);
	(xrf2) =	vadd.scan.msk.f32 $0xffff, v15;
	v9 =	vmul.f32 v11, v9  }
0xc4: {  	(xrf2) =	vadd.scan.msk.f32 $0xffff, v13;
	v11 =	vld [tilespmem:s22+$0x8290];
	v15, _, _ =	vpop (xrf2)  }
0xc5: {  	v1 =	vmul.f32 v14, v1;
	(xrf2) =	vadd.scan.msk.f32 $0xffff, v7;
	v7 =	vld [tilespmem:s22+$0x290];
	v13, _, _ =	vpop (xrf2)  }
0xc6: {  	v19, _, _ =	vpop (xrf2)  }
0xc7: {  	v12 =	vmul.f32 v17, v12;
	(xrf2) =	vadd.scan.msk.f32 $0xffff, v9;
	v9, _, _ =	vpop (xrf2)  }
0xc8: {  	v14 =	vmul.f32 v16, v20;
	(xrf2) =	vadd.scan.msk.f32 $0xffff, v1;
	v16, _, _ =	vpop (xrf2)  }
0xc9: {  	(xrf2) =	vadd.scan.msk.f32 $0xffff, v12;
	v1, _, _ =	vpop (xrf2)  }
0xca: {  	(xrf2) =	vadd.scan.msk.f32 $0xffff, v14;
	v1 =	vadd.f32 v1, v5;
	v5 =	vmul.f32 v11, v7;
	_ =	sdelay $0x1  }
0xcb: {  	v2 =	vadd.f32 v13, v2  }
0xcc: {  	v7, _, _ =	vpop (xrf2);
	v11 =	vbroadcast v1, $0xF;
	(xrf2) =	vadd.scan.msk.f32 $0xffff, v5  }
0xcd: {  	v3 =	vadd.f32 v19, v3;
	[tilespmem:s22+$0x10080] =	vst v2;
	v5, _, _ =	vpop (xrf2)  }
0xce: {  	v4 =	vadd.f32 v7, v4;
	[tilespmem:s4+$0x10000] =	vst v1;
	v1 =	vadd.f32 v5, v11;
	v5, _, _ =	vpop (xrf2)  }
0xcf: {  	v2 =	vbroadcast v2, $0xF;
	v6 =	vadd.f32 v16, v6;
	v12 =	vbroadcast v3, $0xF;
	[tilespmem:s22+$0x10000] =	vst v3;
	v7, _, _ =	vpop (xrf2)  }
0xd0: {  	v8 =	vbroadcast v8, $0xF;
	[tilespmem:s22+$0x10180] =	vst v4;
	v4 =	vbroadcast v4, $0xF;
	v14, _, _ =	vpop (xrf2)  }
0xd1: {  	v2 =	vadd.f32 v9, v2;
	[tilespmem:s22+$0x10200] =	vst v6;
	v11 =	vbroadcast v6, $0xF;
	v6 =	vadd.f32 v7, v12;
	v7, _, _ =	vpop (xrf2)  }
0xd2: {  	s14 =	sadd.s32 $0x1, s24;
	s2 =	sor.u32 $0x380, s2;
	v3 =	vbroadcast v10, $0xF;
	v4 =	vadd.f32 v5, v4;
	[tilespmem:s13+$0x10000] =	vst v1;
	v10, _, _ =	vpop (xrf2);
	v7 =	vadd.f32 v7, v8  }
0xd3: {  	s1 =	sand.u32 $0x3, s14;
	[tilespmem:s22+$0x10090] =	vst v2;
	v13 =	vld [tilespmem:s2+$0x0];
	v12, _, _ =	vpop (xrf2)  }
0xd4: {  	s15 =	sor.u32 $0x380, s23;
	s1 =	sshll.u32 s1, $0x5;
	v5 =	vld [tilespmem:s2+$0x8000];
	[tilespmem:s22+$0x10190] =	vst v4;
	v3 =	vadd.f32 v12, v3  }
0xd5: {  	s1 =	sadd.s32 s1, s31;
	v11 =	vadd.f32 v14, v11;
	v14 =	vld [tilespmem:s15+$0x8000];
	v12 =	vbroadcast v7, $0xF;
	[tilespmem:s22+$0x10280] =	vst v7  }
0xd6: {  	s18 =	sor.u32 $0x300, s1;
	v8 =	vld [tilespmem:s15+$0x0];
	v7, _, _ =	vpop (xrf2);
	v16 =	vbroadcast v3, $0xF;
	[tilespmem:s22+$0x10100] =	vst v3  }
0xd7: {  	[tilespmem:s22+$0x10010] =	vst v6;
	v7 =	vadd.f32 v7, v12;
	v3 =	vld [tilespmem:s18+$0x8000]  }
0xd8: {  	[tilespmem:s22+$0x10210] =	vst v11;
	v9 =	vadd.f32 v10, v16;
	v10 =	vld [tilespmem:s18+$0x0]  }
0xd9: {  	s1 =	sadd.s32 $0x10, s1;
	[tilespmem:s22+$0x10290] =	vst v7  }
0xda: {  	s13 =	sor.u32 $0x300, s1;
	[tilespmem:s22+$0x10110] =	vst v9  }
0xdb: {  	v8 =	vmul.f32 v14, v8;
	v12 =	vld [tilespmem:s13+$0x0]  }
0xdc: {  	v5 =	vmul.f32 v5, v13;
	v13 =	vld [tilespmem:s13+$0x8000]  }
0xdd: {  	(xrf2) =	vadd.scan.msk.f32 $0xffff, v8;
	v3 =	vmul.f32 v3, v10  }
0xde: {  	(xrf2) =	vadd.scan.msk.f32 $0xffff, v5  }
0xdf: {  	(xrf2) =	vadd.scan.msk.f32 $0xffff, v3;
	_ =	sdelay $0x1  }
0xe0: {  	v3 =	vmul.f32 v13, v12;
	_ =	sdelay $0x1  }
0xe1: {  	(xrf2) =	vadd.scan.msk.f32 $0xffff, v3;
	_ =	sdelay $0x3  }
0xe2: {  	v3, _, _ =	vpop (xrf2)  }
0xe3: {  	v1 =	vbroadcast v1, $0xF;
	v5, _, _ =	vpop (xrf2)  }
0xe4: {  	v8, _, _ =	vpop (xrf2)  }
0xe5: {  	v1 =	vadd.f32 v8, v1;
	_ =	sdelay $0x1  }
0xe6: {  	s21 =	sor.u32 $0x380, s8;
	[tilespmem:s18+$0x10000] =	vst v1;
	v1 =	vbroadcast v1, $0xF  }
0xe7: {  	v8, _, _ =	vpop (xrf2);
	v10 =	vld [tilespmem:s21+$0x0]  }
0xe8: {  	v1 =	vadd.f32 v8, v1;
	v8 =	vld [tilespmem:s21+$0x8000];
	_ =	sdelay $0x1  }
0xe9: {  	v0 =	vadd.f32 v18, v0;
	s1 =	sor.u32 $0x380, s1;
	[tilespmem:s13+$0x10000] =	vst v1  }
0xea: {  	v12 =	vld [tilespmem:s1+$0x0]  }
0xeb: {  	v13 =	vbroadcast v0, $0xF;
	v14 =	vld [tilespmem:s1+$0x8000]  }
0xec: {  	v8 =	vmul.f32 v8, v10  }
0xed: {  	v10 =	vadd.f32 v15, v13  }
0xee: {  	(xrf2) =	vadd.scan.msk.f32 $0xffff, v8  }
0xef: {  	v8 =	vbroadcast v10, $0xF  }
0xf0: {  	v12 =	vmul.f32 v14, v12  }
0xf1: {  	v3 =	vadd.f32 v3, v8  }
0xf2: {  	(xrf2) =	vadd.scan.msk.f32 $0xffff, v12  }
0xf3: {  	v8 =	vbroadcast v3, $0xF;
	_ =	sdelay $0x1  }
0xf4: {  	v5 =	vadd.f32 v5, v8;
	_ =	sdelay $0x1  }
0xf5: {  	v8 =	vbroadcast v5, $0xF  }
0xf6: {  	v12, _, _ =	vpop (xrf2)  }
0xf7: {  	v8 =	vadd.f32 v12, v8  }
0xf8: {  	[tilespmem:s9+$0x10000] =	vst v0  }
0xf9: {  	[tilespmem:s10+$0x10000] =	vst v10;
	v0 =	vbroadcast v8, $0xF  }
0xfa: {  	[tilespmem:s15+$0x10000] =	vst v3;
	v3, _, _ =	vpop (xrf2)  }
0xfb: {  	[tilespmem:s2+$0x10000] =	vst v5;
	v0 =	vadd.f32 v3, v0  }
0xfc: {  	[tilespmem:s21+$0x10000] =	vst v8;
	v3 =	vbroadcast v6, $0xF  }
0xfd: {  	v2 =	vbroadcast v2, $0xF;
	[tilespmem:s1+$0x10000] =	vst v0  }
0xfe: {  	v5 =	vbroadcast v9, $0xF;
	[tilespmem:$0x18000] =	vst v3  }
0xff: {  	v1 =	vbroadcast v1, $0xF;
	[tilespmem:$0x18080] =	vst v2  }
0x100: {  	v0 =	vbroadcast v0, $0xF;
	[tilespmem:$0x18100] =	vst v5  }
0x101: {  	v3 =	vbroadcast v4, $0xF;
	[tilespmem:$0x18300] =	vst v1  }
0x102: {  	v2 =	vbroadcast v11, $0xF;
	[tilespmem:$0x18380] =	vst v0  }
0x103: {  	s8 =	simm.s32 $0x0;
	v4 =	vbroadcast v7, $0xF;
	[tilespmem:$0x18180] =	vst v3  }
0x104: {  	s23 =	sand.u32 $0x1C00, s8;
	s22 =	sand.u32 $0x60, s8;
	[tilespmem:$0x18200] =	vst v2  }
0x105: {  	s24 =	sor.u32 s22, s23;
	[tilespmem:$0x18280] =	vst v4  }
0x106: {  	v0 =	vld [tilespmem:s24+$0x2280]  }
0x107: {  	v1 =	vld [tilespmem:s24+$0xA090]  }
0x108: {  	v2 =	vld [tilespmem:s24+$0x2000]  }
0x109: {  	v3 =	vld [tilespmem:s24+$0xA000]  }
0x10a: {  	v4 =	vld [tilespmem:s24+$0x2090]  }
0x10b: {  	v5 =	vld [tilespmem:s24+$0x2180]  }
0x10c: {  	v6 =	vld [tilespmem:s24+$0xA180]  }
0x10d: {  	v7 =	vld [tilespmem:s24+$0xA190]  }
0x10e: {  	v9 =	vld [tilespmem:s24+$0xA080]  }
0x10f: {  	v10 =	vld [tilespmem:s24+$0x2080]  }
0x110: {  	v8 =	vld [tilespmem:s24+$0x2190]  }
0x111: {  	v11 =	vld [tilespmem:s24+$0xA200]  }
0x112: {  	v12 =	vld [tilespmem:s24+$0x2200]  }
0x113: {  	v14 =	vld [tilespmem:s24+$0xA010]  }
0x114: {  	v9 =	vmul.f32 v9, v10;
	v10 =	vld [tilespmem:s24+$0x2010]  }
0x115: {  	v2 =	vmul.f32 v3, v2;
	v3 =	vld [tilespmem:s24+$0xA210]  }
0x116: {  	v1 =	vmul.f32 v1, v4;
	v4 =	vld [tilespmem:s24+$0x2210]  }
0x117: {  	v5 =	vmul.f32 v6, v5;
	v6 =	vmul.f32 v7, v8;
	v7 =	vld [tilespmem:s24+$0x2110];
	(xrf2) =	vadd.scan.msk.f32 $0xffff, v9  }
0x118: {  	(xrf2) =	vadd.scan.msk.f32 $0xffff, v2;
	v2 =	vld [tilespmem:s24+$0xA280]  }
0x119: {  	v9 =	vmul.f32 v11, v12;
	(xrf2) =	vadd.scan.msk.f32 $0xffff, v1;
	v1 =	vld [tilespmem:s24+$0xA110]  }
0x11a: {  	v13 =	vld [tilespmem:s24+$0x2100]  }
0x11b: {  	v8 =	vld [tilespmem:s24+$0xA100];
	(xrf2) =	vadd.scan.msk.f32 $0xffff, v9  }
0x11c: {  	v9 =	vmul.f32 v14, v10;
	v3 =	vmul.f32 v3, v4;
	v4 =	vld [tilespmem:s24+$0xA290];
	(xrf2) =	vadd.scan.msk.f32 $0xffff, v5  }
0x11d: {  	s15 =	simm.s32 $0x20;
	s2 =	simm.s32 $0x100;
	v5 =	vld [tilespmem:s24+$0x2290];
	(xrf2) =	vadd.scan.msk.f32 $0xffff, v6  }
0x11e: {  	s4 =	sand.u32 $0x1C00, s2;
	s1 =	sand.u32 $0x60, s15;
	(xrf2) =	vadd.scan.msk.f32 $0xffff, v9;
	v0 =	vmul.f32 v2, v0;
	v1 =	vmul.f32 v1, v7  }
0x11f: {  	s0 =	sor.u32 s1, s4;
	v2 =	vld [tilespmem:$0x18400];
	(xrf2) =	vadd.scan.msk.f32 $0xffff, v3  }
0x120: {  	v16 =	vld [tilespmem:s0+$0x2000];
	v6 =	vmul.f32 v8, v13;
	(xrf2) =	vadd.scan.msk.f32 $0xffff, v0  }
0x121: {  	v17 =	vld [tilespmem:s0+$0x2080];
	v7, _, _ =	vpop (xrf2);
	(xrf2) =	vadd.scan.msk.f32 $0xffff, v1  }
0x122: {  	v3 =	vld [tilespmem:$0x18600];
	v4 =	vmul.f32 v4, v5;
	v1, _, _ =	vpop (xrf2);
	(xrf2) =	vadd.scan.msk.f32 $0xffff, v6  }
0x123: {  	v0 =	vld [tilespmem:$0x18580]  }
0x124: {  	v6 =	vld [tilespmem:$0x18480];
	v5, _, _ =	vpop (xrf2);
	v1 =	vadd.f32 v1, v2  }
0x125: {  	v10 =	vld [tilespmem:$0x18680];
	v9, _, _ =	vpop (xrf2);
	(xrf2) =	vadd.scan.msk.f32 $0xffff, v4  }
0x126: {  	v8 =	vld [tilespmem:$0x18500];
	v4, _, _ =	vpop (xrf2);
	v14 =	vbroadcast v1, $0xF  }
0x127: {  	v3 =	vadd.f32 v9, v3;
	v9 =	vld [tilespmem:$0x18700];
	v11, _, _ =	vpop (xrf2)  }
0x128: {  	v4 =	vadd.f32 v4, v0;
	v0 =	vld [tilespmem:$0x18780];
	[tilespmem:s24+$0x12000] =	vst v1;
	v2, _, _ =	vpop (xrf2)  }
0x129: {  	v18 =	vld [tilespmem:s0+$0x2200];
	v12 =	vbroadcast v3, $0xF;
	[tilespmem:s24+$0x12200] =	vst v3;
	v1 =	vadd.f32 v7, v6;
	v15, _, _ =	vpop (xrf2)  }
0x12a: {  	v13 =	vld [tilespmem:s0+$0xA090];
	[tilespmem:s24+$0x12180] =	vst v4;
	v2 =	vadd.f32 v2, v14;
	v14, _, _ =	vpop (xrf2)  }
0x12b: {  	v3 =	vld [tilespmem:s0+$0xA000];
	v12 =	vadd.f32 v15, v12;
	[tilespmem:s24+$0x12080] =	vst v1;
	v10 =	vadd.f32 v14, v10;
	v7, _, _ =	vpop (xrf2)  }
0x12c: {  	s10 =	sand.u32 $0x3, s8;
	v6 =	vld [tilespmem:s0+$0x2090];
	v4 =	vbroadcast v4, $0xF;
	[tilespmem:s24+$0x12010] =	vst v2;
	v15, _, _ =	vpop (xrf2)  }
0x12d: {  	s1 =	sshll.u32 s10, $0x5;
	v1 =	vbroadcast v1, $0xF;
	v14 =	vld [tilespmem:s0+$0xA080];
	[tilespmem:s24+$0x12210] =	vst v12;
	v8 =	vadd.f32 v15, v8  }
0x12e: {  	s1 =	sadd.s32 $0x0, s1;
	v4 =	vadd.f32 v11, v4;
	v11 =	vld [tilespmem:s0+$0xA200];
	[tilespmem:s24+$0x12280] =	vst v10;
	v15 =	vbroadcast v10, $0xF  }
0x12f: {  	s13 =	sor.u32 $0x2300, s1;
	v5 =	vadd.f32 v5, v1;
	v10, _, _ =	vpop (xrf2);
	v19 =	vbroadcast v8, $0xF;
	[tilespmem:s24+$0x12100] =	vst v8;
	v8 =	vld [tilespmem:s0+$0x2180]  }
0x130: {  	[tilespmem:s24+$0x12190] =	vst v4;
	v15 =	vadd.f32 v10, v15;
	v1 =	vld [tilespmem:s13+$0x8000]  }
0x131: {  	[tilespmem:s24+$0x12090] =	vst v5;
	v20 =	vadd.f32 v7, v19;
	v7 =	vld [tilespmem:s13+$0x0]  }
0x132: {  	s18 =	sadd.s32 $0x10, s1;
	v10 =	vmul.f32 v14, v17;
	v14 =	vld [tilespmem:s0+$0xA180];
	[tilespmem:s24+$0x12290] =	vst v15  }
0x133: {  	s21 =	sor.u32 $0x2300, s18;
	v3 =	vmul.f32 v3, v16;
	[tilespmem:s24+$0x12110] =	vst v20  }
0x134: {  	v6 =	vmul.f32 v13, v6;
	(xrf2) =	vadd.scan.msk.f32 $0xffff, v10;
	v10 =	vld [tilespmem:s21+$0x0]  }
0x135: {  	v11 =	vmul.f32 v11, v18;
	(xrf2) =	vadd.scan.msk.f32 $0xffff, v3;
	v3 =	vld [tilespmem:s21+$0x8000]  }
0x136: {  	(xrf2) =	vadd.scan.msk.f32 $0xffff, v6;
	v1 =	vmul.f32 v1, v7  }
0x137: {  	(xrf2) =	vadd.scan.msk.f32 $0xffff, v11;
	v8 =	vmul.f32 v14, v8;
	v14 =	vld [tilespmem:s0+$0x2210]  }
0x138: {  	v7 =	vld [tilespmem:s0+$0xA190];
	(xrf2) =	vadd.scan.msk.f32 $0xffff, v1  }
0x139: {  	v1 =	vld [tilespmem:s0+$0x2190]  }
0x13a: {  	v3 =	vmul.f32 v3, v10;
	v10 =	vld [tilespmem:s0+$0xA010]  }
0x13b: {  	(xrf2) =	vadd.scan.msk.f32 $0xffff, v8;
	v8 =	vld [tilespmem:s0+$0x2010]  }
0x13c: {  	(xrf2) =	vadd.scan.msk.f32 $0xffff, v3;
	v3 =	vld [tilespmem:s0+$0xA210];
	_ =	sdelay $0x1  }
0x13d: {  	v21 =	vld [tilespmem:s0+$0xA110];
	v13, _, _ =	vpop (xrf2)  }
0x13e: {  	v22 =	vld [tilespmem:s0+$0x2110];
	v16, _, _ =	vpop (xrf2);
	v1 =	vmul.f32 v7, v1  }
0x13f: {  	v19 =	vld [tilespmem:s0+$0xA280];
	v18, _, _ =	vpop (xrf2);
	v8 =	vmul.f32 v10, v8  }
0x140: {  	v6 =	vld [tilespmem:s0+$0x2280];
	v7, _, _ =	vpop (xrf2);
	(xrf2) =	vadd.scan.msk.f32 $0xffff, v1;
	v3 =	vmul.f32 v3, v14  }
0x141: {  	v23 =	vld [tilespmem:s0+$0xA290];
	(xrf2) =	vadd.scan.msk.f32 $0xffff, v8;
	v10, _, _ =	vpop (xrf2)  }
0x142: {  	s14 =	simm.s32 $0x40;
	s31 =	simm.s32 $0x200;
	v24 =	vld [tilespmem:s0+$0x2290];
	(xrf2) =	vadd.scan.msk.f32 $0xffff, v3;
	v9 =	vadd.f32 v10, v9  }
0x143: {  	s22 =	sand.u32 $0x60, s14;
	s23 =	sand.u32 $0x1C00, s31;
	v17 =	vld [tilespmem:s0+$0xA100]  }
0x144: {  	s22 =	sor.u32 s22, s23;
	v5 =	vbroadcast v5, $0xF;
	v11 =	vld [tilespmem:s0+$0x2100];
	v8, _, _ =	vpop (xrf2);
	v3 =	vbroadcast v9, $0xF  }
0x145: {  	v25 =	vld [tilespmem:s22+$0xA090];
	v4 =	vbroadcast v4, $0xF;
	v6 =	vmul.f32 v19, v6;
	v10, _, _ =	vpop (xrf2)  }
0x146: {  	v27 =	vld [tilespmem:s22+$0x2000];
	v3 =	vadd.f32 v10, v3;
	v10 =	vadd.f32 v13, v5;
	v5 =	vbroadcast v12, $0xF  }
0x147: {  	v2 =	vbroadcast v2, $0xF;
	v1 =	vld [tilespmem:s22+$0x2280];
	v14 =	vmul.f32 v21, v22  }
0x148: {  	s24 =	sor.u32 s8, s8;
	v22 =	vld [tilespmem:s22+$0xA000];
	(xrf2) =	vadd.scan.msk.f32 $0xffff, v6;
	v12 =	vadd.f32 v8, v4  }
0x149: {  	s9 =	sor.u32 $0x2380, s24;
	(xrf2) =	vadd.scan.msk.f32 $0xffff, v14;
	v14 =	vadd.f32 v16, v2;
	v16 =	vmul.f32 v17, v11;
	v17 =	vld [tilespmem:s22+$0xA180];
	[tilespmem:s13+$0x10000] =	vst v9  }
0x14a: {  	v6 =	vld [tilespmem:s9+$0x0];
	v2 =	vbroadcast v12, $0xF;
	v19 =	vadd.f32 v7, v5;
	v5, _, _ =	vpop (xrf2)  }
0x14b: {  	s10 =	sor.u32 $0x2380, s18;
	v28 =	vld [tilespmem:s9+$0x8000];
	[tilespmem:s21+$0x10000] =	vst v3;
	v4 =	vbroadcast v10, $0xF;
	v13, _, _ =	vpop (xrf2)  }
0x14c: {  	v21 =	vld [tilespmem:s10+$0x0];
	v11 =	vadd.f32 v5, v2;
	v5 =	vbroadcast v3, $0xF;
	v3, _, _ =	vpop (xrf2);
	(xrf2) =	vadd.scan.msk.f32 $0xffff, v16  }
0x14d: {  	v23 =	vmul.f32 v23, v24;
	v26 =	vld [tilespmem:s10+$0x8000];
	v7 =	vadd.f32 v18, v4;
	v4 =	vbroadcast v14, $0xF  }
0x14e: {  	v18 =	vld [tilespmem:s22+$0x2090];
	v29 =	vbroadcast v19, $0xF  }
0x14f: {  	v9 =	vbroadcast v20, $0xF;
	v8 =	vbroadcast v15, $0xF;
	v15 =	vld [tilespmem:s22+$0x2180];
	v20 =	vadd.f32 v13, v4;
	(xrf2) =	vadd.scan.msk.f32 $0xffff, v23  }
0x150: {  	v28 =	vmul.f32 v28, v6;
	v2 =	vbroadcast v7, $0xF;
	v13 =	vld [tilespmem:s22+$0xA190];
	v24 =	vadd.f32 v3, v29  }
0x151: {  	v16 =	vld [tilespmem:s22+$0x2190];
	v4 =	vbroadcast v11, $0xF;
	v3 =	vbroadcast v20, $0xF  }
0x152: {  	s23 =	sor.u32 s2, s15;
	s24 =	simm.s32 $0x1;
	v23 =	vld [tilespmem:s22+$0xA080];
	v21 =	vmul.f32 v26, v21;
	v26, _, _ =	vpop (xrf2);
	(xrf2) =	vadd.scan.msk.f32 $0xffff, v28;
	v6 =	vbroadcast v24, $0xF  }
0x153: {  	s18 =	simm.s32 $0x4;
	s8 =	sor.u32 s31, s14;
	s15 =	sand.u32 $0x3, s24;
	[tilespmem:s0+$0x12180] =	vst v12;
	v12 =	vmul.f32 v25, v18;
	v18 =	vmul.f32 v22, v27;
	v25 =	vld [tilespmem:s22+$0x2080];
	v22, _, _ =	vpop (xrf2)  }
.LBB2_5:
0x154: {  	s18 =	sadd.s32 $0x2, s18;
	v15 =	vmul.f32 v17, v15;
	v17 =	vld [tilespmem:s22+$0xA200];
	[tilespmem:s0+$0x12200] =	vst v19;
	s24 =	sadd.s32 $0x1, s24  }
0x155: {  	p1 =	slt.u32 s18, $0x3E;
	s1 =	sand.u32 $0x3, s24;
	v19 =	vld [tilespmem:s22+$0x2200];
	[tilespmem:s0+$0x12000] =	vst v14;
	(xrf2) =	vadd.scan.msk.f32 $0xffff, v21  }
0x156: {  	v26 =	vadd.f32 v26, v8;
	v14 =	vld [tilespmem:s22+$0x2100];
	[tilespmem:s0+$0x12210] =	vst v24;
	v21, _, _ =	vpop (xrf2)  }
0x157: {  	v13 =	vmul.f32 v13, v16;
	[tilespmem:s0+$0x12010] =	vst v20  }
0x158: {  	v9 =	vadd.f32 v21, v9;
	v16 =	vmul.f32 v23, v25;
	v20 =	vld [tilespmem:s22+$0xA100];
	[tilespmem:s0+$0x12080] =	vst v10;
	v10 =	vbroadcast v26, $0xF  }
0x159: {  	s4 =	sshll.u32 s15, $0x5;
	s15 =	smov.u32 s1;
	[tilespmem:s0+$0x12280] =	vst v26;
	v8, _, _ =	vpop (xrf2)  }
0x15a: {  	s1 =	sadd.s32 s4, s2;
	s2 =	smov.u32 s31;
	(xrf2) =	vadd.scan.msk.f32 $0xffff, v16;
	v16 =	vbroadcast v9, $0xF;
	[tilespmem:s0+$0x12190] =	vst v11;
	v8 =	vadd.f32 v8, v10  }
0x15b: {  	s13 =	sor.u32 $0x2300, s1;
	s21 =	sadd.s32 $0x10, s1;
	[tilespmem:s0+$0x12100] =	vst v9  }
0x15c: {  	v10 =	vld [tilespmem:s13+$0x8000];
	v9 =	vadd.f32 v22, v16;
	[tilespmem:s0+$0x12290] =	vst v8;
	v8 =	vbroadcast v8, $0xF;
	v11, _, _ =	vpop (xrf2)  }
0x15d: {  	v16 =	vmul.f32 v17, v19;
	v17 =	vld [tilespmem:s22+$0xA010];
	(xrf2) =	vadd.scan.msk.f32 $0xffff, v18;
	[tilespmem:s0+$0x12090] =	vst v7;
	v0 =	vadd.f32 v11, v0  }
0x15e: {  	v18 =	vmul.f32 v20, v14;
	v7 =	vld [tilespmem:s22+$0x2010];
	[tilespmem:s0+$0x12110] =	vst v9;
	v9 =	vbroadcast v9, $0xF;
	s0 =	smov.u32 s22  }
0x15f: {  	s4 =	sor.u32 $0x2300, s21;
	v11 =	vld [tilespmem:s13+$0x0];
	[tilespmem:s9+$0x10000] =	vst v0;
	v0 =	vbroadcast v0, $0xF;
	v14, _, _ =	vpop (xrf2)  }
0x160: {  	(xrf2) =	vadd.scan.msk.f32 $0xffff, v12;
	v12 =	vld [tilespmem:s4+$0x0]  }
0x161: {  	v19 =	vld [tilespmem:s4+$0x8000];
	v0 =	vadd.f32 v14, v0;
	_ =	sdelay $0x1  }
0x162: {  	v14 =	vmul.f32 v17, v7;
	(xrf2) =	vadd.scan.msk.f32 $0xffff, v16;
	[tilespmem:s10+$0x10000] =	vst v0;
	v0 =	vbroadcast v0, $0xF  }
0x163: {  	v7, _, _ =	vpop (xrf2);
	v11 =	vmul.f32 v10, v11  }
0x164: {  	v10 =	vadd.f32 v7, v2  }
0x165: {  	v2 =	vld [tilespmem:s0+$0xA210];
	v12 =	vmul.f32 v19, v12;
	(xrf2) =	vadd.scan.msk.f32 $0xffff, v11  }
0x166: {  	v11 =	vld [tilespmem:s0+$0x2210];
	v16, _, _ =	vpop (xrf2);
	_ =	sdelay $0x1  }
0x167: {  	v7 =	vbroadcast v10, $0xF;
	(xrf2) =	vadd.scan.msk.f32 $0xffff, v15  }
0x168: {  	v15, _, _ =	vpop (xrf2)  }
0x169: {  	v7 =	vadd.f32 v15, v7  }
0x16a: {  	v11 =	vmul.f32 v2, v11;
	(xrf2) =	vadd.scan.msk.f32 $0xffff, v12  }
0x16b: {  	v2 =	vbroadcast v7, $0xF;
	v12, _, _ =	vpop (xrf2);
	_ =	sdelay $0x1  }
0x16c: {  	(xrf2) =	vadd.scan.msk.f32 $0xffff, v13  }
0x16d: {  	v13 =	vld [tilespmem:s0+$0xA280];
	v15, _, _ =	vpop (xrf2);
	_ =	sdelay $0x1  }
0x16e: {  	v17 =	vld [tilespmem:s0+$0xA110];
	(xrf2) =	vadd.scan.msk.f32 $0xffff, v14  }
0x16f: {  	s14 =	sadd.s32 $0x20, s14;
	s31 =	sadd.s32 $0x100, s31;
	v5 =	vadd.f32 v15, v5;
	v14 =	vld [tilespmem:s0+$0x2110];
	v19, _, _ =	vpop (xrf2)  }
0x170: {  	s1 =	sand.u32 $0x60, s14;
	s9 =	sand.u32 $0x1C00, s31;
	s10 =	sor.u32 s31, s14;
	v15 =	vld [tilespmem:s0+$0xA290]  }
0x171: {  	s22 =	sor.u32 s1, s9;
	v13 =	vmul.f32 v13, v1;
	v20 =	vld [tilespmem:s0+$0x2290];
	(xrf2) =	vadd.scan.msk.f32 $0xffff, v11;
	[tilespmem:s13+$0x10000] =	vst v5;
	v5 =	vbroadcast v5, $0xF  }
0x172: {  	v1 =	vld [tilespmem:s22+$0x2280];
	v11, _, _ =	vpop (xrf2)  }
0x173: {  	v4 =	vadd.f32 v19, v4;
	v22 =	vld [tilespmem:s22+$0xA090];
	v11 =	vadd.f32 v11, v5  }
0x174: {  	v25 =	vld [tilespmem:s22+$0x2000];
	v17 =	vmul.f32 v17, v14;
	(xrf2) =	vadd.scan.msk.f32 $0xffff, v13  }
0x175: {  	s9 =	sor.u32 $0x2380, s23;
	s23 =	smov.u32 s8;
	s8 =	smov.u32 s10;
	v27 =	vld [tilespmem:s22+$0xA000];
	[tilespmem:s0+$0x12180] =	vst v4;
	v4 =	vbroadcast v4, $0xF;
	v13, _, _ =	vpop (xrf2);
	v5 =	vbroadcast v11, $0xF  }
0x176: {  	s10 =	sor.u32 $0x2380, s21;
	v14 =	vadd.f32 v16, v3;
	v16 =	vmul.f32 v15, v20;
	v23 =	vld [tilespmem:s9+$0x0];
	[tilespmem:s4+$0x10000] =	vst v11  }
0x177: {  	v11 =	vadd.f32 v13, v4;
	(xrf2) =	vadd.scan.msk.f32 $0xffff, v17;
	v21 =	vld [tilespmem:s10+$0x0]  }
0x178: {  	v19 =	vadd.f32 v12, v6;
	v3 =	vbroadcast v14, $0xF;
	v6, _, _ =	vpop (xrf2);
	v12 =	vld [tilespmem:s10+$0x8000]  }
0x179: {  	v4 =	vbroadcast v11, $0xF;
	v28 =	vld [tilespmem:s9+$0x8000]  }
0x17a: {  	v13 =	vbroadcast v19, $0xF;
	v20 =	vadd.f32 v6, v3;
	v29 =	vld [tilespmem:s22+$0x2090];
	(xrf2) =	vadd.scan.msk.f32 $0xffff, v18  }
0x17b: {  	v15 =	vld [tilespmem:s22+$0x2180];
	v6, _, _ =	vpop (xrf2)  }
0x17c: {  	v3 =	vbroadcast v20, $0xF;
	v17 =	vld [tilespmem:s22+$0xA180];
	v24 =	vadd.f32 v6, v13  }
.Ltmp1:
0x17d: {  	v13 =	vld [tilespmem:s22+$0xA190];
	(xrf2) =	vadd.scan.msk.f32 $0xffff, v16;
	v21 =	vmul.f32 v12, v21;
	(pc) =	sbr.rel @p1 .LBB2_5-.Ltmp1, $3  }
0x17e: {  	v16 =	vld [tilespmem:s22+$0x2190];
	v6 =	vbroadcast v24, $0xF;
	v26, _, _ =	vpop (xrf2);
	v18 =	vmul.f32 v28, v23;
	_ =	sdelay $0x1  }
0x17f: {  	v12 =	vmul.f32 v22, v29;
	v23 =	vld [tilespmem:s22+$0xA080];
	(xrf2) =	vadd.scan.msk.f32 $0xffff, v18  }
0x180: {  	v18 =	vmul.f32 v27, v25;
	v25 =	vld [tilespmem:s22+$0x2080];
	v22, _, _ =	vpop (xrf2)  }
0x181: {  	[tilespmem:s0+$0x12200] =	vst v19  }
0x182: {  	[tilespmem:s0+$0x12000] =	vst v14  }
0x183: {  	v8 =	vadd.f32 v26, v8;
	[tilespmem:s0+$0x12210] =	vst v24  }
0x184: {  	[tilespmem:s0+$0x12010] =	vst v20;
	v14, _, _ =	vpop (xrf2)  }
0x185: {  	[tilespmem:s0+$0x12080] =	vst v10;
	s1 =	sshll.u32 s15, $0x5;
	v9 =	vadd.f32 v14, v9  }
0x186: {  	v19 =	vld [tilespmem:s22+$0x2200];
	s1 =	sadd.s32 s1, s2;
	v10 =	vbroadcast v8, $0xF;
	[tilespmem:s0+$0x12280] =	vst v8  }
0x187: {  	s4 =	sor.u32 $0x2300, s1;
	v14 =	vld [tilespmem:s22+$0xA200];
	v8, _, _ =	vpop (xrf2);
	v20 =	vbroadcast v9, $0xF;
	[tilespmem:s0+$0x12100] =	vst v9  }
0x188: {  	[tilespmem:s0+$0x12190] =	vst v11;
	v8 =	vadd.f32 v8, v10;
	v9 =	vld [tilespmem:s4+$0x8000]  }
0x189: {  	[tilespmem:s0+$0x12090] =	vst v7;
	v11 =	vld [tilespmem:s4+$0x0];
	v10 =	vadd.f32 v22, v20  }
0x18a: {  	s2 =	sadd.s32 $0x10, s1;
	v22 =	vmul.f32 v23, v25;
	[tilespmem:s0+$0x12290] =	vst v8  }
0x18b: {  	v7 =	vld [tilespmem:s22+$0xA010];
	(xrf2) =	vadd.scan.msk.f32 $0xffff, v21;
	s18 =	sor.u32 $0x2300, s2;
	[tilespmem:s0+$0x12110] =	vst v10  }
0x18c: {  	(xrf2) =	vadd.scan.msk.f32 $0xffff, v22;
	v21 =	vld [tilespmem:s18+$0x0]  }
0x18d: {  	v14 =	vmul.f32 v14, v19;
	(xrf2) =	vadd.scan.msk.f32 $0xffff, v18;
	v18 =	vld [tilespmem:s18+$0x8000]  }
0x18e: {  	v19 =	vld [tilespmem:s22+$0x2010];
	(xrf2) =	vadd.scan.msk.f32 $0xffff, v12;
	v9 =	vmul.f32 v9, v11  }
0x18f: {  	v11 =	vld [tilespmem:s22+$0xA210];
	(xrf2) =	vadd.scan.msk.f32 $0xffff, v14  }
0x190: {  	(xrf2) =	vadd.scan.msk.f32 $0xffff, v9;
	v9 =	vld [tilespmem:s22+$0x2210]  }
0x191: {  	v13 =	vmul.f32 v13, v16;
	v16 =	vld [tilespmem:s22+$0xA100]  }
0x192: {  	v12 =	vmul.f32 v17, v15;
	v14 =	vld [tilespmem:s22+$0xA280];
	v15 =	vmul.f32 v18, v21  }
0x193: {  	v17 =	vld [tilespmem:s22+$0xA110]  }
0x194: {  	(xrf2) =	vadd.scan.msk.f32 $0xffff, v12;
	v12 =	vld [tilespmem:s22+$0x2110]  }
0x195: {  	v20 =	vld [tilespmem:s22+$0x2100];
	v7 =	vmul.f32 v7, v19;
	v18, _, _ =	vpop (xrf2);
	(xrf2) =	vadd.scan.msk.f32 $0xffff, v15;
	v9 =	vmul.f32 v11, v9  }
0x196: {  	(xrf2) =	vadd.scan.msk.f32 $0xffff, v13;
	v11 =	vld [tilespmem:s22+$0xA290];
	v15, _, _ =	vpop (xrf2)  }
0x197: {  	v1 =	vmul.f32 v14, v1;
	(xrf2) =	vadd.scan.msk.f32 $0xffff, v7;
	v7 =	vld [tilespmem:s22+$0x2290];
	v13, _, _ =	vpop (xrf2)  }
0x198: {  	v19, _, _ =	vpop (xrf2)  }
0x199: {  	v12 =	vmul.f32 v17, v12;
	(xrf2) =	vadd.scan.msk.f32 $0xffff, v9;
	v9, _, _ =	vpop (xrf2)  }
0x19a: {  	v14 =	vmul.f32 v16, v20;
	(xrf2) =	vadd.scan.msk.f32 $0xffff, v1;
	v16, _, _ =	vpop (xrf2)  }
0x19b: {  	(xrf2) =	vadd.scan.msk.f32 $0xffff, v12;
	v1, _, _ =	vpop (xrf2)  }
0x19c: {  	(xrf2) =	vadd.scan.msk.f32 $0xffff, v14;
	v1 =	vadd.f32 v1, v5;
	v5 =	vmul.f32 v11, v7;
	_ =	sdelay $0x1  }
0x19d: {  	v2 =	vadd.f32 v13, v2  }
0x19e: {  	v7, _, _ =	vpop (xrf2);
	v11 =	vbroadcast v1, $0xF;
	(xrf2) =	vadd.scan.msk.f32 $0xffff, v5  }
0x19f: {  	v3 =	vadd.f32 v19, v3;
	[tilespmem:s22+$0x12080] =	vst v2;
	v5, _, _ =	vpop (xrf2)  }
0x1a0: {  	v4 =	vadd.f32 v7, v4;
	[tilespmem:s4+$0x10000] =	vst v1;
	v1 =	vadd.f32 v5, v11;
	v5, _, _ =	vpop (xrf2)  }
0x1a1: {  	v2 =	vbroadcast v2, $0xF;
	v6 =	vadd.f32 v16, v6;
	v12 =	vbroadcast v3, $0xF;
	[tilespmem:s22+$0x12000] =	vst v3;
	v7, _, _ =	vpop (xrf2)  }
0x1a2: {  	v8 =	vbroadcast v8, $0xF;
	[tilespmem:s22+$0x12180] =	vst v4;
	v4 =	vbroadcast v4, $0xF;
	v14, _, _ =	vpop (xrf2)  }
0x1a3: {  	v2 =	vadd.f32 v9, v2;
	[tilespmem:s22+$0x12200] =	vst v6;
	v11 =	vbroadcast v6, $0xF;
	v6 =	vadd.f32 v7, v12;
	v7, _, _ =	vpop (xrf2)  }
0x1a4: {  	s21 =	sadd.s32 $0x1, s24;
	s2 =	sor.u32 $0x2380, s2;
	v3 =	vbroadcast v10, $0xF;
	v4 =	vadd.f32 v5, v4;
	[tilespmem:s18+$0x10000] =	vst v1;
	v10, _, _ =	vpop (xrf2);
	v7 =	vadd.f32 v7, v8  }
0x1a5: {  	s1 =	sand.u32 $0x3, s21;
	[tilespmem:s22+$0x12090] =	vst v2;
	v13 =	vld [tilespmem:s2+$0x0];
	v12, _, _ =	vpop (xrf2)  }
0x1a6: {  	s23 =	sor.u32 $0x2380, s23;
	s1 =	sshll.u32 s1, $0x5;
	v5 =	vld [tilespmem:s2+$0x8000];
	[tilespmem:s22+$0x12190] =	vst v4;
	v3 =	vadd.f32 v12, v3  }
0x1a7: {  	s1 =	sadd.s32 s1, s31;
	v11 =	vadd.f32 v14, v11;
	v14 =	vld [tilespmem:s23+$0x8000];
	v12 =	vbroadcast v7, $0xF;
	[tilespmem:s22+$0x12280] =	vst v7  }
0x1a8: {  	s24 =	sor.u32 $0x2300, s1;
	v8 =	vld [tilespmem:s23+$0x0];
	v7, _, _ =	vpop (xrf2);
	v16 =	vbroadcast v3, $0xF;
	[tilespmem:s22+$0x12100] =	vst v3  }
0x1a9: {  	[tilespmem:s22+$0x12010] =	vst v6;
	v7 =	vadd.f32 v7, v12;
	v3 =	vld [tilespmem:s24+$0x8000]  }
0x1aa: {  	[tilespmem:s22+$0x12210] =	vst v11;
	v9 =	vadd.f32 v10, v16;
	v10 =	vld [tilespmem:s24+$0x0]  }
0x1ab: {  	s1 =	sadd.s32 $0x10, s1;
	[tilespmem:s22+$0x12290] =	vst v7  }
0x1ac: {  	s13 =	sor.u32 $0x2300, s1;
	[tilespmem:s22+$0x12110] =	vst v9  }
0x1ad: {  	v8 =	vmul.f32 v14, v8;
	v12 =	vld [tilespmem:s13+$0x0]  }
0x1ae: {  	v5 =	vmul.f32 v5, v13;
	v13 =	vld [tilespmem:s13+$0x8000]  }
0x1af: {  	(xrf2) =	vadd.scan.msk.f32 $0xffff, v8;
	v3 =	vmul.f32 v3, v10  }
0x1b0: {  	(xrf2) =	vadd.scan.msk.f32 $0xffff, v5  }
0x1b1: {  	(xrf2) =	vadd.scan.msk.f32 $0xffff, v3;
	_ =	sdelay $0x1  }
0x1b2: {  	v3 =	vmul.f32 v13, v12;
	_ =	sdelay $0x1  }
0x1b3: {  	(xrf2) =	vadd.scan.msk.f32 $0xffff, v3;
	_ =	sdelay $0x3  }
0x1b4: {  	v3, _, _ =	vpop (xrf2)  }
0x1b5: {  	v1 =	vbroadcast v1, $0xF;
	v5, _, _ =	vpop (xrf2)  }
0x1b6: {  	v8, _, _ =	vpop (xrf2)  }
0x1b7: {  	v1 =	vadd.f32 v8, v1;
	_ =	sdelay $0x1  }
0x1b8: {  	s31 =	sor.u32 $0x2380, s8;
	[tilespmem:s24+$0x10000] =	vst v1;
	v1 =	vbroadcast v1, $0xF  }
0x1b9: {  	v8, _, _ =	vpop (xrf2);
	v10 =	vld [tilespmem:s31+$0x0]  }
0x1ba: {  	v1 =	vadd.f32 v8, v1;
	v8 =	vld [tilespmem:s31+$0x8000];
	_ =	sdelay $0x1  }
0x1bb: {  	s1 =	sor.u32 $0x2380, s1;
	v0 =	vadd.f32 v18, v0;
	[tilespmem:s13+$0x10000] =	vst v1  }
0x1bc: {  	v12 =	vld [tilespmem:s1+$0x0]  }
0x1bd: {  	v13 =	vbroadcast v0, $0xF;
	v14 =	vld [tilespmem:s1+$0x8000]  }
0x1be: {  	v8 =	vmul.f32 v8, v10  }
0x1bf: {  	v10 =	vadd.f32 v15, v13  }
0x1c0: {  	(xrf2) =	vadd.scan.msk.f32 $0xffff, v8  }
0x1c1: {  	v8 =	vbroadcast v10, $0xF  }
0x1c2: {  	v12 =	vmul.f32 v14, v12  }
0x1c3: {  	v3 =	vadd.f32 v3, v8  }
0x1c4: {  	(xrf2) =	vadd.scan.msk.f32 $0xffff, v12  }
0x1c5: {  	v8 =	vbroadcast v3, $0xF;
	_ =	sdelay $0x1  }
0x1c6: {  	v5 =	vadd.f32 v5, v8;
	_ =	sdelay $0x1  }
0x1c7: {  	v8 =	vbroadcast v5, $0xF  }
0x1c8: {  	v12, _, _ =	vpop (xrf2)  }
0x1c9: {  	v8 =	vadd.f32 v12, v8  }
0x1ca: {  	[tilespmem:s9+$0x10000] =	vst v0  }
0x1cb: {  	[tilespmem:s10+$0x10000] =	vst v10;
	v0 =	vbroadcast v8, $0xF  }
0x1cc: {  	[tilespmem:s23+$0x10000] =	vst v3;
	v3, _, _ =	vpop (xrf2)  }
0x1cd: {  	[tilespmem:s2+$0x10000] =	vst v5;
	v0 =	vadd.f32 v3, v0  }
0x1ce: {  	[tilespmem:s31+$0x10000] =	vst v8;
	v3 =	vbroadcast v6, $0xF  }
0x1cf: {  	v2 =	vbroadcast v2, $0xF;
	[tilespmem:s1+$0x10000] =	vst v0  }
0x1d0: {  	v5 =	vbroadcast v9, $0xF;
	[tilespmem:$0x18400] =	vst v3  }
0x1d1: {  	v1 =	vbroadcast v1, $0xF;
	[tilespmem:$0x18480] =	vst v2  }
0x1d2: {  	v0 =	vbroadcast v0, $0xF;
	[tilespmem:$0x18500] =	vst v5  }
0x1d3: {  	v3 =	vbroadcast v4, $0xF;
	[tilespmem:$0x18700] =	vst v1  }
0x1d4: {  	v2 =	vbroadcast v11, $0xF;
	[tilespmem:$0x18780] =	vst v0  }
0x1d5: {  	s4 =	sshll.u32 s30, $0xA;
	v4 =	vbroadcast v7, $0xF;
	[tilespmem:$0x18580] =	vst v3  }
0x1d6: {  	s0 =	sadd.s32 s5, s4;
	[tilespmem:$0x18600] =	vst v2  }
0x1d7: {  	s8 =	simm.s32 $0x10000;
	s9 =	smin.u32 s29, $0x3D;
	s0 =	sadd.s32 s28, s0;
	[tilespmem:$0x18680] =	vst v4  }
0x1d8: {  	[hbm4b:s0+s11] =	stream.strided.scatter [tilespmem:s8], [sflag:$0x5], $0x4000, s12, s11, $0x38;
	[tilespmem:$0x18800] =	vst v63  }
0x1d9: {  	s0 =	sadd.s32 $0x2, s9  }
0x1da: {  	s10 =	sshll.u32 s0, $0xB  }
0x1db: {  	s0 =	sshll.u32 s0, $0xA;
	s1 =	sand.u32 $0x30000, s10  }
0x1dc: {  	s0 =	sand.u32 $0x7C00, s0;
	s1 =	sadd.s32 s7, s1  }
0x1dd: {  	s0 =	sor.u32 s0, s1  }
0x1de: {  	s13 =	simm.s32 $0x0;
	s1 =	sadd.s32 s3, s0  }
0x1df: {  	[tilespmem:s13], [sflag:$0x1] =	stream.strided.gather [hbm4b:s1+s11], $0x4000, s12, s11, $0x38;
	[tilespmem:$0x18800] =	vst v63  }
0x1e0: {  	s14 =	simm.s32 $0x8000;
	s0 =	sadd.s32 s6, s0  }
0x1e1: {  	[tilespmem:s14], [sflag:$0x3] =	stream.strided.gather [hbm4b:s0+s11], $0x4000, s12, s11, $0x38;
	[tilespmem:$0x18800] =	vst v63  }
0x1e2: {  	_ =	swait.ge [sflag:s19], $0x4000  }
0x1e3: {  	[sflag:s19] =	ssyncset.done $0x0  }
0x1e4: {  	[sflag:s19] =	ssyncadd.s32 $0xFFFFC000  }
0x1e5: {  	_ =	swait.ge [sflag:s20], $0x4000  }
0x1e6: {  	[sflag:s20] =	ssyncset.done $0x0  }
0x1e7: {  	s0 =	simm.s32 @!p0 $0x6;
	[sflag:s20] =	ssyncadd.s32 $0xFFFFC000  }
0x1e8: {  	s15 =	simm.s32 $0x0;
	_ =	swait.ge @!p0 [sflag:s0], $0x4000  }
0x1e9: {  	s24 =	sand.u32 $0x1C00, s15;
	s23 =	sand.u32 $0x60, s15;
	[sflag:s0] =	ssyncset.done @!p0 $0x0  }
0x1ea: {  	s31 =	sor.u32 s23, s24;
	[sflag:s0] =	ssyncadd.s32 @!p0 $0xFFFFC000  }
0x1eb: {  	v0 =	vld [tilespmem:s31+$0x4280]  }
0x1ec: {  	v1 =	vld [tilespmem:s31+$0xC090]  }
0x1ed: {  	v2 =	vld [tilespmem:s31+$0x4000]  }
0x1ee: {  	v3 =	vld [tilespmem:s31+$0xC000]  }
0x1ef: {  	v4 =	vld [tilespmem:s31+$0x4090]  }
0x1f0: {  	v5 =	vld [tilespmem:s31+$0x4180]  }
0x1f1: {  	v6 =	vld [tilespmem:s31+$0xC180]  }
0x1f2: {  	v7 =	vld [tilespmem:s31+$0xC190]  }
0x1f3: {  	v9 =	vld [tilespmem:s31+$0xC080]  }
0x1f4: {  	v10 =	vld [tilespmem:s31+$0x4080]  }
0x1f5: {  	v8 =	vld [tilespmem:s31+$0x4190]  }
0x1f6: {  	v11 =	vld [tilespmem:s31+$0xC200]  }
0x1f7: {  	v12 =	vld [tilespmem:s31+$0x4200]  }
0x1f8: {  	v14 =	vld [tilespmem:s31+$0xC010]  }
0x1f9: {  	v9 =	vmul.f32 v9, v10;
	v10 =	vld [tilespmem:s31+$0x4010]  }
0x1fa: {  	v2 =	vmul.f32 v3, v2;
	v3 =	vld [tilespmem:s31+$0xC210]  }
0x1fb: {  	v1 =	vmul.f32 v1, v4;
	v4 =	vld [tilespmem:s31+$0x4210]  }
0x1fc: {  	v5 =	vmul.f32 v6, v5;
	v6 =	vmul.f32 v7, v8;
	v7 =	vld [tilespmem:s31+$0x4110];
	(xrf2) =	vadd.scan.msk.f32 $0xffff, v9  }
0x1fd: {  	(xrf2) =	vadd.scan.msk.f32 $0xffff, v2;
	v2 =	vld [tilespmem:s31+$0xC280]  }
0x1fe: {  	v9 =	vmul.f32 v11, v12;
	(xrf2) =	vadd.scan.msk.f32 $0xffff, v1;
	v1 =	vld [tilespmem:s31+$0xC110]  }
0x1ff: {  	v13 =	vld [tilespmem:s31+$0x4100]  }
0x200: {  	v8 =	vld [tilespmem:s31+$0xC100];
	(xrf2) =	vadd.scan.msk.f32 $0xffff, v9  }
0x201: {  	v9 =	vmul.f32 v14, v10;
	v3 =	vmul.f32 v3, v4;
	v4 =	vld [tilespmem:s31+$0xC290];
	(xrf2) =	vadd.scan.msk.f32 $0xffff, v5  }
0x202: {  	s29 =	smov.u32 s3;
	s2 =	simm.s32 $0x100;
	s3 =	simm.s32 $0x20;
	v5 =	vld [tilespmem:s31+$0x4290];
	(xrf2) =	vadd.scan.msk.f32 $0xffff, v6  }
0x203: {  	s30 =	smov.u32 s5;
	s5 =	sand.u32 $0x1C00, s2;
	s4 =	sand.u32 $0x60, s3;
	(xrf2) =	vadd.scan.msk.f32 $0xffff, v9;
	v0 =	vmul.f32 v2, v0;
	v1 =	vmul.f32 v1, v7  }
0x204: {  	s0 =	sor.u32 s4, s5;
	v2 =	vld [tilespmem:$0x18000];
	(xrf2) =	vadd.scan.msk.f32 $0xffff, v3  }
0x205: {  	v16 =	vld [tilespmem:s0+$0x4000];
	v6 =	vmul.f32 v8, v13;
	(xrf2) =	vadd.scan.msk.f32 $0xffff, v0  }
0x206: {  	v17 =	vld [tilespmem:s0+$0x4080];
	v7, _, _ =	vpop (xrf2);
	(xrf2) =	vadd.scan.msk.f32 $0xffff, v1  }
0x207: {  	v3 =	vld [tilespmem:$0x18200];
	v4 =	vmul.f32 v4, v5;
	v1, _, _ =	vpop (xrf2);
	(xrf2) =	vadd.scan.msk.f32 $0xffff, v6  }
0x208: {  	v0 =	vld [tilespmem:$0x18180]  }
0x209: {  	v6 =	vld [tilespmem:$0x18080];
	v5, _, _ =	vpop (xrf2);
	v1 =	vadd.f32 v1, v2  }
0x20a: {  	v10 =	vld [tilespmem:$0x18280];
	v9, _, _ =	vpop (xrf2);
	(xrf2) =	vadd.scan.msk.f32 $0xffff, v4  }
0x20b: {  	v8 =	vld [tilespmem:$0x18100];
	v4, _, _ =	vpop (xrf2);
	v14 =	vbroadcast v1, $0xF  }
0x20c: {  	v3 =	vadd.f32 v9, v3;
	v9 =	vld [tilespmem:$0x18300];
	v11, _, _ =	vpop (xrf2)  }
0x20d: {  	v4 =	vadd.f32 v4, v0;
	v0 =	vld [tilespmem:$0x18380];
	[tilespmem:s31+$0x14000] =	vst v1;
	v2, _, _ =	vpop (xrf2)  }
0x20e: {  	v18 =	vld [tilespmem:s0+$0x4200];
	v12 =	vbroadcast v3, $0xF;
	[tilespmem:s31+$0x14200] =	vst v3;
	v1 =	vadd.f32 v7, v6;
	v15, _, _ =	vpop (xrf2)  }
0x20f: {  	v13 =	vld [tilespmem:s0+$0xC090];
	[tilespmem:s31+$0x14180] =	vst v4;
	v2 =	vadd.f32 v2, v14;
	v14, _, _ =	vpop (xrf2)  }
0x210: {  	v3 =	vld [tilespmem:s0+$0xC000];
	v12 =	vadd.f32 v15, v12;
	[tilespmem:s31+$0x14080] =	vst v1;
	v10 =	vadd.f32 v14, v10;
	v7, _, _ =	vpop (xrf2)  }
0x211: {  	s10 =	sand.u32 $0x3, s15;
	v6 =	vld [tilespmem:s0+$0x4090];
	v4 =	vbroadcast v4, $0xF;
	[tilespmem:s31+$0x14010] =	vst v2;
	v15, _, _ =	vpop (xrf2)  }
0x212: {  	s1 =	sshll.u32 s10, $0x5;
	v1 =	vbroadcast v1, $0xF;
	v14 =	vld [tilespmem:s0+$0xC080];
	[tilespmem:s31+$0x14210] =	vst v12;
	v8 =	vadd.f32 v15, v8  }
0x213: {  	s1 =	sadd.s32 $0x0, s1;
	v4 =	vadd.f32 v11, v4;
	v11 =	vld [tilespmem:s0+$0xC200];
	[tilespmem:s31+$0x14280] =	vst v10;
	v15 =	vbroadcast v10, $0xF  }
0x214: {  	s13 =	sor.u32 $0x300, s1;
	v5 =	vadd.f32 v5, v1;
	v10, _, _ =	vpop (xrf2);
	v19 =	vbroadcast v8, $0xF;
	[tilespmem:s31+$0x14100] =	vst v8;
	v8 =	vld [tilespmem:s0+$0x4180]  }
0x215: {  	[tilespmem:s31+$0x14190] =	vst v4;
	v15 =	vadd.f32 v10, v15;
	v1 =	vld [tilespmem:s13+$0xC000]  }
0x216: {  	[tilespmem:s31+$0x14090] =	vst v5;
	v20 =	vadd.f32 v7, v19;
	v7 =	vld [tilespmem:s13+$0x4000]  }
0x217: {  	s18 =	sadd.s32 $0x10, s1;
	v10 =	vmul.f32 v14, v17;
	v14 =	vld [tilespmem:s0+$0xC180];
	[tilespmem:s31+$0x14290] =	vst v15  }
0x218: {  	s21 =	sor.u32 $0x300, s18;
	v3 =	vmul.f32 v3, v16;
	[tilespmem:s31+$0x14110] =	vst v20  }
0x219: {  	v6 =	vmul.f32 v13, v6;
	(xrf2) =	vadd.scan.msk.f32 $0xffff, v10;
	v10 =	vld [tilespmem:s21+$0x4000]  }
0x21a: {  	v11 =	vmul.f32 v11, v18;
	(xrf2) =	vadd.scan.msk.f32 $0xffff, v3;
	v3 =	vld [tilespmem:s21+$0xC000]  }
0x21b: {  	(xrf2) =	vadd.scan.msk.f32 $0xffff, v6;
	v1 =	vmul.f32 v1, v7  }
0x21c: {  	(xrf2) =	vadd.scan.msk.f32 $0xffff, v11;
	v8 =	vmul.f32 v14, v8;
	v14 =	vld [tilespmem:s0+$0x4210]  }
0x21d: {  	v7 =	vld [tilespmem:s0+$0xC190];
	(xrf2) =	vadd.scan.msk.f32 $0xffff, v1  }
0x21e: {  	v1 =	vld [tilespmem:s0+$0x4190]  }
0x21f: {  	v3 =	vmul.f32 v3, v10;
	v10 =	vld [tilespmem:s0+$0xC010]  }
0x220: {  	(xrf2) =	vadd.scan.msk.f32 $0xffff, v8;
	v8 =	vld [tilespmem:s0+$0x4010]  }
0x221: {  	(xrf2) =	vadd.scan.msk.f32 $0xffff, v3;
	v3 =	vld [tilespmem:s0+$0xC210];
	_ =	sdelay $0x1  }
0x222: {  	v21 =	vld [tilespmem:s0+$0xC110];
	v13, _, _ =	vpop (xrf2)  }
0x223: {  	v22 =	vld [tilespmem:s0+$0x4110];
	v16, _, _ =	vpop (xrf2);
	v1 =	vmul.f32 v7, v1  }
0x224: {  	v19 =	vld [tilespmem:s0+$0xC280];
	v18, _, _ =	vpop (xrf2);
	v8 =	vmul.f32 v10, v8  }
0x225: {  	v6 =	vld [tilespmem:s0+$0x4280];
	v7, _, _ =	vpop (xrf2);
	(xrf2) =	vadd.scan.msk.f32 $0xffff, v1;
	v3 =	vmul.f32 v3, v14  }
0x226: {  	v23 =	vld [tilespmem:s0+$0xC290];
	(xrf2) =	vadd.scan.msk.f32 $0xffff, v8;
	v10, _, _ =	vpop (xrf2)  }
0x227: {  	s28 =	simm.s32 $0x200;
	s14 =	simm.s32 $0x40;
	v24 =	vld [tilespmem:s0+$0x4290];
	(xrf2) =	vadd.scan.msk.f32 $0xffff, v3;
	v9 =	vadd.f32 v10, v9  }
0x228: {  	s24 =	sand.u32 $0x1C00, s28;
	s23 =	sand.u32 $0x60, s14;
	v17 =	vld [tilespmem:s0+$0xC100]  }
0x229: {  	s22 =	sor.u32 s23, s24;
	v5 =	vbroadcast v5, $0xF;
	v11 =	vld [tilespmem:s0+$0x4100];
	v8, _, _ =	vpop (xrf2);
	v3 =	vbroadcast v9, $0xF  }
0x22a: {  	v25 =	vld [tilespmem:s22+$0xC090];
	v4 =	vbroadcast v4, $0xF;
	v6 =	vmul.f32 v19, v6;
	v10, _, _ =	vpop (xrf2)  }
0x22b: {  	v27 =	vld [tilespmem:s22+$0x4000];
	v3 =	vadd.f32 v10, v3;
	v10 =	vadd.f32 v13, v5;
	v5 =	vbroadcast v12, $0xF  }
0x22c: {  	v2 =	vbroadcast v2, $0xF;
	v1 =	vld [tilespmem:s22+$0x4280];
	v14 =	vmul.f32 v21, v22  }
0x22d: {  	s31 =	sor.u32 s15, s15;
	v22 =	vld [tilespmem:s22+$0xC000];
	(xrf2) =	vadd.scan.msk.f32 $0xffff, v6;
	v12 =	vadd.f32 v8, v4  }
0x22e: {  	s9 =	sor.u32 $0x380, s31;
	(xrf2) =	vadd.scan.msk.f32 $0xffff, v14;
	v14 =	vadd.f32 v16, v2;
	v16 =	vmul.f32 v17, v11;
	v17 =	vld [tilespmem:s22+$0xC180];
	[tilespmem:s13+$0x14000] =	vst v9  }
0x22f: {  	v6 =	vld [tilespmem:s9+$0x4000];
	v2 =	vbroadcast v12, $0xF;
	v19 =	vadd.f32 v7, v5;
	v5, _, _ =	vpop (xrf2)  }
0x230: {  	s10 =	sor.u32 $0x380, s18;
	v28 =	vld [tilespmem:s9+$0xC000];
	[tilespmem:s21+$0x14000] =	vst v3;
	v4 =	vbroadcast v10, $0xF;
	v13, _, _ =	vpop (xrf2)  }
0x231: {  	v21 =	vld [tilespmem:s10+$0x4000];
	v11 =	vadd.f32 v5, v2;
	v5 =	vbroadcast v3, $0xF;
	v3, _, _ =	vpop (xrf2);
	(xrf2) =	vadd.scan.msk.f32 $0xffff, v16  }
0x232: {  	v23 =	vmul.f32 v23, v24;
	v26 =	vld [tilespmem:s10+$0xC000];
	v7 =	vadd.f32 v18, v4;
	v4 =	vbroadcast v14, $0xF  }
0x233: {  	v18 =	vld [tilespmem:s22+$0x4090];
	v29 =	vbroadcast v19, $0xF  }
0x234: {  	v9 =	vbroadcast v20, $0xF;
	v8 =	vbroadcast v15, $0xF;
	v15 =	vld [tilespmem:s22+$0x4180];
	v20 =	vadd.f32 v13, v4;
	(xrf2) =	vadd.scan.msk.f32 $0xffff, v23  }
0x235: {  	v28 =	vmul.f32 v28, v6;
	v2 =	vbroadcast v7, $0xF;
	v13 =	vld [tilespmem:s22+$0xC190];
	v24 =	vadd.f32 v3, v29  }
0x236: {  	v16 =	vld [tilespmem:s22+$0x4190];
	v4 =	vbroadcast v11, $0xF;
	v3 =	vbroadcast v20, $0xF  }
0x237: {  	s18 =	simm.s32 $0x4;
	s24 =	simm.s32 $0x1;
	v23 =	vld [tilespmem:s22+$0xC080];
	v21 =	vmul.f32 v26, v21;
	v26, _, _ =	vpop (xrf2);
	(xrf2) =	vadd.scan.msk.f32 $0xffff, v28;
	v6 =	vbroadcast v24, $0xF  }
0x238: {  	s8 =	sor.u32 s28, s14;
	s23 =	sor.u32 s2, s3;
	s15 =	sand.u32 $0x3, s24;
	[tilespmem:s0+$0x14180] =	vst v12;
	v12 =	vmul.f32 v25, v18;
	v18 =	vmul.f32 v22, v27;
	v25 =	vld [tilespmem:s22+$0x4080];
	v22, _, _ =	vpop (xrf2)  }
.LBB2_7:
0x239: {  	s18 =	sadd.s32 $0x2, s18;
	v15 =	vmul.f32 v17, v15;
	v17 =	vld [tilespmem:s22+$0xC200];
	[tilespmem:s0+$0x14200] =	vst v19;
	s24 =	sadd.s32 $0x1, s24  }
0x23a: {  	p0 =	slt.u32 s18, $0x3E;
	s1 =	sand.u32 $0x3, s24;
	v19 =	vld [tilespmem:s22+$0x4200];
	[tilespmem:s0+$0x14000] =	vst v14;
	(xrf2) =	vadd.scan.msk.f32 $0xffff, v21  }
0x23b: {  	v26 =	vadd.f32 v26, v8;
	v14 =	vld [tilespmem:s22+$0x4100];
	[tilespmem:s0+$0x14210] =	vst v24;
	v21, _, _ =	vpop (xrf2)  }
0x23c: {  	v13 =	vmul.f32 v13, v16;
	[tilespmem:s0+$0x14010] =	vst v20  }
0x23d: {  	v9 =	vadd.f32 v21, v9;
	v16 =	vmul.f32 v23, v25;
	v20 =	vld [tilespmem:s22+$0xC100];
	[tilespmem:s0+$0x14080] =	vst v10;
	v10 =	vbroadcast v26, $0xF  }
0x23e: {  	s4 =	sshll.u32 s15, $0x5;
	s15 =	smov.u32 s1;
	[tilespmem:s0+$0x14280] =	vst v26;
	v8, _, _ =	vpop (xrf2)  }
0x23f: {  	s1 =	sadd.s32 s4, s2;
	s2 =	smov.u32 s28;
	(xrf2) =	vadd.scan.msk.f32 $0xffff, v16;
	v16 =	vbroadcast v9, $0xF;
	[tilespmem:s0+$0x14190] =	vst v11;
	v8 =	vadd.f32 v8, v10  }
0x240: {  	s13 =	sor.u32 $0x300, s1;
	s21 =	sadd.s32 $0x10, s1;
	[tilespmem:s0+$0x14100] =	vst v9  }
0x241: {  	v10 =	vld [tilespmem:s13+$0xC000];
	v9 =	vadd.f32 v22, v16;
	[tilespmem:s0+$0x14290] =	vst v8;
	v8 =	vbroadcast v8, $0xF;
	v11, _, _ =	vpop (xrf2)  }
0x242: {  	v16 =	vmul.f32 v17, v19;
	v17 =	vld [tilespmem:s22+$0xC010];
	(xrf2) =	vadd.scan.msk.f32 $0xffff, v18;
	[tilespmem:s0+$0x14090] =	vst v7;
	v0 =	vadd.f32 v11, v0  }
0x243: {  	v18 =	vmul.f32 v20, v14;
	v7 =	vld [tilespmem:s22+$0x4010];
	[tilespmem:s0+$0x14110] =	vst v9;
	v9 =	vbroadcast v9, $0xF;
	s0 =	smov.u32 s22  }
0x244: {  	s4 =	sor.u32 $0x300, s21;
	v11 =	vld [tilespmem:s13+$0x4000];
	[tilespmem:s9+$0x14000] =	vst v0;
	v0 =	vbroadcast v0, $0xF;
	v14, _, _ =	vpop (xrf2)  }
0x245: {  	(xrf2) =	vadd.scan.msk.f32 $0xffff, v12;
	v12 =	vld [tilespmem:s4+$0x4000]  }
0x246: {  	v19 =	vld [tilespmem:s4+$0xC000];
	v0 =	vadd.f32 v14, v0;
	_ =	sdelay $0x1  }
0x247: {  	v14 =	vmul.f32 v17, v7;
	(xrf2) =	vadd.scan.msk.f32 $0xffff, v16;
	[tilespmem:s10+$0x14000] =	vst v0;
	v0 =	vbroadcast v0, $0xF  }
0x248: {  	v7, _, _ =	vpop (xrf2);
	v11 =	vmul.f32 v10, v11  }
0x249: {  	v10 =	vadd.f32 v7, v2  }
0x24a: {  	v2 =	vld [tilespmem:s0+$0xC210];
	v12 =	vmul.f32 v19, v12;
	(xrf2) =	vadd.scan.msk.f32 $0xffff, v11  }
0x24b: {  	v11 =	vld [tilespmem:s0+$0x4210];
	v16, _, _ =	vpop (xrf2);
	_ =	sdelay $0x1  }
0x24c: {  	v7 =	vbroadcast v10, $0xF;
	(xrf2) =	vadd.scan.msk.f32 $0xffff, v15  }
0x24d: {  	v15, _, _ =	vpop (xrf2)  }
0x24e: {  	v7 =	vadd.f32 v15, v7  }
0x24f: {  	v11 =	vmul.f32 v2, v11;
	(xrf2) =	vadd.scan.msk.f32 $0xffff, v12  }
0x250: {  	v2 =	vbroadcast v7, $0xF;
	v12, _, _ =	vpop (xrf2);
	_ =	sdelay $0x1  }
0x251: {  	(xrf2) =	vadd.scan.msk.f32 $0xffff, v13  }
0x252: {  	v13 =	vld [tilespmem:s0+$0xC280];
	v15, _, _ =	vpop (xrf2);
	_ =	sdelay $0x1  }
0x253: {  	v17 =	vld [tilespmem:s0+$0xC110];
	(xrf2) =	vadd.scan.msk.f32 $0xffff, v14  }
0x254: {  	s14 =	sadd.s32 $0x20, s14;
	s28 =	sadd.s32 $0x100, s28;
	v5 =	vadd.f32 v15, v5;
	v14 =	vld [tilespmem:s0+$0x4110];
	v19, _, _ =	vpop (xrf2)  }
0x255: {  	s1 =	sand.u32 $0x60, s14;
	s9 =	sand.u32 $0x1C00, s28;
	s10 =	sor.u32 s28, s14;
	v15 =	vld [tilespmem:s0+$0xC290]  }
0x256: {  	s22 =	sor.u32 s1, s9;
	v13 =	vmul.f32 v13, v1;
	v20 =	vld [tilespmem:s0+$0x4290];
	(xrf2) =	vadd.scan.msk.f32 $0xffff, v11;
	[tilespmem:s13+$0x14000] =	vst v5;
	v5 =	vbroadcast v5, $0xF  }
0x257: {  	v1 =	vld [tilespmem:s22+$0x4280];
	v11, _, _ =	vpop (xrf2)  }
0x258: {  	v4 =	vadd.f32 v19, v4;
	v22 =	vld [tilespmem:s22+$0xC090];
	v11 =	vadd.f32 v11, v5  }
0x259: {  	v25 =	vld [tilespmem:s22+$0x4000];
	v17 =	vmul.f32 v17, v14;
	(xrf2) =	vadd.scan.msk.f32 $0xffff, v13  }
0x25a: {  	s9 =	sor.u32 $0x380, s23;
	s23 =	smov.u32 s8;
	s8 =	smov.u32 s10;
	v27 =	vld [tilespmem:s22+$0xC000];
	[tilespmem:s0+$0x14180] =	vst v4;
	v4 =	vbroadcast v4, $0xF;
	v13, _, _ =	vpop (xrf2);
	v5 =	vbroadcast v11, $0xF  }
0x25b: {  	s10 =	sor.u32 $0x380, s21;
	v14 =	vadd.f32 v16, v3;
	v16 =	vmul.f32 v15, v20;
	v23 =	vld [tilespmem:s9+$0x4000];
	[tilespmem:s4+$0x14000] =	vst v11  }
0x25c: {  	v11 =	vadd.f32 v13, v4;
	(xrf2) =	vadd.scan.msk.f32 $0xffff, v17;
	v21 =	vld [tilespmem:s10+$0x4000]  }
0x25d: {  	v19 =	vadd.f32 v12, v6;
	v3 =	vbroadcast v14, $0xF;
	v6, _, _ =	vpop (xrf2);
	v12 =	vld [tilespmem:s10+$0xC000]  }
0x25e: {  	v4 =	vbroadcast v11, $0xF;
	v28 =	vld [tilespmem:s9+$0xC000]  }
0x25f: {  	v13 =	vbroadcast v19, $0xF;
	v20 =	vadd.f32 v6, v3;
	v29 =	vld [tilespmem:s22+$0x4090];
	(xrf2) =	vadd.scan.msk.f32 $0xffff, v18  }
0x260: {  	v15 =	vld [tilespmem:s22+$0x4180];
	v6, _, _ =	vpop (xrf2)  }
0x261: {  	v3 =	vbroadcast v20, $0xF;
	v17 =	vld [tilespmem:s22+$0xC180];
	v24 =	vadd.f32 v6, v13  }
.Ltmp2:
0x262: {  	v13 =	vld [tilespmem:s22+$0xC190];
	(xrf2) =	vadd.scan.msk.f32 $0xffff, v16;
	v21 =	vmul.f32 v12, v21;
	(pc) =	sbr.rel @p0 .LBB2_7-.Ltmp2, $3  }
0x263: {  	v16 =	vld [tilespmem:s22+$0x4190];
	v6 =	vbroadcast v24, $0xF;
	v26, _, _ =	vpop (xrf2);
	v18 =	vmul.f32 v28, v23;
	_ =	sdelay $0x1  }
0x264: {  	v12 =	vmul.f32 v22, v29;
	v23 =	vld [tilespmem:s22+$0xC080];
	(xrf2) =	vadd.scan.msk.f32 $0xffff, v18  }
0x265: {  	v18 =	vmul.f32 v27, v25;
	v25 =	vld [tilespmem:s22+$0x4080];
	v22, _, _ =	vpop (xrf2)  }
0x266: {  	[tilespmem:s0+$0x14200] =	vst v19  }
0x267: {  	[tilespmem:s0+$0x14000] =	vst v14  }
0x268: {  	v8 =	vadd.f32 v26, v8;
	[tilespmem:s0+$0x14210] =	vst v24  }
0x269: {  	[tilespmem:s0+$0x14010] =	vst v20;
	v14, _, _ =	vpop (xrf2)  }
0x26a: {  	[tilespmem:s0+$0x14080] =	vst v10;
	s1 =	sshll.u32 s15, $0x5;
	v9 =	vadd.f32 v14, v9  }
0x26b: {  	v19 =	vld [tilespmem:s22+$0x4200];
	s1 =	sadd.s32 s1, s2;
	v10 =	vbroadcast v8, $0xF;
	[tilespmem:s0+$0x14280] =	vst v8  }
0x26c: {  	s4 =	sor.u32 $0x300, s1;
	v14 =	vld [tilespmem:s22+$0xC200];
	v8, _, _ =	vpop (xrf2);
	v20 =	vbroadcast v9, $0xF;
	[tilespmem:s0+$0x14100] =	vst v9  }
0x26d: {  	[tilespmem:s0+$0x14190] =	vst v11;
	v8 =	vadd.f32 v8, v10;
	v9 =	vld [tilespmem:s4+$0xC000]  }
0x26e: {  	[tilespmem:s0+$0x14090] =	vst v7;
	v11 =	vld [tilespmem:s4+$0x4000];
	v10 =	vadd.f32 v22, v20  }
0x26f: {  	s2 =	sadd.s32 $0x10, s1;
	v22 =	vmul.f32 v23, v25;
	[tilespmem:s0+$0x14290] =	vst v8  }
0x270: {  	v7 =	vld [tilespmem:s22+$0xC010];
	(xrf2) =	vadd.scan.msk.f32 $0xffff, v21;
	s31 =	sor.u32 $0x300, s2;
	[tilespmem:s0+$0x14110] =	vst v10  }
0x271: {  	(xrf2) =	vadd.scan.msk.f32 $0xffff, v22;
	v21 =	vld [tilespmem:s31+$0x4000]  }
0x272: {  	v14 =	vmul.f32 v14, v19;
	(xrf2) =	vadd.scan.msk.f32 $0xffff, v18;
	v18 =	vld [tilespmem:s31+$0xC000]  }
0x273: {  	v19 =	vld [tilespmem:s22+$0x4010];
	(xrf2) =	vadd.scan.msk.f32 $0xffff, v12;
	v9 =	vmul.f32 v9, v11  }
0x274: {  	v11 =	vld [tilespmem:s22+$0xC210];
	(xrf2) =	vadd.scan.msk.f32 $0xffff, v14  }
0x275: {  	(xrf2) =	vadd.scan.msk.f32 $0xffff, v9;
	v9 =	vld [tilespmem:s22+$0x4210]  }
0x276: {  	v13 =	vmul.f32 v13, v16;
	v16 =	vld [tilespmem:s22+$0xC100]  }
0x277: {  	v12 =	vmul.f32 v17, v15;
	v14 =	vld [tilespmem:s22+$0xC280];
	v15 =	vmul.f32 v18, v21  }
0x278: {  	v17 =	vld [tilespmem:s22+$0xC110]  }
0x279: {  	(xrf2) =	vadd.scan.msk.f32 $0xffff, v12;
	v12 =	vld [tilespmem:s22+$0x4110]  }
0x27a: {  	v20 =	vld [tilespmem:s22+$0x4100];
	v7 =	vmul.f32 v7, v19;
	v18, _, _ =	vpop (xrf2);
	(xrf2) =	vadd.scan.msk.f32 $0xffff, v15;
	v9 =	vmul.f32 v11, v9  }
0x27b: {  	(xrf2) =	vadd.scan.msk.f32 $0xffff, v13;
	v11 =	vld [tilespmem:s22+$0xC290];
	v15, _, _ =	vpop (xrf2)  }
0x27c: {  	v1 =	vmul.f32 v14, v1;
	(xrf2) =	vadd.scan.msk.f32 $0xffff, v7;
	v7 =	vld [tilespmem:s22+$0x4290];
	v13, _, _ =	vpop (xrf2)  }
0x27d: {  	v19, _, _ =	vpop (xrf2)  }
0x27e: {  	v12 =	vmul.f32 v17, v12;
	(xrf2) =	vadd.scan.msk.f32 $0xffff, v9;
	v9, _, _ =	vpop (xrf2)  }
0x27f: {  	v14 =	vmul.f32 v16, v20;
	(xrf2) =	vadd.scan.msk.f32 $0xffff, v1;
	v16, _, _ =	vpop (xrf2)  }
0x280: {  	(xrf2) =	vadd.scan.msk.f32 $0xffff, v12;
	v1, _, _ =	vpop (xrf2)  }
0x281: {  	(xrf2) =	vadd.scan.msk.f32 $0xffff, v14;
	v1 =	vadd.f32 v1, v5;
	v5 =	vmul.f32 v11, v7;
	_ =	sdelay $0x1  }
0x282: {  	v2 =	vadd.f32 v13, v2  }
0x283: {  	v7, _, _ =	vpop (xrf2);
	v11 =	vbroadcast v1, $0xF;
	(xrf2) =	vadd.scan.msk.f32 $0xffff, v5  }
0x284: {  	v3 =	vadd.f32 v19, v3;
	[tilespmem:s22+$0x14080] =	vst v2;
	v5, _, _ =	vpop (xrf2)  }
0x285: {  	v4 =	vadd.f32 v7, v4;
	[tilespmem:s4+$0x14000] =	vst v1;
	v1 =	vadd.f32 v5, v11;
	v5, _, _ =	vpop (xrf2)  }
0x286: {  	v2 =	vbroadcast v2, $0xF;
	v6 =	vadd.f32 v16, v6;
	v12 =	vbroadcast v3, $0xF;
	[tilespmem:s22+$0x14000] =	vst v3;
	v7, _, _ =	vpop (xrf2)  }
0x287: {  	v8 =	vbroadcast v8, $0xF;
	[tilespmem:s22+$0x14180] =	vst v4;
	v4 =	vbroadcast v4, $0xF;
	v14, _, _ =	vpop (xrf2)  }
0x288: {  	v2 =	vadd.f32 v9, v2;
	[tilespmem:s22+$0x14200] =	vst v6;
	v11 =	vbroadcast v6, $0xF;
	v6 =	vadd.f32 v7, v12;
	v7, _, _ =	vpop (xrf2)  }
0x289: {  	s2 =	sor.u32 $0x380, s2;
	s0 =	sadd.s32 $0x1, s24;
	v3 =	vbroadcast v10, $0xF;
	v4 =	vadd.f32 v5, v4;
	[tilespmem:s31+$0x14000] =	vst v1;
	v10, _, _ =	vpop (xrf2);
	v7 =	vadd.f32 v7, v8  }
0x28a: {  	s1 =	sand.u32 $0x3, s0;
	[tilespmem:s22+$0x14090] =	vst v2;
	v13 =	vld [tilespmem:s2+$0x4000];
	v12, _, _ =	vpop (xrf2)  }
0x28b: {  	s3 =	sor.u32 $0x380, s23;
	s1 =	sshll.u32 s1, $0x5;
	v5 =	vld [tilespmem:s2+$0xC000];
	[tilespmem:s22+$0x14190] =	vst v4;
	v3 =	vadd.f32 v12, v3  }
0x28c: {  	s1 =	sadd.s32 s1, s28;
	v11 =	vadd.f32 v14, v11;
	v14 =	vld [tilespmem:s3+$0xC000];
	v12 =	vbroadcast v7, $0xF;
	[tilespmem:s22+$0x14280] =	vst v7  }
0x28d: {  	s5 =	sor.u32 $0x300, s1;
	v8 =	vld [tilespmem:s3+$0x4000];
	v7, _, _ =	vpop (xrf2);
	v16 =	vbroadcast v3, $0xF;
	[tilespmem:s22+$0x14100] =	vst v3  }
0x28e: {  	[tilespmem:s22+$0x14010] =	vst v6;
	v7 =	vadd.f32 v7, v12;
	v3 =	vld [tilespmem:s5+$0xC000]  }
0x28f: {  	[tilespmem:s22+$0x14210] =	vst v11;
	v9 =	vadd.f32 v10, v16;
	v10 =	vld [tilespmem:s5+$0x4000]  }
0x290: {  	s1 =	sadd.s32 $0x10, s1;
	[tilespmem:s22+$0x14290] =	vst v7  }
0x291: {  	s13 =	sor.u32 $0x300, s1;
	[tilespmem:s22+$0x14110] =	vst v9  }
0x292: {  	v8 =	vmul.f32 v14, v8;
	v12 =	vld [tilespmem:s13+$0x4000]  }
0x293: {  	v5 =	vmul.f32 v5, v13;
	v13 =	vld [tilespmem:s13+$0xC000]  }
0x294: {  	(xrf2) =	vadd.scan.msk.f32 $0xffff, v8;
	v3 =	vmul.f32 v3, v10  }
0x295: {  	(xrf2) =	vadd.scan.msk.f32 $0xffff, v5  }
0x296: {  	(xrf2) =	vadd.scan.msk.f32 $0xffff, v3;
	_ =	sdelay $0x1  }
0x297: {  	v3 =	vmul.f32 v13, v12;
	_ =	sdelay $0x1  }
0x298: {  	(xrf2) =	vadd.scan.msk.f32 $0xffff, v3;
	_ =	sdelay $0x3  }
0x299: {  	v3, _, _ =	vpop (xrf2)  }
0x29a: {  	v1 =	vbroadcast v1, $0xF;
	v5, _, _ =	vpop (xrf2)  }
0x29b: {  	v8, _, _ =	vpop (xrf2)  }
0x29c: {  	v1 =	vadd.f32 v8, v1;
	_ =	sdelay $0x1  }
0x29d: {  	s14 =	sor.u32 $0x380, s8;
	[tilespmem:s5+$0x14000] =	vst v1;
	v1 =	vbroadcast v1, $0xF  }
0x29e: {  	v8, _, _ =	vpop (xrf2);
	v10 =	vld [tilespmem:s14+$0x4000]  }
0x29f: {  	v1 =	vadd.f32 v8, v1;
	v8 =	vld [tilespmem:s14+$0xC000];
	_ =	sdelay $0x1  }
0x2a0: {  	s1 =	sor.u32 $0x380, s1;
	v0 =	vadd.f32 v18, v0;
	[tilespmem:s13+$0x14000] =	vst v1  }
0x2a1: {  	v12 =	vld [tilespmem:s1+$0x4000]  }
0x2a2: {  	v13 =	vbroadcast v0, $0xF;
	v14 =	vld [tilespmem:s1+$0xC000]  }
0x2a3: {  	v8 =	vmul.f32 v8, v10  }
0x2a4: {  	v10 =	vadd.f32 v15, v13  }
0x2a5: {  	(xrf2) =	vadd.scan.msk.f32 $0xffff, v8  }
0x2a6: {  	v8 =	vbroadcast v10, $0xF  }
0x2a7: {  	v12 =	vmul.f32 v14, v12  }
0x2a8: {  	v3 =	vadd.f32 v3, v8  }
0x2a9: {  	(xrf2) =	vadd.scan.msk.f32 $0xffff, v12  }
0x2aa: {  	v8 =	vbroadcast v3, $0xF;
	_ =	sdelay $0x1  }
0x2ab: {  	v5 =	vadd.f32 v5, v8;
	_ =	sdelay $0x1  }
0x2ac: {  	v8 =	vbroadcast v5, $0xF  }
0x2ad: {  	v12, _, _ =	vpop (xrf2)  }
0x2ae: {  	v8 =	vadd.f32 v12, v8  }
0x2af: {  	[tilespmem:s9+$0x14000] =	vst v0  }
0x2b0: {  	[tilespmem:s10+$0x14000] =	vst v10;
	v0 =	vbroadcast v8, $0xF  }
0x2b1: {  	[tilespmem:s3+$0x14000] =	vst v3;
	v3, _, _ =	vpop (xrf2)  }
0x2b2: {  	[tilespmem:s2+$0x14000] =	vst v5;
	v0 =	vadd.f32 v3, v0  }
0x2b3: {  	[tilespmem:s14+$0x14000] =	vst v8;
	v3 =	vbroadcast v6, $0xF  }
0x2b4: {  	v2 =	vbroadcast v2, $0xF;
	[tilespmem:s1+$0x14000] =	vst v0  }
0x2b5: {  	v5 =	vbroadcast v9, $0xF;
	[tilespmem:$0x18000] =	vst v3  }
0x2b6: {  	v1 =	vbroadcast v1, $0xF;
	[tilespmem:$0x18080] =	vst v2  }
0x2b7: {  	v0 =	vbroadcast v0, $0xF;
	[tilespmem:$0x18100] =	vst v5  }
0x2b8: {  	v3 =	vbroadcast v4, $0xF;
	[tilespmem:$0x18300] =	vst v1  }
0x2b9: {  	v2 =	vbroadcast v11, $0xF;
	[tilespmem:$0x18380] =	vst v0  }
0x2ba: {  	s15 =	simm.s32 $0x0;
	v4 =	vbroadcast v7, $0xF;
	[tilespmem:$0x18180] =	vst v3  }
0x2bb: {  	s23 =	sand.u32 $0x60, s15;
	s24 =	sand.u32 $0x1C00, s15;
	[tilespmem:$0x18200] =	vst v2  }
0x2bc: {  	s31 =	sor.u32 s23, s24;
	[tilespmem:$0x18280] =	vst v4  }
0x2bd: {  	v0 =	vld [tilespmem:s31+$0x6280]  }
0x2be: {  	v1 =	vld [tilespmem:s31+$0xE090]  }
0x2bf: {  	v2 =	vld [tilespmem:s31+$0x6000]  }
0x2c0: {  	v3 =	vld [tilespmem:s31+$0xE000]  }
0x2c1: {  	v4 =	vld [tilespmem:s31+$0x6090]  }
0x2c2: {  	v5 =	vld [tilespmem:s31+$0x6180]  }
0x2c3: {  	v6 =	vld [tilespmem:s31+$0xE180]  }
0x2c4: {  	v7 =	vld [tilespmem:s31+$0xE190]  }
0x2c5: {  	v9 =	vld [tilespmem:s31+$0xE080]  }
0x2c6: {  	v10 =	vld [tilespmem:s31+$0x6080]  }
0x2c7: {  	v8 =	vld [tilespmem:s31+$0x6190]  }
0x2c8: {  	v11 =	vld [tilespmem:s31+$0xE200]  }
0x2c9: {  	v12 =	vld [tilespmem:s31+$0x6200]  }
0x2ca: {  	v14 =	vld [tilespmem:s31+$0xE010]  }
0x2cb: {  	v9 =	vmul.f32 v9, v10;
	v10 =	vld [tilespmem:s31+$0x6010]  }
0x2cc: {  	v2 =	vmul.f32 v3, v2;
	v3 =	vld [tilespmem:s31+$0xE210]  }
0x2cd: {  	v1 =	vmul.f32 v1, v4;
	v4 =	vld [tilespmem:s31+$0x6210]  }
0x2ce: {  	v5 =	vmul.f32 v6, v5;
	v6 =	vmul.f32 v7, v8;
	v7 =	vld [tilespmem:s31+$0x6110];
	(xrf2) =	vadd.scan.msk.f32 $0xffff, v9  }
0x2cf: {  	(xrf2) =	vadd.scan.msk.f32 $0xffff, v2;
	v2 =	vld [tilespmem:s31+$0xE280]  }
0x2d0: {  	v9 =	vmul.f32 v11, v12;
	(xrf2) =	vadd.scan.msk.f32 $0xffff, v1;
	v1 =	vld [tilespmem:s31+$0xE110]  }
0x2d1: {  	v13 =	vld [tilespmem:s31+$0x6100]  }
0x2d2: {  	v8 =	vld [tilespmem:s31+$0xE100];
	(xrf2) =	vadd.scan.msk.f32 $0xffff, v9  }
0x2d3: {  	v9 =	vmul.f32 v14, v10;
	v3 =	vmul.f32 v3, v4;
	v4 =	vld [tilespmem:s31+$0xE290];
	(xrf2) =	vadd.scan.msk.f32 $0xffff, v5  }
0x2d4: {  	s3 =	simm.s32 $0x20;
	s2 =	simm.s32 $0x100;
	v5 =	vld [tilespmem:s31+$0x6290];
	(xrf2) =	vadd.scan.msk.f32 $0xffff, v6  }
0x2d5: {  	s4 =	sand.u32 $0x60, s3;
	s5 =	sand.u32 $0x1C00, s2;
	(xrf2) =	vadd.scan.msk.f32 $0xffff, v9;
	v0 =	vmul.f32 v2, v0;
	v1 =	vmul.f32 v1, v7  }
0x2d6: {  	s0 =	sor.u32 s4, s5;
	v2 =	vld [tilespmem:$0x18400];
	(xrf2) =	vadd.scan.msk.f32 $0xffff, v3  }
0x2d7: {  	v16 =	vld [tilespmem:s0+$0x6000];
	v6 =	vmul.f32 v8, v13;
	(xrf2) =	vadd.scan.msk.f32 $0xffff, v0  }
0x2d8: {  	v17 =	vld [tilespmem:s0+$0x6080];
	v7, _, _ =	vpop (xrf2);
	(xrf2) =	vadd.scan.msk.f32 $0xffff, v1  }
0x2d9: {  	v3 =	vld [tilespmem:$0x18600];
	v4 =	vmul.f32 v4, v5;
	v1, _, _ =	vpop (xrf2);
	(xrf2) =	vadd.scan.msk.f32 $0xffff, v6  }
0x2da: {  	v0 =	vld [tilespmem:$0x18580]  }
0x2db: {  	v6 =	vld [tilespmem:$0x18480];
	v5, _, _ =	vpop (xrf2);
	v1 =	vadd.f32 v1, v2  }
0x2dc: {  	v10 =	vld [tilespmem:$0x18680];
	v9, _, _ =	vpop (xrf2);
	(xrf2) =	vadd.scan.msk.f32 $0xffff, v4  }
0x2dd: {  	v8 =	vld [tilespmem:$0x18500];
	v4, _, _ =	vpop (xrf2);
	v14 =	vbroadcast v1, $0xF  }
0x2de: {  	v3 =	vadd.f32 v9, v3;
	v9 =	vld [tilespmem:$0x18700];
	v11, _, _ =	vpop (xrf2)  }
0x2df: {  	v4 =	vadd.f32 v4, v0;
	v0 =	vld [tilespmem:$0x18780];
	[tilespmem:s31+$0x16000] =	vst v1;
	v2, _, _ =	vpop (xrf2)  }
0x2e0: {  	v18 =	vld [tilespmem:s0+$0x6200];
	v12 =	vbroadcast v3, $0xF;
	[tilespmem:s31+$0x16200] =	vst v3;
	v1 =	vadd.f32 v7, v6;
	v15, _, _ =	vpop (xrf2)  }
0x2e1: {  	v13 =	vld [tilespmem:s0+$0xE090];
	[tilespmem:s31+$0x16180] =	vst v4;
	v2 =	vadd.f32 v2, v14;
	v14, _, _ =	vpop (xrf2)  }
0x2e2: {  	v3 =	vld [tilespmem:s0+$0xE000];
	v12 =	vadd.f32 v15, v12;
	[tilespmem:s31+$0x16080] =	vst v1;
	v10 =	vadd.f32 v14, v10;
	v7, _, _ =	vpop (xrf2)  }
0x2e3: {  	s10 =	sand.u32 $0x3, s15;
	v6 =	vld [tilespmem:s0+$0x6090];
	v4 =	vbroadcast v4, $0xF;
	[tilespmem:s31+$0x16010] =	vst v2;
	v15, _, _ =	vpop (xrf2)  }
0x2e4: {  	s1 =	sshll.u32 s10, $0x5;
	v1 =	vbroadcast v1, $0xF;
	v14 =	vld [tilespmem:s0+$0xE080];
	[tilespmem:s31+$0x16210] =	vst v12;
	v8 =	vadd.f32 v15, v8  }
0x2e5: {  	s1 =	sadd.s32 $0x0, s1;
	v4 =	vadd.f32 v11, v4;
	v11 =	vld [tilespmem:s0+$0xE200];
	[tilespmem:s31+$0x16280] =	vst v10;
	v15 =	vbroadcast v10, $0xF  }
0x2e6: {  	s13 =	sor.u32 $0x2300, s1;
	v5 =	vadd.f32 v5, v1;
	v10, _, _ =	vpop (xrf2);
	v19 =	vbroadcast v8, $0xF;
	[tilespmem:s31+$0x16100] =	vst v8;
	v8 =	vld [tilespmem:s0+$0x6180]  }
0x2e7: {  	[tilespmem:s31+$0x16190] =	vst v4;
	v15 =	vadd.f32 v10, v15;
	v1 =	vld [tilespmem:s13+$0xC000]  }
0x2e8: {  	[tilespmem:s31+$0x16090] =	vst v5;
	v20 =	vadd.f32 v7, v19;
	v7 =	vld [tilespmem:s13+$0x4000]  }
0x2e9: {  	s18 =	sadd.s32 $0x10, s1;
	v10 =	vmul.f32 v14, v17;
	v14 =	vld [tilespmem:s0+$0xE180];
	[tilespmem:s31+$0x16290] =	vst v15  }
0x2ea: {  	s21 =	sor.u32 $0x2300, s18;
	v3 =	vmul.f32 v3, v16;
	[tilespmem:s31+$0x16110] =	vst v20  }
0x2eb: {  	v6 =	vmul.f32 v13, v6;
	(xrf2) =	vadd.scan.msk.f32 $0xffff, v10;
	v10 =	vld [tilespmem:s21+$0x4000]  }
0x2ec: {  	v11 =	vmul.f32 v11, v18;
	(xrf2) =	vadd.scan.msk.f32 $0xffff, v3;
	v3 =	vld [tilespmem:s21+$0xC000]  }
0x2ed: {  	(xrf2) =	vadd.scan.msk.f32 $0xffff, v6;
	v1 =	vmul.f32 v1, v7  }
0x2ee: {  	(xrf2) =	vadd.scan.msk.f32 $0xffff, v11;
	v8 =	vmul.f32 v14, v8;
	v14 =	vld [tilespmem:s0+$0x6210]  }
0x2ef: {  	v7 =	vld [tilespmem:s0+$0xE190];
	(xrf2) =	vadd.scan.msk.f32 $0xffff, v1  }
0x2f0: {  	v1 =	vld [tilespmem:s0+$0x6190]  }
0x2f1: {  	v3 =	vmul.f32 v3, v10;
	v10 =	vld [tilespmem:s0+$0xE010]  }
0x2f2: {  	(xrf2) =	vadd.scan.msk.f32 $0xffff, v8;
	v8 =	vld [tilespmem:s0+$0x6010]  }
0x2f3: {  	(xrf2) =	vadd.scan.msk.f32 $0xffff, v3;
	v3 =	vld [tilespmem:s0+$0xE210];
	_ =	sdelay $0x1  }
0x2f4: {  	v21 =	vld [tilespmem:s0+$0xE110];
	v13, _, _ =	vpop (xrf2)  }
0x2f5: {  	v22 =	vld [tilespmem:s0+$0x6110];
	v16, _, _ =	vpop (xrf2);
	v1 =	vmul.f32 v7, v1  }
0x2f6: {  	v19 =	vld [tilespmem:s0+$0xE280];
	v18, _, _ =	vpop (xrf2);
	v8 =	vmul.f32 v10, v8  }
0x2f7: {  	v6 =	vld [tilespmem:s0+$0x6280];
	v7, _, _ =	vpop (xrf2);
	(xrf2) =	vadd.scan.msk.f32 $0xffff, v1;
	v3 =	vmul.f32 v3, v14  }
0x2f8: {  	v23 =	vld [tilespmem:s0+$0xE290];
	(xrf2) =	vadd.scan.msk.f32 $0xffff, v8;
	v10, _, _ =	vpop (xrf2)  }
0x2f9: {  	s28 =	simm.s32 $0x200;
	s14 =	simm.s32 $0x40;
	v24 =	vld [tilespmem:s0+$0x6290];
	(xrf2) =	vadd.scan.msk.f32 $0xffff, v3;
	v9 =	vadd.f32 v10, v9  }
0x2fa: {  	s24 =	sand.u32 $0x1C00, s28;
	s23 =	sand.u32 $0x60, s14;
	v17 =	vld [tilespmem:s0+$0xE100]  }
0x2fb: {  	s22 =	sor.u32 s23, s24;
	v5 =	vbroadcast v5, $0xF;
	v11 =	vld [tilespmem:s0+$0x6100];
	v8, _, _ =	vpop (xrf2);
	v3 =	vbroadcast v9, $0xF  }
0x2fc: {  	v25 =	vld [tilespmem:s22+$0xE090];
	v4 =	vbroadcast v4, $0xF;
	v6 =	vmul.f32 v19, v6;
	v10, _, _ =	vpop (xrf2)  }
0x2fd: {  	v27 =	vld [tilespmem:s22+$0x6000];
	v3 =	vadd.f32 v10, v3;
	v10 =	vadd.f32 v13, v5;
	v5 =	vbroadcast v12, $0xF  }
0x2fe: {  	v2 =	vbroadcast v2, $0xF;
	v1 =	vld [tilespmem:s22+$0x6280];
	v14 =	vmul.f32 v21, v22  }
0x2ff: {  	s31 =	sor.u32 s15, s15;
	v22 =	vld [tilespmem:s22+$0xE000];
	(xrf2) =	vadd.scan.msk.f32 $0xffff, v6;
	v12 =	vadd.f32 v8, v4  }
0x300: {  	s9 =	sor.u32 $0x2380, s31;
	(xrf2) =	vadd.scan.msk.f32 $0xffff, v14;
	v14 =	vadd.f32 v16, v2;
	v16 =	vmul.f32 v17, v11;
	v17 =	vld [tilespmem:s22+$0xE180];
	[tilespmem:s13+$0x14000] =	vst v9  }
0x301: {  	v6 =	vld [tilespmem:s9+$0x4000];
	v2 =	vbroadcast v12, $0xF;
	v19 =	vadd.f32 v7, v5;
	v5, _, _ =	vpop (xrf2)  }
0x302: {  	s10 =	sor.u32 $0x2380, s18;
	v28 =	vld [tilespmem:s9+$0xC000];
	[tilespmem:s21+$0x14000] =	vst v3;
	v4 =	vbroadcast v10, $0xF;
	v13, _, _ =	vpop (xrf2)  }
0x303: {  	v21 =	vld [tilespmem:s10+$0x4000];
	v11 =	vadd.f32 v5, v2;
	v5 =	vbroadcast v3, $0xF;
	v3, _, _ =	vpop (xrf2);
	(xrf2) =	vadd.scan.msk.f32 $0xffff, v16  }
0x304: {  	v23 =	vmul.f32 v23, v24;
	v26 =	vld [tilespmem:s10+$0xC000];
	v7 =	vadd.f32 v18, v4;
	v4 =	vbroadcast v14, $0xF  }
0x305: {  	v18 =	vld [tilespmem:s22+$0x6090];
	v29 =	vbroadcast v19, $0xF  }
0x306: {  	v9 =	vbroadcast v20, $0xF;
	v8 =	vbroadcast v15, $0xF;
	v15 =	vld [tilespmem:s22+$0x6180];
	v20 =	vadd.f32 v13, v4;
	(xrf2) =	vadd.scan.msk.f32 $0xffff, v23  }
0x307: {  	v28 =	vmul.f32 v28, v6;
	v2 =	vbroadcast v7, $0xF;
	v13 =	vld [tilespmem:s22+$0xE190];
	v24 =	vadd.f32 v3, v29  }
0x308: {  	v16 =	vld [tilespmem:s22+$0x6190];
	v4 =	vbroadcast v11, $0xF;
	v3 =	vbroadcast v20, $0xF  }
0x309: {  	s8 =	sor.u32 s28, s14;
	s24 =	simm.s32 $0x1;
	v23 =	vld [tilespmem:s22+$0xE080];
	v21 =	vmul.f32 v26, v21;
	v26, _, _ =	vpop (xrf2);
	(xrf2) =	vadd.scan.msk.f32 $0xffff, v28;
	v6 =	vbroadcast v24, $0xF  }
0x30a: {  	s23 =	sor.u32 s2, s3;
	s18 =	simm.s32 $0x4;
	s15 =	sand.u32 $0x3, s24;
	[tilespmem:s0+$0x16180] =	vst v12;
	v12 =	vmul.f32 v25, v18;
	v18 =	vmul.f32 v22, v27;
	v25 =	vld [tilespmem:s22+$0x6080];
	v22, _, _ =	vpop (xrf2)  }
.LBB2_9:
0x30b: {  	s18 =	sadd.s32 $0x2, s18;
	v15 =	vmul.f32 v17, v15;
	v17 =	vld [tilespmem:s22+$0xE200];
	[tilespmem:s0+$0x16200] =	vst v19;
	s24 =	sadd.s32 $0x1, s24  }
0x30c: {  	p0 =	slt.u32 s18, $0x3E;
	s1 =	sand.u32 $0x3, s24;
	v19 =	vld [tilespmem:s22+$0x6200];
	[tilespmem:s0+$0x16000] =	vst v14;
	(xrf2) =	vadd.scan.msk.f32 $0xffff, v21  }
0x30d: {  	v26 =	vadd.f32 v26, v8;
	v14 =	vld [tilespmem:s22+$0x6100];
	[tilespmem:s0+$0x16210] =	vst v24;
	v21, _, _ =	vpop (xrf2)  }
0x30e: {  	v13 =	vmul.f32 v13, v16;
	[tilespmem:s0+$0x16010] =	vst v20  }
0x30f: {  	v9 =	vadd.f32 v21, v9;
	v16 =	vmul.f32 v23, v25;
	v20 =	vld [tilespmem:s22+$0xE100];
	[tilespmem:s0+$0x16080] =	vst v10;
	v10 =	vbroadcast v26, $0xF  }
0x310: {  	s4 =	sshll.u32 s15, $0x5;
	s15 =	smov.u32 s1;
	[tilespmem:s0+$0x16280] =	vst v26;
	v8, _, _ =	vpop (xrf2)  }
0x311: {  	s1 =	sadd.s32 s4, s2;
	s2 =	smov.u32 s28;
	(xrf2) =	vadd.scan.msk.f32 $0xffff, v16;
	v16 =	vbroadcast v9, $0xF;
	[tilespmem:s0+$0x16190] =	vst v11;
	v8 =	vadd.f32 v8, v10  }
0x312: {  	s13 =	sor.u32 $0x2300, s1;
	s21 =	sadd.s32 $0x10, s1;
	[tilespmem:s0+$0x16100] =	vst v9  }
0x313: {  	v10 =	vld [tilespmem:s13+$0xC000];
	v9 =	vadd.f32 v22, v16;
	[tilespmem:s0+$0x16290] =	vst v8;
	v8 =	vbroadcast v8, $0xF;
	v11, _, _ =	vpop (xrf2)  }
0x314: {  	v16 =	vmul.f32 v17, v19;
	v17 =	vld [tilespmem:s22+$0xE010];
	(xrf2) =	vadd.scan.msk.f32 $0xffff, v18;
	[tilespmem:s0+$0x16090] =	vst v7;
	v0 =	vadd.f32 v11, v0  }
0x315: {  	v18 =	vmul.f32 v20, v14;
	v7 =	vld [tilespmem:s22+$0x6010];
	[tilespmem:s0+$0x16110] =	vst v9;
	v9 =	vbroadcast v9, $0xF;
	s0 =	smov.u32 s22  }
0x316: {  	s4 =	sor.u32 $0x2300, s21;
	v11 =	vld [tilespmem:s13+$0x4000];
	[tilespmem:s9+$0x14000] =	vst v0;
	v0 =	vbroadcast v0, $0xF;
	v14, _, _ =	vpop (xrf2)  }
0x317: {  	(xrf2) =	vadd.scan.msk.f32 $0xffff, v12;
	v12 =	vld [tilespmem:s4+$0x4000]  }
0x318: {  	v19 =	vld [tilespmem:s4+$0xC000];
	v0 =	vadd.f32 v14, v0;
	_ =	sdelay $0x1  }
0x319: {  	v14 =	vmul.f32 v17, v7;
	(xrf2) =	vadd.scan.msk.f32 $0xffff, v16;
	[tilespmem:s10+$0x14000] =	vst v0;
	v0 =	vbroadcast v0, $0xF  }
0x31a: {  	v7, _, _ =	vpop (xrf2);
	v11 =	vmul.f32 v10, v11  }
0x31b: {  	v10 =	vadd.f32 v7, v2  }
0x31c: {  	v2 =	vld [tilespmem:s0+$0xE210];
	v12 =	vmul.f32 v19, v12;
	(xrf2) =	vadd.scan.msk.f32 $0xffff, v11  }
0x31d: {  	v11 =	vld [tilespmem:s0+$0x6210];
	v16, _, _ =	vpop (xrf2);
	_ =	sdelay $0x1  }
0x31e: {  	v7 =	vbroadcast v10, $0xF;
	(xrf2) =	vadd.scan.msk.f32 $0xffff, v15  }
0x31f: {  	v15, _, _ =	vpop (xrf2)  }
0x320: {  	v7 =	vadd.f32 v15, v7  }
0x321: {  	v11 =	vmul.f32 v2, v11;
	(xrf2) =	vadd.scan.msk.f32 $0xffff, v12  }
0x322: {  	v2 =	vbroadcast v7, $0xF;
	v12, _, _ =	vpop (xrf2);
	_ =	sdelay $0x1  }
0x323: {  	(xrf2) =	vadd.scan.msk.f32 $0xffff, v13  }
0x324: {  	v13 =	vld [tilespmem:s0+$0xE280];
	v15, _, _ =	vpop (xrf2);
	_ =	sdelay $0x1  }
0x325: {  	v17 =	vld [tilespmem:s0+$0xE110];
	(xrf2) =	vadd.scan.msk.f32 $0xffff, v14  }
0x326: {  	s14 =	sadd.s32 $0x20, s14;
	s28 =	sadd.s32 $0x100, s28;
	v5 =	vadd.f32 v15, v5;
	v14 =	vld [tilespmem:s0+$0x6110];
	v19, _, _ =	vpop (xrf2)  }
0x327: {  	s1 =	sand.u32 $0x60, s14;
	s9 =	sand.u32 $0x1C00, s28;
	s10 =	sor.u32 s28, s14;
	v15 =	vld [tilespmem:s0+$0xE290]  }
0x328: {  	s22 =	sor.u32 s1, s9;
	v13 =	vmul.f32 v13, v1;
	v20 =	vld [tilespmem:s0+$0x6290];
	(xrf2) =	vadd.scan.msk.f32 $0xffff, v11;
	[tilespmem:s13+$0x14000] =	vst v5;
	v5 =	vbroadcast v5, $0xF  }
0x329: {  	v1 =	vld [tilespmem:s22+$0x6280];
	v11, _, _ =	vpop (xrf2)  }
0x32a: {  	v4 =	vadd.f32 v19, v4;
	v22 =	vld [tilespmem:s22+$0xE090];
	v11 =	vadd.f32 v11, v5  }
0x32b: {  	v25 =	vld [tilespmem:s22+$0x6000];
	v17 =	vmul.f32 v17, v14;
	(xrf2) =	vadd.scan.msk.f32 $0xffff, v13  }
0x32c: {  	s9 =	sor.u32 $0x2380, s23;
	s23 =	smov.u32 s8;
	s8 =	smov.u32 s10;
	v27 =	vld [tilespmem:s22+$0xE000];
	[tilespmem:s0+$0x16180] =	vst v4;
	v4 =	vbroadcast v4, $0xF;
	v13, _, _ =	vpop (xrf2);
	v5 =	vbroadcast v11, $0xF  }
0x32d: {  	s10 =	sor.u32 $0x2380, s21;
	v14 =	vadd.f32 v16, v3;
	v16 =	vmul.f32 v15, v20;
	v23 =	vld [tilespmem:s9+$0x4000];
	[tilespmem:s4+$0x14000] =	vst v11  }
0x32e: {  	v11 =	vadd.f32 v13, v4;
	(xrf2) =	vadd.scan.msk.f32 $0xffff, v17;
	v21 =	vld [tilespmem:s10+$0x4000]  }
0x32f: {  	v19 =	vadd.f32 v12, v6;
	v3 =	vbroadcast v14, $0xF;
	v6, _, _ =	vpop (xrf2);
	v12 =	vld [tilespmem:s10+$0xC000]  }
0x330: {  	v4 =	vbroadcast v11, $0xF;
	v28 =	vld [tilespmem:s9+$0xC000]  }
0x331: {  	v13 =	vbroadcast v19, $0xF;
	v20 =	vadd.f32 v6, v3;
	v29 =	vld [tilespmem:s22+$0x6090];
	(xrf2) =	vadd.scan.msk.f32 $0xffff, v18  }
0x332: {  	v15 =	vld [tilespmem:s22+$0x6180];
	v6, _, _ =	vpop (xrf2)  }
0x333: {  	v3 =	vbroadcast v20, $0xF;
	v17 =	vld [tilespmem:s22+$0xE180];
	v24 =	vadd.f32 v6, v13  }
.Ltmp3:
0x334: {  	v13 =	vld [tilespmem:s22+$0xE190];
	(xrf2) =	vadd.scan.msk.f32 $0xffff, v16;
	v21 =	vmul.f32 v12, v21;
	(pc) =	sbr.rel @p0 .LBB2_9-.Ltmp3, $3  }
0x335: {  	v16 =	vld [tilespmem:s22+$0x6190];
	v6 =	vbroadcast v24, $0xF;
	v26, _, _ =	vpop (xrf2);
	v18 =	vmul.f32 v28, v23;
	_ =	sdelay $0x1  }
0x336: {  	v12 =	vmul.f32 v22, v29;
	v23 =	vld [tilespmem:s22+$0xE080];
	(xrf2) =	vadd.scan.msk.f32 $0xffff, v18  }
0x337: {  	v18 =	vmul.f32 v27, v25;
	v25 =	vld [tilespmem:s22+$0x6080];
	v22, _, _ =	vpop (xrf2)  }
0x338: {  	[tilespmem:s0+$0x16200] =	vst v19  }
0x339: {  	[tilespmem:s0+$0x16000] =	vst v14  }
0x33a: {  	[tilespmem:s0+$0x16210] =	vst v24  }
0x33b: {  	v8 =	vadd.f32 v26, v8;
	[tilespmem:s0+$0x16010] =	vst v20;
	v33, _, _ =	vpop (xrf2)  }
0x33c: {  	[tilespmem:s0+$0x16080] =	vst v10;
	s1 =	sshll.u32 s15, $0x5;
	v35 =	vld [tilespmem:s22+$0xE200];
	v9 =	vadd.f32 v33, v9  }
0x33d: {  	v37 =	vld [tilespmem:s22+$0x6200];
	s1 =	sadd.s32 s1, s2;
	v34 =	vbroadcast v8, $0xF;
	[tilespmem:s0+$0x16280] =	vst v8  }
0x33e: {  	v41 =	vld [tilespmem:s22+$0x6100];
	s4 =	sor.u32 $0x2300, s1;
	v36, _, _ =	vpop (xrf2);
	v38 =	vbroadcast v9, $0xF;
	[tilespmem:s0+$0x16100] =	vst v9  }
0x33f: {  	[tilespmem:s0+$0x16190] =	vst v11;
	v8 =	vadd.f32 v36, v34;
	v9 =	vld [tilespmem:s4+$0xC000]  }
0x340: {  	[tilespmem:s0+$0x16090] =	vst v7;
	v40 =	vld [tilespmem:s4+$0x4000];
	v39 =	vadd.f32 v22, v38  }
0x341: {  	v43 =	vld [tilespmem:s22+$0xE010];
	s2 =	sadd.s32 $0x10, s1;
	v42 =	vmul.f32 v23, v25;
	[tilespmem:s0+$0x16290] =	vst v8  }
0x342: {  	v46 =	vld [tilespmem:s22+$0x6010];
	s15 =	sor.u32 $0x2300, s2;
	(xrf2) =	vadd.scan.msk.f32 $0xffff, v21;
	[tilespmem:s0+$0x16110] =	vst v39  }
0x343: {  	(xrf2) =	vadd.scan.msk.f32 $0xffff, v42;
	v44 =	vld [tilespmem:s15+$0x4000]  }
0x344: {  	v14 =	vmul.f32 v35, v37;
	(xrf2) =	vadd.scan.msk.f32 $0xffff, v18;
	v45 =	vld [tilespmem:s15+$0xC000]  }
0x345: {  	v47 =	vld [tilespmem:s22+$0xE210];
	(xrf2) =	vadd.scan.msk.f32 $0xffff, v12;
	v9 =	vmul.f32 v9, v40  }
0x346: {  	v48 =	vld [tilespmem:s22+$0x6210];
	(xrf2) =	vadd.scan.msk.f32 $0xffff, v14  }
0x347: {  	v50 =	vld [tilespmem:s22+$0xE280];
	(xrf2) =	vadd.scan.msk.f32 $0xffff, v9  }
0x348: {  	v49 =	vmul.f32 v17, v15;
	v52 =	vld [tilespmem:s22+$0xE110]  }
0x349: {  	v53 =	vld [tilespmem:s22+$0x6110];
	v51 =	vmul.f32 v45, v44  }
0x34a: {  	v54 =	vld [tilespmem:s22+$0xE100];
	v13 =	vmul.f32 v13, v16;
	(xrf2) =	vadd.scan.msk.f32 $0xffff, v49  }
0x34b: {  	v7 =	vmul.f32 v43, v46;
	v55, _, _ =	vpop (xrf2);
	(xrf2) =	vadd.scan.msk.f32 $0xffff, v51  }
0x34c: {  	v57 =	vld [tilespmem:s22+$0xE290];
	v9 =	vmul.f32 v47, v48;
	v56, _, _ =	vpop (xrf2);
	(xrf2) =	vadd.scan.msk.f32 $0xffff, v13  }
0x34d: {  	v59 =	vld [tilespmem:s22+$0x6290];
	v1 =	vmul.f32 v50, v1;
	v58, _, _ =	vpop (xrf2);
	(xrf2) =	vadd.scan.msk.f32 $0xffff, v7  }
0x34e: {  	v12 =	vmul.f32 v52, v53;
	v60, _, _ =	vpop (xrf2);
	(xrf2) =	vadd.scan.msk.f32 $0xffff, v9  }
0x34f: {  	v62 =	vmul.f32 v54, v41;
	v61, _, _ =	vpop (xrf2);
	(xrf2) =	vadd.scan.msk.f32 $0xffff, v1  }
0x350: {  	v63, _, _ =	vpop (xrf2);
	(xrf2) =	vadd.scan.msk.f32 $0xffff, v12  }
0x351: {  	v17, _, _ =	vpop (xrf2);
	(xrf2) =	vadd.scan.msk.f32 $0xffff, v62  }
0x352: {  	v20 =	vmul.f32 v57, v59  }
0x353: {  	v2 =	vadd.f32 v58, v2  }
0x354: {  	v3 =	vadd.f32 v60, v3;
	v21, _, _ =	vpop (xrf2);
	(xrf2) =	vadd.scan.msk.f32 $0xffff, v20  }
0x355: {  	[tilespmem:s22+$0x16080] =	vst v2;
	v2 =	vbroadcast v2, $0xF;
	v6 =	vadd.f32 v63, v6;
	v1 =	vadd.f32 v17, v5;
	v23, _, _ =	vpop (xrf2)  }
0x356: {  	[tilespmem:s22+$0x16000] =	vst v3;
	v4 =	vadd.f32 v21, v4;
	v24, _, _ =	vpop (xrf2)  }
0x357: {  	v2 =	vadd.f32 v61, v2;
	[tilespmem:s22+$0x16200] =	vst v6;
	v22 =	vbroadcast v1, $0xF;
	v26, _, _ =	vpop (xrf2)  }
0x358: {  	[tilespmem:s22+$0x16180] =	vst v4;
	v4 =	vbroadcast v4, $0xF;
	v28, _, _ =	vpop (xrf2)  }
0x359: {  	v8 =	vbroadcast v8, $0xF;
	[tilespmem:s22+$0x16090] =	vst v2;
	v25 =	vadd.f32 v23, v22;
	v30, _, _ =	vpop (xrf2)  }
0x35a: {  	s18 =	sadd.s32 $0x1, s24;
	s21 =	sor.u32 $0x2380, s23;
	v31 =	vbroadcast v39, $0xF;
	[tilespmem:s4+$0x14000] =	vst v1;
	v4 =	vadd.f32 v24, v4;
	v32, _, _ =	vpop (xrf2)  }
0x35b: {  	s1 =	sand.u32 $0x3, s18;
	v29 =	vbroadcast v3, $0xF;
	v27 =	vbroadcast v6, $0xF;
	v33 =	vld [tilespmem:s21+$0x4000];
	[tilespmem:s15+$0x14000] =	vst v25;
	v6 =	vadd.f32 v30, v8;
	v34, _, _ =	vpop (xrf2)  }
0x35c: {  	s2 =	sor.u32 $0x2380, s2;
	s1 =	sshll.u32 s1, $0x5;
	v39 =	vld [tilespmem:s21+$0xC000];
	[tilespmem:s22+$0x16190] =	vst v4;
	v3 =	vadd.f32 v34, v31  }
0x35d: {  	s1 =	sadd.s32 s1, s28;
	v5 =	vadd.f32 v26, v29;
	v35 =	vld [tilespmem:s2+$0x4000];
	v36 =	vbroadcast v6, $0xF;
	[tilespmem:s22+$0x16280] =	vst v6  }
0x35e: {  	s23 =	sor.u32 $0x2300, s1;
	v11 =	vadd.f32 v28, v27;
	v37 =	vld [tilespmem:s2+$0xC000];
	v38, _, _ =	vpop (xrf2);
	v40 =	vbroadcast v3, $0xF;
	[tilespmem:s22+$0x16100] =	vst v3  }
0x35f: {  	[tilespmem:s22+$0x16010] =	vst v5;
	v6 =	vadd.f32 v38, v36;
	v3 =	vld [tilespmem:s23+$0xC000]  }
0x360: {  	[tilespmem:s22+$0x16210] =	vst v11;
	v42 =	vld [tilespmem:s23+$0x4000];
	v41 =	vadd.f32 v32, v40  }
0x361: {  	s1 =	sadd.s32 $0x10, s1;
	[tilespmem:s22+$0x16290] =	vst v6  }
0x362: {  	s13 =	sor.u32 $0x2300, s1;
	[tilespmem:s22+$0x16110] =	vst v41  }
0x363: {  	v8 =	vmul.f32 v39, v33;
	v43 =	vld [tilespmem:s13+$0x4000]  }
0x364: {  	v7 =	vmul.f32 v37, v35;
	v44 =	vld [tilespmem:s13+$0xC000]  }
0x365: {  	(xrf2) =	vadd.scan.msk.f32 $0xffff, v8;
	v3 =	vmul.f32 v3, v42  }
0x366: {  	(xrf2) =	vadd.scan.msk.f32 $0xffff, v7  }
0x367: {  	(xrf2) =	vadd.scan.msk.f32 $0xffff, v3;
	_ =	sdelay $0x1  }
0x368: {  	v45 =	vmul.f32 v44, v43;
	_ =	sdelay $0x1  }
0x369: {  	(xrf2) =	vadd.scan.msk.f32 $0xffff, v45;
	_ =	sdelay $0x3  }
0x36a: {  	v46, _, _ =	vpop (xrf2)  }
0x36b: {  	v1 =	vbroadcast v25, $0xF;
	v7, _, _ =	vpop (xrf2)  }
0x36c: {  	v47, _, _ =	vpop (xrf2)  }
0x36d: {  	v1 =	vadd.f32 v47, v1;
	_ =	sdelay $0x1  }
0x36e: {  	s24 =	sor.u32 $0x2380, s8;
	[tilespmem:s23+$0x14000] =	vst v1;
	v1 =	vbroadcast v1, $0xF  }
0x36f: {  	v48, _, _ =	vpop (xrf2);
	v49 =	vld [tilespmem:s24+$0x4000]  }
0x370: {  	v50 =	vld [tilespmem:s24+$0xC000];
	v1 =	vadd.f32 v48, v1;
	_ =	sdelay $0x1  }
0x371: {  	s1 =	sor.u32 $0x2380, s1;
	v0 =	vadd.f32 v55, v0;
	[tilespmem:s13+$0x14000] =	vst v1  }
0x372: {  	v51 =	vld [tilespmem:s1+$0x4000]  }
0x373: {  	v52 =	vbroadcast v0, $0xF;
	v53 =	vld [tilespmem:s1+$0xC000]  }
0x374: {  	v8 =	vmul.f32 v50, v49  }
0x375: {  	v54 =	vadd.f32 v56, v52  }
0x376: {  	(xrf2) =	vadd.scan.msk.f32 $0xffff, v8  }
0x377: {  	v55 =	vbroadcast v54, $0xF  }
0x378: {  	v12 =	vmul.f32 v53, v51  }
0x379: {  	v3 =	vadd.f32 v46, v55  }
0x37a: {  	(xrf2) =	vadd.scan.msk.f32 $0xffff, v12  }
0x37b: {  	v8 =	vbroadcast v3, $0xF;
	_ =	sdelay $0x1  }
0x37c: {  	v7 =	vadd.f32 v7, v8;
	_ =	sdelay $0x1  }
0x37d: {  	v8 =	vbroadcast v7, $0xF  }
0x37e: {  	v56, _, _ =	vpop (xrf2)  }
0x37f: {  	v8 =	vadd.f32 v56, v8  }
0x380: {  	[tilespmem:s9+$0x14000] =	vst v0  }
0x381: {  	[tilespmem:s10+$0x14000] =	vst v54;
	v57 =	vbroadcast v8, $0xF  }
0x382: {  	[tilespmem:s21+$0x14000] =	vst v3;
	v58, _, _ =	vpop (xrf2)  }
0x383: {  	[tilespmem:s2+$0x14000] =	vst v7;
	v0 =	vadd.f32 v58, v57  }
0x384: {  	v59 =	vbroadcast v5, $0xF;
	[tilespmem:s24+$0x14000] =	vst v8  }
0x385: {  	v2 =	vbroadcast v2, $0xF;
	[tilespmem:s1+$0x14000] =	vst v0  }
0x386: {  	v60 =	vbroadcast v41, $0xF;
	[tilespmem:$0x18400] =	vst v59  }
0x387: {  	v61 =	vbroadcast v4, $0xF;
	[tilespmem:$0x18480] =	vst v2  }
0x388: {  	s25 =	sadd.s32 $0x1, s25;
	v62 =	vbroadcast v11, $0xF;
	[tilespmem:$0x18500] =	vst v60  }
0x389: {  	p0 =	sne.s32 s25, $0x20;
	v63 =	vbroadcast v6, $0xF;
	[tilespmem:$0x18580] =	vst v61  }
.Ltmp4:
0x38a: {  	v1 =	vbroadcast v1, $0xF;
	[tilespmem:$0x18600] =	vst v62;
	(pc) =	sbr.rel @p0 .LBB2_2-.Ltmp4, $4  }
0x38b: {  	v0 =	vbroadcast v0, $0xF;
	[tilespmem:$0x18680] =	vst v63  }
0x38c: {  	[tilespmem:$0x18700] =	vst v1  }
0x38d: {  	s31 =	simm.s32 $0x14000;
	s28 =	sadd.s32 s30, s26;
	[tilespmem:$0x18780] =	vst v0  }
0x38e: {  	[hbm4b:s28+s11] =	stream.strided.scatter [tilespmem:s31], [sflag:$0x6], $0x4000, s12, s11, $0x38;
	[tilespmem:$0x18800] =	vst v63  }
0x38f: {  	s0 =	simm.s32 $0x5  }
0x390: {  	_ =	swait.ge [sflag:s0], $0x4000  }
0x391: {  	[sflag:s0] =	ssyncset.done $0x0  }
0x392: {  	s28 =	simm.s32 $0x6;
	[sflag:s0] =	ssyncadd.s32 $0xFFFFC000  }
0x393: {  	_ =	swait.ge [sflag:s28], $0x4000  }
0x394: {  	[sflag:s28] =	ssyncset.done $0x0  }
0x395: {  	[sflag:s28] =	ssyncadd.s32 $0xFFFFC000  }
0x396: {  	_ =	swait.ge [sflag:s16], $0x4000  }
0x397: {  	[sflag:s16] =	ssyncset.done $0x0  }
0x398: {  	[sflag:s16] =	ssyncadd.s32 $0xFFFFC000  }
0x399: {  	_ =	swait.ge [sflag:s17], $0x4000  }
0x39a: {  	s1 =	rddreg [dreg:$0x8]  }
0x39b: {  	s31 =	rddreg [dreg:$0x7];
	s1 =	sadd.s32 $0x1, s1  }
0x39c: {  	p0 =	sne.s32 s1, s31  }
.Ltmp5:
0x39d: {  	_ = 	snop;
	(pc) =	sbr.rel @p0 .LBB2_1-.Ltmp5, $3  }
0x39e: {  	_ =	sdelay $0x1  }
0x39f: {  	[sflag:s17] =	ssyncset.done $0x0  }
0x3a0: {  	[sflag:s17] =	ssyncadd.s32 $0xFFFFC000  }
0x3a1: {  	_ =	sfence.sel $0x180000  }
0x3a2: {  	[bflag:$0x0] =	sbarrier.arrive $0xFFFF  }
0x3a3: {  	_ =	strace $0x90000047  }
0x3a4: {  	s0 =	stileid.u32;
	[bflag:$0x2] =	sbarrier.arrive $0xFFFF  }
0x3a5: {  	p0 =	sne.s32 s0, $0x0;
	s0 =	rddreg [dreg:$0x3]  }
0x3a6: {  	s0 =	sadd.s32 @!p0 $0x100000, s0  }
0x3a7: {  	[sflag:s0] =	ssyncadd.tile.s32 @!p0 $0x1;
	_ =	shalt  }
.Lfunc_end2:
_tile_overlayer_lowered:
.L_overlay_start_2:
0x3a8: {  	(tag) =	ssettag $0x2  }
0x3a9: {  	s0 =	rddreg [dreg:$0x0];
	s2 =	stileid.u32  }
0x3aa: {  	s1 =	rddreg [dreg:$0x1];
	p0 =	sne.s32 s2, $0x0  }
0x3ab: {  	s3 =	rddreg [dreg:$0x2];
	[bflag:$0x3] =	sbarrier.arrive $0xFFFF;
	s2 =	simm.s32 @!p0 $0x1C07  }
0x3ac: {  	[timem:s3], [sflag:s2] =	dma.local @!p0 [hbm:s0], s1  }
0x3ad: {  	s0 =	simm.s32 @!p0 $0x7  }
0x3ae: {  	_ =	swait.ge @!p0 [sflag:s0], s1  }
0x3af: {  	s1 =	ssub.s32 @!p0 $0x0, s1;
	[sflag:s0] =	ssyncset.done @!p0 $0x0  }
0x3b0: {  	[sflag:s0] =	ssyncadd.s32 @!p0 s1  }
0x3b1: {  	[bflag:$0x3] =	sbarrier.arrive $0xFFFF  }
0x3b2: {  	_ =	shalt  }

</sc_bundles>
